<compile_context>
chip_gen: v7x
topology: tpu7x:2x2x1
jax: 0.10.2.dev20260603
libtpu: 0.0.44.dev20260713+nightly
codegen_flags: <defaults>
</compile_context>

<pallas_src>
import functools

import jax
import jax.numpy as jnp
from jax import lax
from jax.experimental import pallas as pl
from jax.experimental.pallas import tpu as pltpu
from jax.experimental.pallas import tpu_sc as plsc

_CH = 128



def _sc_mesh():
    return plsc.VectorSubcoreMesh(core_axis_name="c", subcore_axis_name="s")


def _deg_partials(eidx, ones_rows, zeros16, *, n, e):
    info = plsc.get_sparse_core_info()
    nc, ns = info.num_cores, info.num_subcores
    nchunks = e // _CH
    per_core = nchunks // nc
    per_sub = per_core // ns
    nextra = per_core - per_sub * ns
    rows_io = n // ns
    pipe = 4

    def body(eidx_hbm, ones_hbm, zeros_hbm, out_hbm, dstidx, exdst, onesbuf,
             acc, ssem):
        c = lax.axis_index("c")
        s = lax.axis_index("s")
        rs = s * rows_io
        cb = c * per_core + s * per_sub
        pltpu.sync_copy(ones_hbm, onesbuf)
        pltpu.sync_copy(eidx_hbm.at[pl.ds(cb, per_sub), 1], dstidx)
        pltpu.sync_copy(zeros_hbm.at[pl.ds(rs, rows_io)],
                        acc.at[pl.ds(rs, rows_io)])
        plsc.subcore_barrier()

        def step(k, carry):
            pltpu.async_copy(onesbuf, acc.at[dstidx.at[k]], ssem, add=True)

            @pl.when(k >= pipe)
            def _():
                pltpu.make_async_copy(
                    onesbuf, acc.at[dstidx.at[k]], ssem).wait()

            return carry

        lax.fori_loop(0, per_sub, step, 0)
        for j in range(pipe):
            pltpu.make_async_copy(onesbuf, acc.at[dstidx.at[j]], ssem).wait()

        @pl.when(s < nextra)
        def _():
            ex = c * per_core + ns * per_sub + s
            pltpu.sync_copy(eidx_hbm.at[ex, 1], exdst)
            pltpu.sync_copy(onesbuf, acc.at[exdst], add=True)

        plsc.subcore_barrier()
        pltpu.sync_copy(acc.at[pl.ds(rs, rows_io)],
                        out_hbm.at[pl.ds(rs, rows_io), pl.ds(c * 16, 16)])

    f = pl.kernel(
        body,
        out_type=jax.ShapeDtypeStruct((n, nc * 16), jnp.float32),
        mesh=_sc_mesh(),
        scratch_types=[
            pltpu.VMEM((per_sub, _CH), jnp.int32),
            pltpu.VMEM((_CH,), jnp.int32),
            pltpu.VMEM((_CH, 16), jnp.float32),
            pltpu.VMEM_SHARED((n, 16), jnp.float32),
            pltpu.SemaphoreType.DMA,
        ],
        compiler_params=pltpu.CompilerParams(use_tc_tiling_on_sc=False),
    )
    return f(eidx, ones_rows, zeros16)


def _edge_agg(vals, eidx, *, n, d, e, ch, S, G, I):
    info = plsc.get_sparse_core_info()
    nc, ns = info.num_cores, info.num_subcores
    nchunks = e // ch
    per_core = nchunks // nc
    per_sub = per_core // ns
    nextra = per_core - per_sub * ns
    nrounds = per_sub // S
    tail0 = nrounds * S
    rows_io = n // ns
    packed = nc * d <= 128

    def body(vals_hbm, eidx_hbm, out_hbm, eidx, exidx, rows, acc, isem, gsem,
             ssem):
        c = lax.axis_index("c")
        s = lax.axis_index("s")
        rs = s * rows_io
        cb = c * per_core + s * per_sub
        pltpu.sync_copy(vals_hbm.at[pl.ds(rs, rows_io)],
                        acc.at[pl.ds(rs, rows_io)])
        plsc.subcore_barrier()

        def fire_idx(k, j):
            pltpu.async_copy(eidx_hbm.at[cb + k], eidx.at[j], isem)

        def wait_idx(k, j):
            pltpu.make_async_copy(eidx_hbm.at[cb + k], eidx.at[j],
                                  isem).wait()

        def fire_g(j):
            pltpu.async_copy(vals_hbm.at[eidx.at[j, 0]], rows.at[j], gsem)

        def wait_g(j):
            pltpu.make_async_copy(vals_hbm.at[eidx.at[j, 0]], rows.at[j],
                                  gsem).wait()

        def fire_s(j):
            pltpu.async_copy(rows.at[j], acc.at[eidx.at[j, 1]], ssem,
                             add=True)

        def wait_s(j):
            pltpu.make_async_copy(rows.at[j], acc.at[eidx.at[j, 1]],
                                  ssem).wait()

        if nrounds > 0:
            for k0 in range(min(I, tail0)):
                fire_idx(k0, k0)
            for k0 in range(min(G, tail0)):
                wait_idx(k0, k0)
                fire_g(k0)

            def round_(g, carry):
                for b in range(S):
                    k = g * S + b

                    @pl.when(k + G < tail0)
                    def _():
                        wait_idx(k + G, (b + G) % S)
                        fire_g((b + G) % S)

                    wait_g(b)
                    fire_s(b)

                    @pl.when(k + I >= S)
                    def _():
                        wait_s((b + I) % S)

                    @pl.when(k + I < tail0)
                    def _():
                        fire_idx(k + I, (b + I) % S)

                return carry

            lax.fori_loop(0, nrounds, round_, 0)
            for t in range(min(S - I, tail0)):
                wait_s((tail0 - 1 - t) % S)

        def tail(k, carry):
            pltpu.sync_copy(eidx_hbm.at[cb + k], eidx.at[0])
            pltpu.async_copy(vals_hbm.at[eidx.at[0, 0]], rows.at[0],
                             gsem).wait()
            pltpu.sync_copy(rows.at[0], acc.at[eidx.at[0, 1]], add=True)
            return carry

        lax.fori_loop(tail0, per_sub, tail, 0)

        @pl.when(s < nextra)
        def _():
            ex = c * per_core + ns * per_sub + s
            pltpu.sync_copy(eidx_hbm.at[ex], exidx)
            pltpu.async_copy(vals_hbm.at[exidx.at[0]], rows.at[0],
                             gsem).wait()
            pltpu.sync_copy(rows.at[0], acc.at[exidx.at[1]], add=True)

        plsc.subcore_barrier()
        if packed:
            pltpu.sync_copy(acc.at[pl.ds(rs, rows_io)],
                            out_hbm.at[pl.ds(rs, rows_io), pl.ds(c * d, d)])
        else:
            pltpu.sync_copy(acc.at[pl.ds(rs, rows_io)],
                            out_hbm.at[c, pl.ds(rs, rows_io)])

    out_shape = ((n, nc * d) if packed else (nc, n, d))
    f = pl.kernel(
        body,
        out_type=jax.ShapeDtypeStruct(out_shape, jnp.float32),
        mesh=_sc_mesh(),
        scratch_types=[
            pltpu.VMEM((S, 2, ch), jnp.int32),
            pltpu.VMEM((2, ch), jnp.int32),
            pltpu.VMEM((S, ch, d), jnp.float32),
            pltpu.VMEM_SHARED((n, d), jnp.float32),
            pltpu.SemaphoreType.DMA,
            pltpu.SemaphoreType.DMA,
            pltpu.SemaphoreType.DMA,
        ],
        compiler_params=pltpu.CompilerParams(use_tc_tiling_on_sc=False),
    )
    return f(vals, eidx)



_BM = 2000


def _dinv_from_deg(deg_ref):
    deg = jnp.sum(deg_ref[...], axis=1) + 1.0
    return lax.rsqrt(deg)[:, None]


def _mm(x, w1, *, n, din, hid):
    def body(x_ref, w_ref, h_ref):
        h_ref[...] = jnp.dot(x_ref[...], w_ref[...],
                             preferred_element_type=jnp.float32)

    return pl.pallas_call(
        body,
        grid=(n // _BM,),
        in_specs=[
            pl.BlockSpec((_BM, din), lambda i: (i, 0)),
            pl.BlockSpec((din, hid), lambda i: (0, 0)),
        ],
        out_specs=pl.BlockSpec((_BM, hid), lambda i: (i, 0)),
        out_shape=jax.ShapeDtypeStruct((n, hid), jnp.float32),
    )(x, w1)


def _scale(h1, degp, *, n, hid):
    def body(h_ref, deg_ref, hs_ref):
        hs_ref[...] = h_ref[...] * _dinv_from_deg(deg_ref)

    return pl.pallas_call(
        body,
        grid=(n // _BM,),
        in_specs=[
            pl.BlockSpec((_BM, hid), lambda i: (i, 0)),
            pl.BlockSpec((_BM, 32), lambda i: (i, 0)),
        ],
        out_specs=pl.BlockSpec((_BM, hid), lambda i: (i, 0)),
        out_shape=jax.ShapeDtypeStruct((n, hid), jnp.float32),
    )(h1, degp)


def _mid(p, hs, eps, degp, w2a, w2b, b1, mean, lsd, *, n, hid, dout):
    def body(p_ref, hs_ref, eps_ref, deg_ref, w2a_ref, w2b_ref, b1_ref,
             mean_ref, lsd_ref, out_ref):
        dinv = _dinv_from_deg(deg_ref)
        agg = p_ref[0] + p_ref[1] - hs_ref[...]
        h = jnp.maximum(dinv * agg + b1_ref[...], 0.0)
        c = jnp.exp(lsd_ref[...]) * eps_ref[...] + mean_ref[...]
        g = (jnp.dot(h - c, w2a_ref[...], preferred_element_type=jnp.float32)
             + jnp.dot(c, w2b_ref[...], preferred_element_type=jnp.float32))
        out_ref[...] = g * dinv

    return pl.pallas_call(
        body,
        grid=(n // _BM,),
        in_specs=[
            pl.BlockSpec((2, _BM, hid), lambda i: (0, i, 0)),
            pl.BlockSpec((_BM, hid), lambda i: (i, 0)),
            pl.BlockSpec((_BM, hid), lambda i: (i, 0)),
            pl.BlockSpec((_BM, 32), lambda i: (i, 0)),
            pl.BlockSpec((hid, dout), lambda i: (0, 0)),
            pl.BlockSpec((hid, dout), lambda i: (0, 0)),
            pl.BlockSpec((1, hid), lambda i: (0, 0)),
            pl.BlockSpec((1, hid), lambda i: (0, 0)),
            pl.BlockSpec((1, hid), lambda i: (0, 0)),
        ],
        out_specs=pl.BlockSpec((_BM, dout), lambda i: (i, 0)),
        out_shape=jax.ShapeDtypeStruct((n, dout), jnp.float32),
    )(p, hs, eps, degp, w2a, w2b, b1, mean, lsd)


def _fin(q, gs, degp, b2, *, n, dout):
    def body(q_ref, gs_ref, deg_ref, b2_ref, out_ref):
        dinv = _dinv_from_deg(deg_ref)
        agg = q_ref[:, :dout] + q_ref[:, dout:] - gs_ref[...]
        out_ref[...] = dinv * agg + b2_ref[...]

    return pl.pallas_call(
        body,
        grid=(n // _BM,),
        in_specs=[
            pl.BlockSpec((_BM, 2 * dout), lambda i: (i, 0)),
            pl.BlockSpec((_BM, dout), lambda i: (i, 0)),
            pl.BlockSpec((_BM, 32), lambda i: (i, 0)),
            pl.BlockSpec((1, dout), lambda i: (0, 0)),
        ],
        out_specs=pl.BlockSpec((_BM, dout), lambda i: (i, 0)),
        out_shape=jax.ShapeDtypeStruct((n, dout), jnp.float32),
    )(q, gs, degp, b2)



def kernel(x, edge_index, W1, b1, mean, log_std_dev, W2, b2, epsilon):
    n, din = x.shape
    hid = W1.shape[1]
    dout = W2.shape[1]
    e = edge_index.shape[1]

    eidx = jnp.swapaxes(edge_index.reshape(2, e // _CH, _CH), 0, 1)
    ones_rows = jnp.full((_CH, 16), 1.0 / 16.0, dtype=jnp.float32)
    zeros16 = jnp.zeros((n, 16), dtype=jnp.float32)

    degp = _deg_partials(eidx, ones_rows, zeros16, n=n, e=e)
    h1 = _mm(x, W1, n=n, din=din, hid=hid)
    hs = _scale(h1, degp, n=n, hid=hid)
    p = _edge_agg(hs, eidx, n=n, d=hid, e=e, ch=_CH, S=3, G=1, I=2)
    gs = _mid(p, hs, epsilon, degp, W2[:hid], W2[hid:],
              b1.reshape(1, hid), mean.reshape(1, hid),
              log_std_dev.reshape(1, hid), n=n, hid=hid, dout=dout)
    q = _edge_agg(gs, eidx, n=n, d=dout, e=e, ch=_CH, S=6, G=2, I=3)
    return _fin(q, gs, degp, b2.reshape(1, dout), n=n, dout=dout)

# --- scband reference (transcript-rebuilt; emitter-appended) ---
"""Pipeline reference for scband-gcn-hidden-optim-anchored-29643864277071 (READ-ONLY COPY).

The authoritative reference and input builder live on the scoring server;
editing this copy changes nothing except your own understanding.
"""

import jax, jax.numpy as jnp
import numpy as np

N = 10000
E = 320000
D_IN = 128
HID = 128
D_OUT = 64


def setup_inputs(seed: int = 0) -> dict:
    key = jax.random.key(seed)
    ks = jax.random.split(key, 8)
    x = jax.random.normal(ks[0], (N, D_IN), dtype=jnp.float32)
    edge_index = jax.random.randint(ks[1], (2, E), 0, N, dtype=jnp.int32)
    W1 = jax.random.normal(ks[2], (D_IN, HID), dtype=jnp.float32) * (1.0 / np.sqrt(D_IN))
    b1 = jnp.zeros((HID,), dtype=jnp.float32)
    mean = jnp.zeros((HID,), dtype=jnp.float32) + 1e-06
    log_std_dev = jnp.zeros((HID,), dtype=jnp.float32) + 1e-06
    W2 = jax.random.normal(ks[3], (2 * HID, D_OUT), dtype=jnp.float32) * (1.0 / np.sqrt(2 * HID))
    b2 = jnp.zeros((D_OUT,), dtype=jnp.float32)
    epsilon = jax.random.normal(ks[4], (N, HID), dtype=jnp.float32)
    return {"x": x, "edge_index": edge_index, "W1": W1, "b1": b1, "mean": mean,
            "log_std_dev": log_std_dev, "W2": W2, "b2": b2, "epsilon": epsilon}


def gcn_conv(x, edge_index, W, b, num_nodes):
    # PyG-style GCNConv: add self-loops, symmetric normalization D^-1/2 (A+I) D^-1/2 X W + b
    loop = jnp.arange(num_nodes, dtype=edge_index.dtype)
    src = jnp.concatenate([edge_index[0], loop])
    dst = jnp.concatenate([edge_index[1], loop])
    deg = jnp.zeros((num_nodes,), dtype=x.dtype).at[dst].add(1.0)
    dinv = jnp.where(deg > 0, deg ** -0.5, 0.0)
    norm = dinv[src] * dinv[dst]
    h = x @ W
    msg = h[src] * norm[:, None]
    out = jnp.zeros((num_nodes, W.shape[1]), dtype=x.dtype).at[dst].add(msg)
    return out + b


def reference(x, edge_index, W1, b1, mean, log_std_dev, W2, b2, epsilon):
    h = gcn_conv(x, edge_index, W1, b1, N)
    h = jax.nn.relu(h)
    # dropout disabled (dropout=False)
    std_dev = jnp.exp(log_std_dev)
    c = std_dev * epsilon + mean
    h = jnp.concatenate([h - c, c], axis=1)
    out = gcn_conv(h, edge_index, W2, b2, N)
    return out

if __name__ == "__main__":
    import jax
    _d = setup_inputs()
    print(jax.jit(kernel)(*tuple(_d.values())))

</pallas_src>

<mosaic_0001>
#map = affine_map<(d0, d1) -> (0, 0, 0)>
#map1 = affine_map<(d0, d1) -> (0, 0)>
module attributes {stable_mosaic.version = 14 : i64} {
  func.func @body(%arg0: i32, %arg1: i32, %arg2: memref<2500x2x128xi32, #tpu.memory_space<hbm>>, %arg3: memref<128x16xf32, #tpu.memory_space<hbm>>, %arg4: memref<10000x16xf32, #tpu.memory_space<hbm>>, %arg5: memref<10000x32xf32, #tpu.memory_space<hbm>>, %arg6: memref<78x128xi32, #tpu.memory_space<vmem>>, %arg7: memref<128xi32, #tpu.memory_space<vmem>>, %arg8: memref<128x16xf32, #tpu.memory_space<vmem>>, %arg9: memref<10000x16xf32, #tpu.memory_space<vmem_shared>>, %arg10: memref<!tpu.dma_semaphore, #tpu.memory_space<semaphore_mem>>) attributes {dimension_semantics = [#tpu.dimension_semantics<core_parallel>, #tpu.dimension_semantics<subcore_parallel>], iteration_bounds = array<i64: 2, 16>, scalar_prefetch = 0 : i64, scratch_operands = 5 : i64, tpu.core_type = #tpu.core_type<sc_vector_subcore>, window_params = [{transform_indices = #map}, {transform_indices = #map1}, {transform_indices = #map1}, {transform_indices = #map1}]} {
    %mul3A = arith.constant 625 : i32
    %mul3A_0 = arith.muli %arg1, %mul3A : i32
    %mul3A_1 = arith.constant 1250 : i32
    %mul3A_2 = arith.muli %arg0, %mul3A_1 : i32
    %mul3A_3 = arith.constant 78 : i32
    %mul3A_4 = arith.muli %arg1, %mul3A_3 : i32
    %add3A = arith.addi %mul3A_2, %mul3A_4 : i32
    "tpu.region"() ({
      %run_scoped3A_42 = tpu.sem_alloc : memref<!tpu.dma_semaphore, #tpu.memory_space<semaphore_mem>>
      tpu.enqueue_dma source(%arg3 : memref<128x16xf32, #tpu.memory_space<hbm>>) target(%arg8 : memref<128x16xf32, #tpu.memory_space<vmem>>) target_semaphore(%run_scoped3A_42 : memref<!tpu.dma_semaphore, #tpu.memory_space<semaphore_mem>>)
      tpu.wait_dma2 semaphore(%run_scoped3A_42 : memref<!tpu.dma_semaphore, #tpu.memory_space<semaphore_mem>>) src(%arg3 : memref<128x16xf32, #tpu.memory_space<hbm>>) dst(%arg8 : memref<128x16xf32, #tpu.memory_space<vmem>>)
      tpu.yield
    }) : () -> ()
    %run_scoped3A = arith.constant 1 : i32
    "tpu.region"() ({
      %run_scoped3A_42 = tpu.sem_alloc : memref<!tpu.dma_semaphore, #tpu.memory_space<semaphore_mem>>
      %dma_start3A = arith.constant 0 : i32
      %dma_start3A_43 = tpu.memref_slice %arg2[%add3A, %run_scoped3A, %dma_start3A] : memref<2500x2x128xi32, #tpu.memory_space<hbm>> -> memref<78x1x128xi32, #tpu.memory_space<hbm>>
      %dma_start3A_44 = tpu.memref_squeeze %dma_start3A_43 : memref<78x1x128xi32, #tpu.memory_space<hbm>> -> memref<78x128xi32, #tpu.memory_space<hbm>>
      %dma_start3A_45 = arith.constant 0 : i32
      %dma_start3A_46 = tpu.memref_slice %arg2[%add3A, %run_scoped3A, %dma_start3A_45] : memref<2500x2x128xi32, #tpu.memory_space<hbm>> -> memref<78x1x128xi32, #tpu.memory_space<hbm>>
      %dma_start3A_47 = tpu.memref_squeeze %dma_start3A_46 : memref<78x1x128xi32, #tpu.memory_space<hbm>> -> memref<78x128xi32, #tpu.memory_space<hbm>>
      tpu.enqueue_dma source(%dma_start3A_47 : memref<78x128xi32, #tpu.memory_space<hbm>>) target(%arg6 : memref<78x128xi32, #tpu.memory_space<vmem>>) target_semaphore(%run_scoped3A_42 : memref<!tpu.dma_semaphore, #tpu.memory_space<semaphore_mem>>)
      %dma_wait3A_48 = arith.constant 0 : i32
      %dma_wait3A_49 = tpu.memref_slice %arg2[%add3A, %run_scoped3A, %dma_wait3A_48] : memref<2500x2x128xi32, #tpu.memory_space<hbm>> -> memref<78x1x128xi32, #tpu.memory_space<hbm>>
      %dma_wait3A_50 = tpu.memref_squeeze %dma_wait3A_49 : memref<78x1x128xi32, #tpu.memory_space<hbm>> -> memref<78x128xi32, #tpu.memory_space<hbm>>
      %dma_wait3A_51 = arith.constant 0 : i32
      %dma_wait3A_52 = tpu.memref_slice %arg2[%add3A, %run_scoped3A, %dma_wait3A_51] : memref<2500x2x128xi32, #tpu.memory_space<hbm>> -> memref<78x1x128xi32, #tpu.memory_space<hbm>>
      %dma_wait3A_53 = tpu.memref_squeeze %dma_wait3A_52 : memref<78x1x128xi32, #tpu.memory_space<hbm>> -> memref<78x128xi32, #tpu.memory_space<hbm>>
      tpu.wait_dma2 semaphore(%run_scoped3A_42 : memref<!tpu.dma_semaphore, #tpu.memory_space<semaphore_mem>>) src(%dma_wait3A_53 : memref<78x128xi32, #tpu.memory_space<hbm>>) dst(%arg6 : memref<78x128xi32, #tpu.memory_space<vmem>>)
      tpu.yield
    }) : () -> ()
    "tpu.region"() ({
      %run_scoped3A_42 = tpu.sem_alloc : memref<!tpu.dma_semaphore, #tpu.memory_space<semaphore_mem>>
      %dma_start3A = arith.constant 0 : i32
      %dma_start3A_43 = tpu.memref_slice %arg9[%mul3A_0, %dma_start3A] : memref<10000x16xf32, #tpu.memory_space<vmem_shared>> -> memref<625x16xf32, #tpu.memory_space<vmem_shared>>
      %dma_start3A_44 = arith.constant 0 : i32
      %dma_start3A_45 = tpu.memref_slice %arg4[%mul3A_0, %dma_start3A_44] : memref<10000x16xf32, #tpu.memory_space<hbm>> -> memref<625x16xf32, #tpu.memory_space<hbm>>
      tpu.enqueue_dma source(%dma_start3A_45 : memref<625x16xf32, #tpu.memory_space<hbm>>) target(%dma_start3A_43 : memref<625x16xf32, #tpu.memory_space<vmem_shared>>) target_semaphore(%run_scoped3A_42 : memref<!tpu.dma_semaphore, #tpu.memory_space<semaphore_mem>>)
      %dma_wait3A_46 = arith.constant 0 : i32
      %dma_wait3A_47 = tpu.memref_slice %arg9[%mul3A_0, %dma_wait3A_46] : memref<10000x16xf32, #tpu.memory_space<vmem_shared>> -> memref<625x16xf32, #tpu.memory_space<vmem_shared>>
      %dma_wait3A_48 = arith.constant 0 : i32
      %dma_wait3A_49 = tpu.memref_slice %arg4[%mul3A_0, %dma_wait3A_48] : memref<10000x16xf32, #tpu.memory_space<hbm>> -> memref<625x16xf32, #tpu.memory_space<hbm>>
      tpu.wait_dma2 semaphore(%run_scoped3A_42 : memref<!tpu.dma_semaphore, #tpu.memory_space<semaphore_mem>>) src(%dma_wait3A_49 : memref<625x16xf32, #tpu.memory_space<hbm>>) dst(%dma_wait3A_47 : memref<625x16xf32, #tpu.memory_space<vmem_shared>>)
      tpu.yield
    }) : () -> ()
    %barrier3A = arith.constant 0 : index
    tpu.barrier barrier_id(%barrier3A)
    %scan3A = arith.constant 0 : i32
    %scan3A_5 = arith.constant 0 : i32
    %scan3A_6 = arith.constant 78 : i32
    %scan3A_7 = arith.addi %scan3A_5, %scan3A_6 : i32
    %scan3A_8 = arith.constant 1 : i32
    scf.for %scan3A_42 = %scan3A_5 to %scan3A_7 step %scan3A_8  : i32 {
      %dma_start3A = arith.constant 0 : i32
      %dma_start3A_43 = tpu.memref_slice %arg6[%scan3A_42, %dma_start3A] : memref<78x128xi32, #tpu.memory_space<vmem>> -> memref<1x128xi32, #tpu.memory_space<vmem>>
      %dma_start3A_44 = tpu.memref_squeeze %dma_start3A_43 : memref<1x128xi32, #tpu.memory_space<vmem>> -> memref<128xi32, #tpu.memory_space<vmem>>
      %dma_start3A_45 = arith.constant 0 : i32
      %dma_start3A_46 = arith.constant 0 : i32
      %dma_start3A_47 = tpu.memref_slice %arg9[%dma_start3A_45, %dma_start3A_46] : memref<10000x16xf32, #tpu.memory_space<vmem_shared>> -> memref<10000x16xf32, #tpu.memory_space<vmem_shared>>
      tpu.enqueue_indirect_dma source(%arg8 : memref<128x16xf32, #tpu.memory_space<vmem>>) target(%dma_start3A_47 : memref<10000x16xf32, #tpu.memory_space<vmem_shared>>) offsets(%dma_start3A_44 : memref<128xi32, #tpu.memory_space<vmem>>) semaphore(%arg10 : memref<!tpu.dma_semaphore, #tpu.memory_space<semaphore_mem>>) {add = true}
      %ge3A = arith.constant 4 : i32
      %ge3A_48 = arith.cmpi sge, %scan3A_42, %ge3A : i32
      %convert_element_type3A_49 = arith.extui %ge3A_48 : i1 to i32
      %cond3A_50 = arith.constant 0 : i32
      %cond3A_51 = arith.cmpi ne, %convert_element_type3A_49, %cond3A_50 : i32
      scf.if %cond3A_51 {
        %dma_wait3A_52 = arith.constant 0 : i32
        %dma_wait3A_53 = tpu.memref_slice %arg6[%scan3A_42, %dma_wait3A_52] : memref<78x128xi32, #tpu.memory_space<vmem>> -> memref<1x128xi32, #tpu.memory_space<vmem>>
        %dma_wait3A_54 = tpu.memref_squeeze %dma_wait3A_53 : memref<1x128xi32, #tpu.memory_space<vmem>> -> memref<128xi32, #tpu.memory_space<vmem>>
        %dma_wait3A_55 = arith.constant 0 : i32
        %dma_wait3A_56 = arith.constant 0 : i32
        %dma_wait3A_57 = tpu.memref_slice %arg9[%dma_wait3A_55, %dma_wait3A_56] : memref<10000x16xf32, #tpu.memory_space<vmem_shared>> -> memref<10000x16xf32, #tpu.memory_space<vmem_shared>>
        tpu.wait_indirect_dma semaphore(%arg10 : memref<!tpu.dma_semaphore, #tpu.memory_space<semaphore_mem>>) src(%arg8 : memref<128x16xf32, #tpu.memory_space<vmem>>) dst(%dma_wait3A_57 : memref<10000x16xf32, #tpu.memory_space<vmem_shared>>)
      } else {
      }
    }
    %scan3A_9 = arith.constant 78 : i32
    %dma_wait3A = arith.constant 0 : i32
    %dma_wait3A_10 = arith.constant 0 : i32
    %dma_wait3A_11 = tpu.memref_slice %arg6[%dma_wait3A, %dma_wait3A_10] : memref<78x128xi32, #tpu.memory_space<vmem>> -> memref<1x128xi32, #tpu.memory_space<vmem>>
    %dma_wait3A_12 = tpu.memref_squeeze %dma_wait3A_11 : memref<1x128xi32, #tpu.memory_space<vmem>> -> memref<128xi32, #tpu.memory_space<vmem>>
    %dma_wait3A_13 = arith.constant 0 : i32
    %dma_wait3A_14 = arith.constant 0 : i32
    %dma_wait3A_15 = tpu.memref_slice %arg9[%dma_wait3A_13, %dma_wait3A_14] : memref<10000x16xf32, #tpu.memory_space<vmem_shared>> -> memref<10000x16xf32, #tpu.memory_space<vmem_shared>>
    tpu.wait_indirect_dma semaphore(%arg10 : memref<!tpu.dma_semaphore, #tpu.memory_space<semaphore_mem>>) src(%arg8 : memref<128x16xf32, #tpu.memory_space<vmem>>) dst(%dma_wait3A_15 : memref<10000x16xf32, #tpu.memory_space<vmem_shared>>)
    %dma_wait3A_16 = arith.constant 1 : i32
    %dma_wait3A_17 = arith.constant 0 : i32
    %dma_wait3A_18 = tpu.memref_slice %arg6[%dma_wait3A_16, %dma_wait3A_17] : memref<78x128xi32, #tpu.memory_space<vmem>> -> memref<1x128xi32, #tpu.memory_space<vmem>>
    %dma_wait3A_19 = tpu.memref_squeeze %dma_wait3A_18 : memref<1x128xi32, #tpu.memory_space<vmem>> -> memref<128xi32, #tpu.memory_space<vmem>>
    %dma_wait3A_20 = arith.constant 0 : i32
    %dma_wait3A_21 = arith.constant 0 : i32
    %dma_wait3A_22 = tpu.memref_slice %arg9[%dma_wait3A_20, %dma_wait3A_21] : memref<10000x16xf32, #tpu.memory_space<vmem_shared>> -> memref<10000x16xf32, #tpu.memory_space<vmem_shared>>
    tpu.wait_indirect_dma semaphore(%arg10 : memref<!tpu.dma_semaphore, #tpu.memory_space<semaphore_mem>>) src(%arg8 : memref<128x16xf32, #tpu.memory_space<vmem>>) dst(%dma_wait3A_22 : memref<10000x16xf32, #tpu.memory_space<vmem_shared>>)
    %dma_wait3A_23 = arith.constant 2 : i32
    %dma_wait3A_24 = arith.constant 0 : i32
    %dma_wait3A_25 = tpu.memref_slice %arg6[%dma_wait3A_23, %dma_wait3A_24] : memref<78x128xi32, #tpu.memory_space<vmem>> -> memref<1x128xi32, #tpu.memory_space<vmem>>
    %dma_wait3A_26 = tpu.memref_squeeze %dma_wait3A_25 : memref<1x128xi32, #tpu.memory_space<vmem>> -> memref<128xi32, #tpu.memory_space<vmem>>
    %dma_wait3A_27 = arith.constant 0 : i32
    %dma_wait3A_28 = arith.constant 0 : i32
    %dma_wait3A_29 = tpu.memref_slice %arg9[%dma_wait3A_27, %dma_wait3A_28] : memref<10000x16xf32, #tpu.memory_space<vmem_shared>> -> memref<10000x16xf32, #tpu.memory_space<vmem_shared>>
    tpu.wait_indirect_dma semaphore(%arg10 : memref<!tpu.dma_semaphore, #tpu.memory_space<semaphore_mem>>) src(%arg8 : memref<128x16xf32, #tpu.memory_space<vmem>>) dst(%dma_wait3A_29 : memref<10000x16xf32, #tpu.memory_space<vmem_shared>>)
    %dma_wait3A_30 = arith.constant 3 : i32
    %dma_wait3A_31 = arith.constant 0 : i32
    %dma_wait3A_32 = tpu.memref_slice %arg6[%dma_wait3A_30, %dma_wait3A_31] : memref<78x128xi32, #tpu.memory_space<vmem>> -> memref<1x128xi32, #tpu.memory_space<vmem>>
    %dma_wait3A_33 = tpu.memref_squeeze %dma_wait3A_32 : memref<1x128xi32, #tpu.memory_space<vmem>> -> memref<128xi32, #tpu.memory_space<vmem>>
    %dma_wait3A_34 = arith.constant 0 : i32
    %dma_wait3A_35 = arith.constant 0 : i32
    %dma_wait3A_36 = tpu.memref_slice %arg9[%dma_wait3A_34, %dma_wait3A_35] : memref<10000x16xf32, #tpu.memory_space<vmem_shared>> -> memref<10000x16xf32, #tpu.memory_space<vmem_shared>>
    tpu.wait_indirect_dma semaphore(%arg10 : memref<!tpu.dma_semaphore, #tpu.memory_space<semaphore_mem>>) src(%arg8 : memref<128x16xf32, #tpu.memory_space<vmem>>) dst(%dma_wait3A_36 : memref<10000x16xf32, #tpu.memory_space<vmem_shared>>)
    %lt3A = arith.constant 2 : i32
    %lt3A_37 = arith.cmpi slt, %arg1, %lt3A : i32
    %convert_element_type3A = arith.extui %lt3A_37 : i1 to i32
    %cond3A = arith.constant 0 : i32
    %cond3A_38 = arith.cmpi ne, %convert_element_type3A, %cond3A : i32
    scf.if %cond3A_38 {
      %mul3A_42 = arith.constant 1250 : i32
      %mul3A_43 = arith.muli %arg0, %mul3A_42 : i32
      %add3A_44 = arith.constant 1248 : i32
      %add3A_45 = arith.addi %mul3A_43, %add3A_44 : i32
      %add3A_46 = arith.addi %add3A_45, %arg1 : i32
      %run_scoped3A_47 = arith.constant 1 : i32
      "tpu.region"() ({
        %run_scoped3A_48 = tpu.sem_alloc : memref<!tpu.dma_semaphore, #tpu.memory_space<semaphore_mem>>
        %dma_start3A = arith.constant 0 : i32
        %dma_start3A_49 = tpu.memref_slice %arg2[%add3A_46, %run_scoped3A_47, %dma_start3A] : memref<2500x2x128xi32, #tpu.memory_space<hbm>> -> memref<1x1x128xi32, #tpu.memory_space<hbm>>
        %dma_start3A_50 = tpu.memref_squeeze %dma_start3A_49 : memref<1x1x128xi32, #tpu.memory_space<hbm>> -> memref<128xi32, #tpu.memory_space<hbm>>
        %dma_start3A_51 = arith.constant 0 : i32
        %dma_start3A_52 = tpu.memref_slice %arg2[%add3A_46, %run_scoped3A_47, %dma_start3A_51] : memref<2500x2x128xi32, #tpu.memory_space<hbm>> -> memref<1x1x128xi32, #tpu.memory_space<hbm>>
        %dma_start3A_53 = tpu.memref_squeeze %dma_start3A_52 : memref<1x1x128xi32, #tpu.memory_space<hbm>> -> memref<128xi32, #tpu.memory_space<hbm>>
        tpu.enqueue_dma source(%dma_start3A_53 : memref<128xi32, #tpu.memory_space<hbm>>) target(%arg7 : memref<128xi32, #tpu.memory_space<vmem>>) target_semaphore(%run_scoped3A_48 : memref<!tpu.dma_semaphore, #tpu.memory_space<semaphore_mem>>)
        %dma_wait3A_54 = arith.constant 0 : i32
        %dma_wait3A_55 = tpu.memref_slice %arg2[%add3A_46, %run_scoped3A_47, %dma_wait3A_54] : memref<2500x2x128xi32, #tpu.memory_space<hbm>> -> memref<1x1x128xi32, #tpu.memory_space<hbm>>
        %dma_wait3A_56 = tpu.memref_squeeze %dma_wait3A_55 : memref<1x1x128xi32, #tpu.memory_space<hbm>> -> memref<128xi32, #tpu.memory_space<hbm>>
        %dma_wait3A_57 = arith.constant 0 : i32
        %dma_wait3A_58 = tpu.memref_slice %arg2[%add3A_46, %run_scoped3A_47, %dma_wait3A_57] : memref<2500x2x128xi32, #tpu.memory_space<hbm>> -> memref<1x1x128xi32, #tpu.memory_space<hbm>>
        %dma_wait3A_59 = tpu.memref_squeeze %dma_wait3A_58 : memref<1x1x128xi32, #tpu.memory_space<hbm>> -> memref<128xi32, #tpu.memory_space<hbm>>
        tpu.wait_dma2 semaphore(%run_scoped3A_48 : memref<!tpu.dma_semaphore, #tpu.memory_space<semaphore_mem>>) src(%dma_wait3A_59 : memref<128xi32, #tpu.memory_space<hbm>>) dst(%arg7 : memref<128xi32, #tpu.memory_space<vmem>>)
        tpu.yield
      }) : () -> ()
      "tpu.region"() ({
        %run_scoped3A_48 = tpu.sem_alloc : memref<!tpu.dma_semaphore, #tpu.memory_space<semaphore_mem>>
        %dma_start3A = arith.constant 0 : i32
        %dma_start3A_49 = arith.constant 0 : i32
        %dma_start3A_50 = tpu.memref_slice %arg9[%dma_start3A, %dma_start3A_49] : memref<10000x16xf32, #tpu.memory_space<vmem_shared>> -> memref<10000x16xf32, #tpu.memory_space<vmem_shared>>
        tpu.enqueue_indirect_dma source(%arg8 : memref<128x16xf32, #tpu.memory_space<vmem>>) target(%dma_start3A_50 : memref<10000x16xf32, #tpu.memory_space<vmem_shared>>) offsets(%arg7 : memref<128xi32, #tpu.memory_space<vmem>>) semaphore(%run_scoped3A_48 : memref<!tpu.dma_semaphore, #tpu.memory_space<semaphore_mem>>) {add = true}
        %dma_wait3A_51 = arith.constant 0 : i32
        %dma_wait3A_52 = arith.constant 0 : i32
        %dma_wait3A_53 = tpu.memref_slice %arg9[%dma_wait3A_51, %dma_wait3A_52] : memref<10000x16xf32, #tpu.memory_space<vmem_shared>> -> memref<10000x16xf32, #tpu.memory_space<vmem_shared>>
        tpu.wait_indirect_dma semaphore(%run_scoped3A_48 : memref<!tpu.dma_semaphore, #tpu.memory_space<semaphore_mem>>) src(%arg8 : memref<128x16xf32, #tpu.memory_space<vmem>>) dst(%dma_wait3A_53 : memref<10000x16xf32, #tpu.memory_space<vmem_shared>>)
        tpu.yield
      }) : () -> ()
    } else {
    }
    %barrier3A_39 = arith.constant 0 : index
    tpu.barrier barrier_id(%barrier3A_39)
    %mul3A_40 = arith.constant 16 : i32
    %mul3A_41 = arith.muli %arg0, %mul3A_40 : i32
    "tpu.region"() ({
      %run_scoped3A_42 = tpu.sem_alloc : memref<!tpu.dma_semaphore, #tpu.memory_space<semaphore_mem>>
      %dma_start3A = tpu.memref_slice %arg5[%mul3A_0, %mul3A_41] : memref<10000x32xf32, #tpu.memory_space<hbm>> -> memref<625x16xf32, #tpu.memory_space<hbm>>
      %dma_start3A_43 = arith.constant 0 : i32
      %dma_start3A_44 = tpu.memref_slice %arg9[%mul3A_0, %dma_start3A_43] : memref<10000x16xf32, #tpu.memory_space<vmem_shared>> -> memref<625x16xf32, #tpu.memory_space<vmem_shared>>
      tpu.enqueue_dma source(%dma_start3A_44 : memref<625x16xf32, #tpu.memory_space<vmem_shared>>) target(%dma_start3A : memref<625x16xf32, #tpu.memory_space<hbm>>) target_semaphore(%run_scoped3A_42 : memref<!tpu.dma_semaphore, #tpu.memory_space<semaphore_mem>>)
      %dma_wait3A_45 = tpu.memref_slice %arg5[%mul3A_0, %mul3A_41] : memref<10000x32xf32, #tpu.memory_space<hbm>> -> memref<625x16xf32, #tpu.memory_space<hbm>>
      %dma_wait3A_46 = arith.constant 0 : i32
      %dma_wait3A_47 = tpu.memref_slice %arg9[%mul3A_0, %dma_wait3A_46] : memref<10000x16xf32, #tpu.memory_space<vmem_shared>> -> memref<625x16xf32, #tpu.memory_space<vmem_shared>>
      tpu.wait_dma2 semaphore(%run_scoped3A_42 : memref<!tpu.dma_semaphore, #tpu.memory_space<semaphore_mem>>) src(%dma_wait3A_47 : memref<625x16xf32, #tpu.memory_space<vmem_shared>>) dst(%dma_wait3A_45 : memref<625x16xf32, #tpu.memory_space<hbm>>)
      tpu.yield
    }) : () -> ()
    return
  }
}

#map = affine_map<(d0, d1) -> (0, 0)>
#map1 = affine_map<(d0, d1) -> (0, 0, 0)>
module attributes {stable_mosaic.version = 14 : i64} {
  func.func @body(%arg0: i32, %arg1: i32, %arg2: memref<10000x64xf32, #tpu.memory_space<hbm>>, %arg3: memref<2500x2x128xi32, #tpu.memory_space<hbm>>, %arg4: memref<10000x128xf32, #tpu.memory_space<hbm>>, %arg5: memref<6x2x128xi32, #tpu.memory_space<vmem>>, %arg6: memref<2x128xi32, #tpu.memory_space<vmem>>, %arg7: memref<6x128x64xf32, #tpu.memory_space<vmem>>, %arg8: memref<10000x64xf32, #tpu.memory_space<vmem_shared>>, %arg9: memref<!tpu.dma_semaphore, #tpu.memory_space<semaphore_mem>>, %arg10: memref<!tpu.dma_semaphore, #tpu.memory_space<semaphore_mem>>, %arg11: memref<!tpu.dma_semaphore, #tpu.memory_space<semaphore_mem>>) attributes {dimension_semantics = [#tpu.dimension_semantics<core_parallel>, #tpu.dimension_semantics<subcore_parallel>], iteration_bounds = array<i64: 2, 16>, scalar_prefetch = 0 : i64, scratch_operands = 7 : i64, tpu.core_type = #tpu.core_type<sc_vector_subcore>, window_params = [{transform_indices = #map}, {transform_indices = #map1}, {transform_indices = #map}]} {
    %mul3A = arith.constant 625 : i32
    %mul3A_0 = arith.muli %arg1, %mul3A : i32
    %mul3A_1 = arith.constant 1250 : i32
    %mul3A_2 = arith.muli %arg0, %mul3A_1 : i32
    %mul3A_3 = arith.constant 78 : i32
    %mul3A_4 = arith.muli %arg1, %mul3A_3 : i32
    %add3A = arith.addi %mul3A_2, %mul3A_4 : i32
    "tpu.region"() ({
      %run_scoped3A = tpu.sem_alloc : memref<!tpu.dma_semaphore, #tpu.memory_space<semaphore_mem>>
      %dma_start3A_178 = arith.constant 0 : i32
      %dma_start3A_179 = tpu.memref_slice %arg8[%mul3A_0, %dma_start3A_178] : memref<10000x64xf32, #tpu.memory_space<vmem_shared>> -> memref<625x64xf32, #tpu.memory_space<vmem_shared>>
      %dma_start3A_180 = arith.constant 0 : i32
      %dma_start3A_181 = tpu.memref_slice %arg2[%mul3A_0, %dma_start3A_180] : memref<10000x64xf32, #tpu.memory_space<hbm>> -> memref<625x64xf32, #tpu.memory_space<hbm>>
      tpu.enqueue_dma source(%dma_start3A_181 : memref<625x64xf32, #tpu.memory_space<hbm>>) target(%dma_start3A_179 : memref<625x64xf32, #tpu.memory_space<vmem_shared>>) target_semaphore(%run_scoped3A : memref<!tpu.dma_semaphore, #tpu.memory_space<semaphore_mem>>)
      %dma_wait3A_182 = arith.constant 0 : i32
      %dma_wait3A_183 = tpu.memref_slice %arg8[%mul3A_0, %dma_wait3A_182] : memref<10000x64xf32, #tpu.memory_space<vmem_shared>> -> memref<625x64xf32, #tpu.memory_space<vmem_shared>>
      %dma_wait3A_184 = arith.constant 0 : i32
      %dma_wait3A_185 = tpu.memref_slice %arg2[%mul3A_0, %dma_wait3A_184] : memref<10000x64xf32, #tpu.memory_space<hbm>> -> memref<625x64xf32, #tpu.memory_space<hbm>>
      tpu.wait_dma2 semaphore(%run_scoped3A : memref<!tpu.dma_semaphore, #tpu.memory_space<semaphore_mem>>) src(%dma_wait3A_185 : memref<625x64xf32, #tpu.memory_space<hbm>>) dst(%dma_wait3A_183 : memref<625x64xf32, #tpu.memory_space<vmem_shared>>)
      tpu.yield
    }) : () -> ()
    %barrier3A = arith.constant 0 : index
    tpu.barrier barrier_id(%barrier3A)
    %add3A_5 = arith.constant 0 : i32
    %add3A_6 = arith.addi %add3A, %add3A_5 : i32
    %dma_start3A = arith.constant 0 : i32
    %dma_start3A_7 = arith.constant 0 : i32
    %dma_start3A_8 = arith.constant 0 : i32
    %dma_start3A_9 = tpu.memref_slice %arg5[%dma_start3A, %dma_start3A_7, %dma_start3A_8] : memref<6x2x128xi32, #tpu.memory_space<vmem>> -> memref<1x2x128xi32, #tpu.memory_space<vmem>>
    %dma_start3A_10 = tpu.memref_squeeze %dma_start3A_9 : memref<1x2x128xi32, #tpu.memory_space<vmem>> -> memref<2x128xi32, #tpu.memory_space<vmem>>
    %dma_start3A_11 = arith.constant 0 : i32
    %dma_start3A_12 = arith.constant 0 : i32
    %dma_start3A_13 = tpu.memref_slice %arg3[%add3A_6, %dma_start3A_11, %dma_start3A_12] : memref<2500x2x128xi32, #tpu.memory_space<hbm>> -> memref<1x2x128xi32, #tpu.memory_space<hbm>>
    %dma_start3A_14 = tpu.memref_squeeze %dma_start3A_13 : memref<1x2x128xi32, #tpu.memory_space<hbm>> -> memref<2x128xi32, #tpu.memory_space<hbm>>
    %dma_start3A_15 = arith.constant 0 : i32
    %dma_start3A_16 = arith.constant 0 : i32
    %dma_start3A_17 = tpu.memref_slice %arg5[%dma_start3A, %dma_start3A_15, %dma_start3A_16] : memref<6x2x128xi32, #tpu.memory_space<vmem>> -> memref<1x2x128xi32, #tpu.memory_space<vmem>>
    %dma_start3A_18 = tpu.memref_squeeze %dma_start3A_17 : memref<1x2x128xi32, #tpu.memory_space<vmem>> -> memref<2x128xi32, #tpu.memory_space<vmem>>
    %dma_start3A_19 = arith.constant 0 : i32
    %dma_start3A_20 = arith.constant 0 : i32
    %dma_start3A_21 = tpu.memref_slice %arg3[%add3A_6, %dma_start3A_19, %dma_start3A_20] : memref<2500x2x128xi32, #tpu.memory_space<hbm>> -> memref<1x2x128xi32, #tpu.memory_space<hbm>>
    %dma_start3A_22 = tpu.memref_squeeze %dma_start3A_21 : memref<1x2x128xi32, #tpu.memory_space<hbm>> -> memref<2x128xi32, #tpu.memory_space<hbm>>
    tpu.enqueue_dma source(%dma_start3A_22 : memref<2x128xi32, #tpu.memory_space<hbm>>) target(%dma_start3A_18 : memref<2x128xi32, #tpu.memory_space<vmem>>) target_semaphore(%arg9 : memref<!tpu.dma_semaphore, #tpu.memory_space<semaphore_mem>>)
    %add3A_23 = arith.constant 1 : i32
    %add3A_24 = arith.addi %add3A, %add3A_23 : i32
    %dma_start3A_25 = arith.constant 1 : i32
    %dma_start3A_26 = arith.constant 0 : i32
    %dma_start3A_27 = arith.constant 0 : i32
    %dma_start3A_28 = tpu.memref_slice %arg5[%dma_start3A_25, %dma_start3A_26, %dma_start3A_27] : memref<6x2x128xi32, #tpu.memory_space<vmem>> -> memref<1x2x128xi32, #tpu.memory_space<vmem>>
    %dma_start3A_29 = tpu.memref_squeeze %dma_start3A_28 : memref<1x2x128xi32, #tpu.memory_space<vmem>> -> memref<2x128xi32, #tpu.memory_space<vmem>>
    %dma_start3A_30 = arith.constant 0 : i32
    %dma_start3A_31 = arith.constant 0 : i32
    %dma_start3A_32 = tpu.memref_slice %arg3[%add3A_24, %dma_start3A_30, %dma_start3A_31] : memref<2500x2x128xi32, #tpu.memory_space<hbm>> -> memref<1x2x128xi32, #tpu.memory_space<hbm>>
    %dma_start3A_33 = tpu.memref_squeeze %dma_start3A_32 : memref<1x2x128xi32, #tpu.memory_space<hbm>> -> memref<2x128xi32, #tpu.memory_space<hbm>>
    %dma_start3A_34 = arith.constant 0 : i32
    %dma_start3A_35 = arith.constant 0 : i32
    %dma_start3A_36 = tpu.memref_slice %arg5[%dma_start3A_25, %dma_start3A_34, %dma_start3A_35] : memref<6x2x128xi32, #tpu.memory_space<vmem>> -> memref<1x2x128xi32, #tpu.memory_space<vmem>>
    %dma_start3A_37 = tpu.memref_squeeze %dma_start3A_36 : memref<1x2x128xi32, #tpu.memory_space<vmem>> -> memref<2x128xi32, #tpu.memory_space<vmem>>
    %dma_start3A_38 = arith.constant 0 : i32
    %dma_start3A_39 = arith.constant 0 : i32
    %dma_start3A_40 = tpu.memref_slice %arg3[%add3A_24, %dma_start3A_38, %dma_start3A_39] : memref<2500x2x128xi32, #tpu.memory_space<hbm>> -> memref<1x2x128xi32, #tpu.memory_space<hbm>>
    %dma_start3A_41 = tpu.memref_squeeze %dma_start3A_40 : memref<1x2x128xi32, #tpu.memory_space<hbm>> -> memref<2x128xi32, #tpu.memory_space<hbm>>
    tpu.enqueue_dma source(%dma_start3A_41 : memref<2x128xi32, #tpu.memory_space<hbm>>) target(%dma_start3A_37 : memref<2x128xi32, #tpu.memory_space<vmem>>) target_semaphore(%arg9 : memref<!tpu.dma_semaphore, #tpu.memory_space<semaphore_mem>>)
    %add3A_42 = arith.constant 2 : i32
    %add3A_43 = arith.addi %add3A, %add3A_42 : i32
    %dma_start3A_44 = arith.constant 2 : i32
    %dma_start3A_45 = arith.constant 0 : i32
    %dma_start3A_46 = arith.constant 0 : i32
    %dma_start3A_47 = tpu.memref_slice %arg5[%dma_start3A_44, %dma_start3A_45, %dma_start3A_46] : memref<6x2x128xi32, #tpu.memory_space<vmem>> -> memref<1x2x128xi32, #tpu.memory_space<vmem>>
    %dma_start3A_48 = tpu.memref_squeeze %dma_start3A_47 : memref<1x2x128xi32, #tpu.memory_space<vmem>> -> memref<2x128xi32, #tpu.memory_space<vmem>>
    %dma_start3A_49 = arith.constant 0 : i32
    %dma_start3A_50 = arith.constant 0 : i32
    %dma_start3A_51 = tpu.memref_slice %arg3[%add3A_43, %dma_start3A_49, %dma_start3A_50] : memref<2500x2x128xi32, #tpu.memory_space<hbm>> -> memref<1x2x128xi32, #tpu.memory_space<hbm>>
    %dma_start3A_52 = tpu.memref_squeeze %dma_start3A_51 : memref<1x2x128xi32, #tpu.memory_space<hbm>> -> memref<2x128xi32, #tpu.memory_space<hbm>>
    %dma_start3A_53 = arith.constant 0 : i32
    %dma_start3A_54 = arith.constant 0 : i32
    %dma_start3A_55 = tpu.memref_slice %arg5[%dma_start3A_44, %dma_start3A_53, %dma_start3A_54] : memref<6x2x128xi32, #tpu.memory_space<vmem>> -> memref<1x2x128xi32, #tpu.memory_space<vmem>>
    %dma_start3A_56 = tpu.memref_squeeze %dma_start3A_55 : memref<1x2x128xi32, #tpu.memory_space<vmem>> -> memref<2x128xi32, #tpu.memory_space<vmem>>
    %dma_start3A_57 = arith.constant 0 : i32
    %dma_start3A_58 = arith.constant 0 : i32
    %dma_start3A_59 = tpu.memref_slice %arg3[%add3A_43, %dma_start3A_57, %dma_start3A_58] : memref<2500x2x128xi32, #tpu.memory_space<hbm>> -> memref<1x2x128xi32, #tpu.memory_space<hbm>>
    %dma_start3A_60 = tpu.memref_squeeze %dma_start3A_59 : memref<1x2x128xi32, #tpu.memory_space<hbm>> -> memref<2x128xi32, #tpu.memory_space<hbm>>
    tpu.enqueue_dma source(%dma_start3A_60 : memref<2x128xi32, #tpu.memory_space<hbm>>) target(%dma_start3A_56 : memref<2x128xi32, #tpu.memory_space<vmem>>) target_semaphore(%arg9 : memref<!tpu.dma_semaphore, #tpu.memory_space<semaphore_mem>>)
    %add3A_61 = arith.constant 0 : i32
    %add3A_62 = arith.addi %add3A, %add3A_61 : i32
    %dma_wait3A = arith.constant 0 : i32
    %dma_wait3A_63 = arith.constant 0 : i32
    %dma_wait3A_64 = arith.constant 0 : i32
    %dma_wait3A_65 = tpu.memref_slice %arg5[%dma_wait3A, %dma_wait3A_63, %dma_wait3A_64] : memref<6x2x128xi32, #tpu.memory_space<vmem>> -> memref<1x2x128xi32, #tpu.memory_space<vmem>>
    %dma_wait3A_66 = tpu.memref_squeeze %dma_wait3A_65 : memref<1x2x128xi32, #tpu.memory_space<vmem>> -> memref<2x128xi32, #tpu.memory_space<vmem>>
    %dma_wait3A_67 = arith.constant 0 : i32
    %dma_wait3A_68 = arith.constant 0 : i32
    %dma_wait3A_69 = tpu.memref_slice %arg3[%add3A_62, %dma_wait3A_67, %dma_wait3A_68] : memref<2500x2x128xi32, #tpu.memory_space<hbm>> -> memref<1x2x128xi32, #tpu.memory_space<hbm>>
    %dma_wait3A_70 = tpu.memref_squeeze %dma_wait3A_69 : memref<1x2x128xi32, #tpu.memory_space<hbm>> -> memref<2x128xi32, #tpu.memory_space<hbm>>
    %dma_wait3A_71 = arith.constant 0 : i32
    %dma_wait3A_72 = arith.constant 0 : i32
    %dma_wait3A_73 = tpu.memref_slice %arg5[%dma_wait3A, %dma_wait3A_71, %dma_wait3A_72] : memref<6x2x128xi32, #tpu.memory_space<vmem>> -> memref<1x2x128xi32, #tpu.memory_space<vmem>>
    %dma_wait3A_74 = tpu.memref_squeeze %dma_wait3A_73 : memref<1x2x128xi32, #tpu.memory_space<vmem>> -> memref<2x128xi32, #tpu.memory_space<vmem>>
    %dma_wait3A_75 = arith.constant 0 : i32
    %dma_wait3A_76 = arith.constant 0 : i32
    %dma_wait3A_77 = tpu.memref_slice %arg3[%add3A_62, %dma_wait3A_75, %dma_wait3A_76] : memref<2500x2x128xi32, #tpu.memory_space<hbm>> -> memref<1x2x128xi32, #tpu.memory_space<hbm>>
    %dma_wait3A_78 = tpu.memref_squeeze %dma_wait3A_77 : memref<1x2x128xi32, #tpu.memory_space<hbm>> -> memref<2x128xi32, #tpu.memory_space<hbm>>
    tpu.wait_dma2 semaphore(%arg9 : memref<!tpu.dma_semaphore, #tpu.memory_space<semaphore_mem>>) src(%dma_wait3A_78 : memref<2x128xi32, #tpu.memory_space<hbm>>) dst(%dma_wait3A_74 : memref<2x128xi32, #tpu.memory_space<vmem>>)
    %dma_start3A_79 = arith.constant 0 : i32
    %dma_start3A_80 = arith.constant 0 : i32
    %dma_start3A_81 = arith.constant 0 : i32
    %dma_start3A_82 = arith.constant 0 : i32
    %dma_start3A_83 = arith.constant 0 : i32
    %dma_start3A_84 = tpu.memref_slice %arg7[%dma_start3A_81, %dma_start3A_82, %dma_start3A_83] : memref<6x128x64xf32, #tpu.memory_space<vmem>> -> memref<1x128x64xf32, #tpu.memory_space<vmem>>
    %dma_start3A_85 = tpu.memref_squeeze %dma_start3A_84 : memref<1x128x64xf32, #tpu.memory_space<vmem>> -> memref<128x64xf32, #tpu.memory_space<vmem>>
    %dma_start3A_86 = arith.constant 0 : i32
    %dma_start3A_87 = tpu.memref_slice %arg5[%dma_start3A_79, %dma_start3A_80, %dma_start3A_86] : memref<6x2x128xi32, #tpu.memory_space<vmem>> -> memref<1x1x128xi32, #tpu.memory_space<vmem>>
    %dma_start3A_88 = tpu.memref_squeeze %dma_start3A_87 : memref<1x1x128xi32, #tpu.memory_space<vmem>> -> memref<128xi32, #tpu.memory_space<vmem>>
    %dma_start3A_89 = arith.constant 0 : i32
    %dma_start3A_90 = arith.constant 0 : i32
    %dma_start3A_91 = tpu.memref_slice %arg2[%dma_start3A_89, %dma_start3A_90] : memref<10000x64xf32, #tpu.memory_space<hbm>> -> memref<10000x64xf32, #tpu.memory_space<hbm>>
    tpu.enqueue_indirect_dma source(%dma_start3A_91 : memref<10000x64xf32, #tpu.memory_space<hbm>>) target(%dma_start3A_85 : memref<128x64xf32, #tpu.memory_space<vmem>>) offsets(%dma_start3A_88 : memref<128xi32, #tpu.memory_space<vmem>>) semaphore(%arg10 : memref<!tpu.dma_semaphore, #tpu.memory_space<semaphore_mem>>)
    %add3A_92 = arith.constant 1 : i32
    %add3A_93 = arith.addi %add3A, %add3A_92 : i32
    %dma_wait3A_94 = arith.constant 1 : i32
    %dma_wait3A_95 = arith.constant 0 : i32
    %dma_wait3A_96 = arith.constant 0 : i32
    %dma_wait3A_97 = tpu.memref_slice %arg5[%dma_wait3A_94, %dma_wait3A_95, %dma_wait3A_96] : memref<6x2x128xi32, #tpu.memory_space<vmem>> -> memref<1x2x128xi32, #tpu.memory_space<vmem>>
    %dma_wait3A_98 = tpu.memref_squeeze %dma_wait3A_97 : memref<1x2x128xi32, #tpu.memory_space<vmem>> -> memref<2x128xi32, #tpu.memory_space<vmem>>
    %dma_wait3A_99 = arith.constant 0 : i32
    %dma_wait3A_100 = arith.constant 0 : i32
    %dma_wait3A_101 = tpu.memref_slice %arg3[%add3A_93, %dma_wait3A_99, %dma_wait3A_100] : memref<2500x2x128xi32, #tpu.memory_space<hbm>> -> memref<1x2x128xi32, #tpu.memory_space<hbm>>
    %dma_wait3A_102 = tpu.memref_squeeze %dma_wait3A_101 : memref<1x2x128xi32, #tpu.memory_space<hbm>> -> memref<2x128xi32, #tpu.memory_space<hbm>>
    %dma_wait3A_103 = arith.constant 0 : i32
    %dma_wait3A_104 = arith.constant 0 : i32
    %dma_wait3A_105 = tpu.memref_slice %arg5[%dma_wait3A_94, %dma_wait3A_103, %dma_wait3A_104] : memref<6x2x128xi32, #tpu.memory_space<vmem>> -> memref<1x2x128xi32, #tpu.memory_space<vmem>>
    %dma_wait3A_106 = tpu.memref_squeeze %dma_wait3A_105 : memref<1x2x128xi32, #tpu.memory_space<vmem>> -> memref<2x128xi32, #tpu.memory_space<vmem>>
    %dma_wait3A_107 = arith.constant 0 : i32
    %dma_wait3A_108 = arith.constant 0 : i32
    %dma_wait3A_109 = tpu.memref_slice %arg3[%add3A_93, %dma_wait3A_107, %dma_wait3A_108] : memref<2500x2x128xi32, #tpu.memory_space<hbm>> -> memref<1x2x128xi32, #tpu.memory_space<hbm>>
    %dma_wait3A_110 = tpu.memref_squeeze %dma_wait3A_109 : memref<1x2x128xi32, #tpu.memory_space<hbm>> -> memref<2x128xi32, #tpu.memory_space<hbm>>
    tpu.wait_dma2 semaphore(%arg9 : memref<!tpu.dma_semaphore, #tpu.memory_space<semaphore_mem>>) src(%dma_wait3A_110 : memref<2x128xi32, #tpu.memory_space<hbm>>) dst(%dma_wait3A_106 : memref<2x128xi32, #tpu.memory_space<vmem>>)
    %dma_start3A_111 = arith.constant 1 : i32
    %dma_start3A_112 = arith.constant 0 : i32
    %dma_start3A_113 = arith.constant 1 : i32
    %dma_start3A_114 = arith.constant 0 : i32
    %dma_start3A_115 = arith.constant 0 : i32
    %dma_start3A_116 = tpu.memref_slice %arg7[%dma_start3A_113, %dma_start3A_114, %dma_start3A_115] : memref<6x128x64xf32, #tpu.memory_space<vmem>> -> memref<1x128x64xf32, #tpu.memory_space<vmem>>
    %dma_start3A_117 = tpu.memref_squeeze %dma_start3A_116 : memref<1x128x64xf32, #tpu.memory_space<vmem>> -> memref<128x64xf32, #tpu.memory_space<vmem>>
    %dma_start3A_118 = arith.constant 0 : i32
    %dma_start3A_119 = tpu.memref_slice %arg5[%dma_start3A_111, %dma_start3A_112, %dma_start3A_118] : memref<6x2x128xi32, #tpu.memory_space<vmem>> -> memref<1x1x128xi32, #tpu.memory_space<vmem>>
    %dma_start3A_120 = tpu.memref_squeeze %dma_start3A_119 : memref<1x1x128xi32, #tpu.memory_space<vmem>> -> memref<128xi32, #tpu.memory_space<vmem>>
    %dma_start3A_121 = arith.constant 0 : i32
    %dma_start3A_122 = arith.constant 0 : i32
    %dma_start3A_123 = tpu.memref_slice %arg2[%dma_start3A_121, %dma_start3A_122] : memref<10000x64xf32, #tpu.memory_space<hbm>> -> memref<10000x64xf32, #tpu.memory_space<hbm>>
    tpu.enqueue_indirect_dma source(%dma_start3A_123 : memref<10000x64xf32, #tpu.memory_space<hbm>>) target(%dma_start3A_117 : memref<128x64xf32, #tpu.memory_space<vmem>>) offsets(%dma_start3A_120 : memref<128xi32, #tpu.memory_space<vmem>>) semaphore(%arg10 : memref<!tpu.dma_semaphore, #tpu.memory_space<semaphore_mem>>)
    %scan3A = arith.constant 0 : i32
    %scan3A_124 = arith.constant 0 : i32
    %scan3A_125 = arith.constant 13 : i32
    %scan3A_126 = arith.addi %scan3A_124, %scan3A_125 : i32
    %scan3A_127 = arith.constant 1 : i32
    scf.for %scan3A_178 = %scan3A_124 to %scan3A_126 step %scan3A_127  : i32 {
      %mul3A_179 = arith.constant 6 : i32
      %mul3A_180 = arith.muli %scan3A_178, %mul3A_179 : i32
      %add3A_181 = arith.constant 0 : i32
      %add3A_182 = arith.addi %mul3A_180, %add3A_181 : i32
      %add3A_183 = arith.constant 2 : i32
      %add3A_184 = arith.addi %add3A_182, %add3A_183 : i32
      %lt3A_185 = arith.constant 78 : i32
      %lt3A_186 = arith.cmpi slt, %add3A_184, %lt3A_185 : i32
      %convert_element_type3A_187 = arith.extui %lt3A_186 : i1 to i32
      %cond3A_188 = arith.constant 0 : i32
      %cond3A_189 = arith.cmpi ne, %convert_element_type3A_187, %cond3A_188 : i32
      scf.if %cond3A_189 {
        %add3A_484 = arith.constant 2 : i32
        %add3A_485 = arith.addi %add3A_182, %add3A_484 : i32
        %add3A_486 = arith.addi %add3A, %add3A_485 : i32
        %dma_wait3A_487 = arith.constant 2 : i32
        %dma_wait3A_488 = arith.constant 0 : i32
        %dma_wait3A_489 = arith.constant 0 : i32
        %dma_wait3A_490 = tpu.memref_slice %arg5[%dma_wait3A_487, %dma_wait3A_488, %dma_wait3A_489] : memref<6x2x128xi32, #tpu.memory_space<vmem>> -> memref<1x2x128xi32, #tpu.memory_space<vmem>>
        %dma_wait3A_491 = tpu.memref_squeeze %dma_wait3A_490 : memref<1x2x128xi32, #tpu.memory_space<vmem>> -> memref<2x128xi32, #tpu.memory_space<vmem>>
        %dma_wait3A_492 = arith.constant 0 : i32
        %dma_wait3A_493 = arith.constant 0 : i32
        %dma_wait3A_494 = tpu.memref_slice %arg3[%add3A_486, %dma_wait3A_492, %dma_wait3A_493] : memref<2500x2x128xi32, #tpu.memory_space<hbm>> -> memref<1x2x128xi32, #tpu.memory_space<hbm>>
        %dma_wait3A_495 = tpu.memref_squeeze %dma_wait3A_494 : memref<1x2x128xi32, #tpu.memory_space<hbm>> -> memref<2x128xi32, #tpu.memory_space<hbm>>
        %dma_wait3A_496 = arith.constant 0 : i32
        %dma_wait3A_497 = arith.constant 0 : i32
        %dma_wait3A_498 = tpu.memref_slice %arg5[%dma_wait3A_487, %dma_wait3A_496, %dma_wait3A_497] : memref<6x2x128xi32, #tpu.memory_space<vmem>> -> memref<1x2x128xi32, #tpu.memory_space<vmem>>
        %dma_wait3A_499 = tpu.memref_squeeze %dma_wait3A_498 : memref<1x2x128xi32, #tpu.memory_space<vmem>> -> memref<2x128xi32, #tpu.memory_space<vmem>>
        %dma_wait3A_500 = arith.constant 0 : i32
        %dma_wait3A_501 = arith.constant 0 : i32
        %dma_wait3A_502 = tpu.memref_slice %arg3[%add3A_486, %dma_wait3A_500, %dma_wait3A_501] : memref<2500x2x128xi32, #tpu.memory_space<hbm>> -> memref<1x2x128xi32, #tpu.memory_space<hbm>>
        %dma_wait3A_503 = tpu.memref_squeeze %dma_wait3A_502 : memref<1x2x128xi32, #tpu.memory_space<hbm>> -> memref<2x128xi32, #tpu.memory_space<hbm>>
        tpu.wait_dma2 semaphore(%arg9 : memref<!tpu.dma_semaphore, #tpu.memory_space<semaphore_mem>>) src(%dma_wait3A_503 : memref<2x128xi32, #tpu.memory_space<hbm>>) dst(%dma_wait3A_499 : memref<2x128xi32, #tpu.memory_space<vmem>>)
        %dma_start3A_504 = arith.constant 2 : i32
        %dma_start3A_505 = arith.constant 0 : i32
        %dma_start3A_506 = arith.constant 2 : i32
        %dma_start3A_507 = arith.constant 0 : i32
        %dma_start3A_508 = arith.constant 0 : i32
        %dma_start3A_509 = tpu.memref_slice %arg7[%dma_start3A_506, %dma_start3A_507, %dma_start3A_508] : memref<6x128x64xf32, #tpu.memory_space<vmem>> -> memref<1x128x64xf32, #tpu.memory_space<vmem>>
        %dma_start3A_510 = tpu.memref_squeeze %dma_start3A_509 : memref<1x128x64xf32, #tpu.memory_space<vmem>> -> memref<128x64xf32, #tpu.memory_space<vmem>>
        %dma_start3A_511 = arith.constant 0 : i32
        %dma_start3A_512 = tpu.memref_slice %arg5[%dma_start3A_504, %dma_start3A_505, %dma_start3A_511] : memref<6x2x128xi32, #tpu.memory_space<vmem>> -> memref<1x1x128xi32, #tpu.memory_space<vmem>>
        %dma_start3A_513 = tpu.memref_squeeze %dma_start3A_512 : memref<1x1x128xi32, #tpu.memory_space<vmem>> -> memref<128xi32, #tpu.memory_space<vmem>>
        %dma_start3A_514 = arith.constant 0 : i32
        %dma_start3A_515 = arith.constant 0 : i32
        %dma_start3A_516 = tpu.memref_slice %arg2[%dma_start3A_514, %dma_start3A_515] : memref<10000x64xf32, #tpu.memory_space<hbm>> -> memref<10000x64xf32, #tpu.memory_space<hbm>>
        tpu.enqueue_indirect_dma source(%dma_start3A_516 : memref<10000x64xf32, #tpu.memory_space<hbm>>) target(%dma_start3A_510 : memref<128x64xf32, #tpu.memory_space<vmem>>) offsets(%dma_start3A_513 : memref<128xi32, #tpu.memory_space<vmem>>) semaphore(%arg10 : memref<!tpu.dma_semaphore, #tpu.memory_space<semaphore_mem>>)
      } else {
      }
      %dma_wait3A_190 = arith.constant 0 : i32
      %dma_wait3A_191 = arith.constant 0 : i32
      %dma_wait3A_192 = arith.constant 0 : i32
      %dma_wait3A_193 = arith.constant 0 : i32
      %dma_wait3A_194 = arith.constant 0 : i32
      %dma_wait3A_195 = tpu.memref_slice %arg7[%dma_wait3A_192, %dma_wait3A_193, %dma_wait3A_194] : memref<6x128x64xf32, #tpu.memory_space<vmem>> -> memref<1x128x64xf32, #tpu.memory_space<vmem>>
      %dma_wait3A_196 = tpu.memref_squeeze %dma_wait3A_195 : memref<1x128x64xf32, #tpu.memory_space<vmem>> -> memref<128x64xf32, #tpu.memory_space<vmem>>
      %dma_wait3A_197 = arith.constant 0 : i32
      %dma_wait3A_198 = tpu.memref_slice %arg5[%dma_wait3A_190, %dma_wait3A_191, %dma_wait3A_197] : memref<6x2x128xi32, #tpu.memory_space<vmem>> -> memref<1x1x128xi32, #tpu.memory_space<vmem>>
      %dma_wait3A_199 = tpu.memref_squeeze %dma_wait3A_198 : memref<1x1x128xi32, #tpu.memory_space<vmem>> -> memref<128xi32, #tpu.memory_space<vmem>>
      %dma_wait3A_200 = arith.constant 0 : i32
      %dma_wait3A_201 = arith.constant 0 : i32
      %dma_wait3A_202 = tpu.memref_slice %arg2[%dma_wait3A_200, %dma_wait3A_201] : memref<10000x64xf32, #tpu.memory_space<hbm>> -> memref<10000x64xf32, #tpu.memory_space<hbm>>
      tpu.wait_indirect_dma semaphore(%arg10 : memref<!tpu.dma_semaphore, #tpu.memory_space<semaphore_mem>>) src(%dma_wait3A_202 : memref<10000x64xf32, #tpu.memory_space<hbm>>) dst(%dma_wait3A_196 : memref<128x64xf32, #tpu.memory_space<vmem>>)
      %dma_start3A_203 = arith.constant 0 : i32
      %dma_start3A_204 = arith.constant 0 : i32
      %dma_start3A_205 = arith.constant 1 : i32
      %dma_start3A_206 = arith.constant 0 : i32
      %dma_start3A_207 = arith.constant 0 : i32
      %dma_start3A_208 = tpu.memref_slice %arg7[%dma_start3A_203, %dma_start3A_206, %dma_start3A_207] : memref<6x128x64xf32, #tpu.memory_space<vmem>> -> memref<1x128x64xf32, #tpu.memory_space<vmem>>
      %dma_start3A_209 = tpu.memref_squeeze %dma_start3A_208 : memref<1x128x64xf32, #tpu.memory_space<vmem>> -> memref<128x64xf32, #tpu.memory_space<vmem>>
      %dma_start3A_210 = arith.constant 0 : i32
      %dma_start3A_211 = tpu.memref_slice %arg5[%dma_start3A_204, %dma_start3A_205, %dma_start3A_210] : memref<6x2x128xi32, #tpu.memory_space<vmem>> -> memref<1x1x128xi32, #tpu.memory_space<vmem>>
      %dma_start3A_212 = tpu.memref_squeeze %dma_start3A_211 : memref<1x1x128xi32, #tpu.memory_space<vmem>> -> memref<128xi32, #tpu.memory_space<vmem>>
      %dma_start3A_213 = arith.constant 0 : i32
      %dma_start3A_214 = arith.constant 0 : i32
      %dma_start3A_215 = tpu.memref_slice %arg8[%dma_start3A_213, %dma_start3A_214] : memref<10000x64xf32, #tpu.memory_space<vmem_shared>> -> memref<10000x64xf32, #tpu.memory_space<vmem_shared>>
      tpu.enqueue_indirect_dma source(%dma_start3A_209 : memref<128x64xf32, #tpu.memory_space<vmem>>) target(%dma_start3A_215 : memref<10000x64xf32, #tpu.memory_space<vmem_shared>>) offsets(%dma_start3A_212 : memref<128xi32, #tpu.memory_space<vmem>>) semaphore(%arg11 : memref<!tpu.dma_semaphore, #tpu.memory_space<semaphore_mem>>) {add = true}
      %add3A_216 = arith.constant 3 : i32
      %add3A_217 = arith.addi %add3A_182, %add3A_216 : i32
      %ge3A = arith.constant 6 : i32
      %ge3A_218 = arith.cmpi sge, %add3A_217, %ge3A : i32
      %convert_element_type3A_219 = arith.extui %ge3A_218 : i1 to i32
      %cond3A_220 = arith.constant 0 : i32
      %cond3A_221 = arith.cmpi ne, %convert_element_type3A_219, %cond3A_220 : i32
      scf.if %cond3A_221 {
        %dma_wait3A_484 = arith.constant 3 : i32
        %dma_wait3A_485 = arith.constant 3 : i32
        %dma_wait3A_486 = arith.constant 1 : i32
        %dma_wait3A_487 = arith.constant 0 : i32
        %dma_wait3A_488 = arith.constant 0 : i32
        %dma_wait3A_489 = tpu.memref_slice %arg7[%dma_wait3A_484, %dma_wait3A_487, %dma_wait3A_488] : memref<6x128x64xf32, #tpu.memory_space<vmem>> -> memref<1x128x64xf32, #tpu.memory_space<vmem>>
        %dma_wait3A_490 = tpu.memref_squeeze %dma_wait3A_489 : memref<1x128x64xf32, #tpu.memory_space<vmem>> -> memref<128x64xf32, #tpu.memory_space<vmem>>
        %dma_wait3A_491 = arith.constant 0 : i32
        %dma_wait3A_492 = tpu.memref_slice %arg5[%dma_wait3A_485, %dma_wait3A_486, %dma_wait3A_491] : memref<6x2x128xi32, #tpu.memory_space<vmem>> -> memref<1x1x128xi32, #tpu.memory_space<vmem>>
        %dma_wait3A_493 = tpu.memref_squeeze %dma_wait3A_492 : memref<1x1x128xi32, #tpu.memory_space<vmem>> -> memref<128xi32, #tpu.memory_space<vmem>>
        %dma_wait3A_494 = arith.constant 0 : i32
        %dma_wait3A_495 = arith.constant 0 : i32
        %dma_wait3A_496 = tpu.memref_slice %arg8[%dma_wait3A_494, %dma_wait3A_495] : memref<10000x64xf32, #tpu.memory_space<vmem_shared>> -> memref<10000x64xf32, #tpu.memory_space<vmem_shared>>
        tpu.wait_indirect_dma semaphore(%arg11 : memref<!tpu.dma_semaphore, #tpu.memory_space<semaphore_mem>>) src(%dma_wait3A_490 : memref<128x64xf32, #tpu.memory_space<vmem>>) dst(%dma_wait3A_496 : memref<10000x64xf32, #tpu.memory_space<vmem_shared>>)
      } else {
      }
      %add3A_222 = arith.constant 3 : i32
      %add3A_223 = arith.addi %add3A_182, %add3A_222 : i32
      %lt3A_224 = arith.constant 78 : i32
      %lt3A_225 = arith.cmpi slt, %add3A_223, %lt3A_224 : i32
      %convert_element_type3A_226 = arith.extui %lt3A_225 : i1 to i32
      %cond3A_227 = arith.constant 0 : i32
      %cond3A_228 = arith.cmpi ne, %convert_element_type3A_226, %cond3A_227 : i32
      scf.if %cond3A_228 {
        %add3A_484 = arith.constant 3 : i32
        %add3A_485 = arith.addi %add3A_182, %add3A_484 : i32
        %add3A_486 = arith.addi %add3A, %add3A_485 : i32
        %dma_start3A_487 = arith.constant 3 : i32
        %dma_start3A_488 = arith.constant 0 : i32
        %dma_start3A_489 = arith.constant 0 : i32
        %dma_start3A_490 = tpu.memref_slice %arg5[%dma_start3A_487, %dma_start3A_488, %dma_start3A_489] : memref<6x2x128xi32, #tpu.memory_space<vmem>> -> memref<1x2x128xi32, #tpu.memory_space<vmem>>
        %dma_start3A_491 = tpu.memref_squeeze %dma_start3A_490 : memref<1x2x128xi32, #tpu.memory_space<vmem>> -> memref<2x128xi32, #tpu.memory_space<vmem>>
        %dma_start3A_492 = arith.constant 0 : i32
        %dma_start3A_493 = arith.constant 0 : i32
        %dma_start3A_494 = tpu.memref_slice %arg3[%add3A_486, %dma_start3A_492, %dma_start3A_493] : memref<2500x2x128xi32, #tpu.memory_space<hbm>> -> memref<1x2x128xi32, #tpu.memory_space<hbm>>
        %dma_start3A_495 = tpu.memref_squeeze %dma_start3A_494 : memref<1x2x128xi32, #tpu.memory_space<hbm>> -> memref<2x128xi32, #tpu.memory_space<hbm>>
        %dma_start3A_496 = arith.constant 0 : i32
        %dma_start3A_497 = arith.constant 0 : i32
        %dma_start3A_498 = tpu.memref_slice %arg5[%dma_start3A_487, %dma_start3A_496, %dma_start3A_497] : memref<6x2x128xi32, #tpu.memory_space<vmem>> -> memref<1x2x128xi32, #tpu.memory_space<vmem>>
        %dma_start3A_499 = tpu.memref_squeeze %dma_start3A_498 : memref<1x2x128xi32, #tpu.memory_space<vmem>> -> memref<2x128xi32, #tpu.memory_space<vmem>>
        %dma_start3A_500 = arith.constant 0 : i32
        %dma_start3A_501 = arith.constant 0 : i32
        %dma_start3A_502 = tpu.memref_slice %arg3[%add3A_486, %dma_start3A_500, %dma_start3A_501] : memref<2500x2x128xi32, #tpu.memory_space<hbm>> -> memref<1x2x128xi32, #tpu.memory_space<hbm>>
        %dma_start3A_503 = tpu.memref_squeeze %dma_start3A_502 : memref<1x2x128xi32, #tpu.memory_space<hbm>> -> memref<2x128xi32, #tpu.memory_space<hbm>>
        tpu.enqueue_dma source(%dma_start3A_503 : memref<2x128xi32, #tpu.memory_space<hbm>>) target(%dma_start3A_499 : memref<2x128xi32, #tpu.memory_space<vmem>>) target_semaphore(%arg9 : memref<!tpu.dma_semaphore, #tpu.memory_space<semaphore_mem>>)
      } else {
      }
      %mul3A_229 = arith.constant 6 : i32
      %mul3A_230 = arith.muli %scan3A_178, %mul3A_229 : i32
      %add3A_231 = arith.constant 1 : i32
      %add3A_232 = arith.addi %mul3A_230, %add3A_231 : i32
      %add3A_233 = arith.constant 2 : i32
      %add3A_234 = arith.addi %add3A_232, %add3A_233 : i32
      %lt3A_235 = arith.constant 78 : i32
      %lt3A_236 = arith.cmpi slt, %add3A_234, %lt3A_235 : i32
      %convert_element_type3A_237 = arith.extui %lt3A_236 : i1 to i32
      %cond3A_238 = arith.constant 0 : i32
      %cond3A_239 = arith.cmpi ne, %convert_element_type3A_237, %cond3A_238 : i32
      scf.if %cond3A_239 {
        %add3A_484 = arith.constant 2 : i32
        %add3A_485 = arith.addi %add3A_232, %add3A_484 : i32
        %add3A_486 = arith.addi %add3A, %add3A_485 : i32
        %dma_wait3A_487 = arith.constant 3 : i32
        %dma_wait3A_488 = arith.constant 0 : i32
        %dma_wait3A_489 = arith.constant 0 : i32
        %dma_wait3A_490 = tpu.memref_slice %arg5[%dma_wait3A_487, %dma_wait3A_488, %dma_wait3A_489] : memref<6x2x128xi32, #tpu.memory_space<vmem>> -> memref<1x2x128xi32, #tpu.memory_space<vmem>>
        %dma_wait3A_491 = tpu.memref_squeeze %dma_wait3A_490 : memref<1x2x128xi32, #tpu.memory_space<vmem>> -> memref<2x128xi32, #tpu.memory_space<vmem>>
        %dma_wait3A_492 = arith.constant 0 : i32
        %dma_wait3A_493 = arith.constant 0 : i32
        %dma_wait3A_494 = tpu.memref_slice %arg3[%add3A_486, %dma_wait3A_492, %dma_wait3A_493] : memref<2500x2x128xi32, #tpu.memory_space<hbm>> -> memref<1x2x128xi32, #tpu.memory_space<hbm>>
        %dma_wait3A_495 = tpu.memref_squeeze %dma_wait3A_494 : memref<1x2x128xi32, #tpu.memory_space<hbm>> -> memref<2x128xi32, #tpu.memory_space<hbm>>
        %dma_wait3A_496 = arith.constant 0 : i32
        %dma_wait3A_497 = arith.constant 0 : i32
        %dma_wait3A_498 = tpu.memref_slice %arg5[%dma_wait3A_487, %dma_wait3A_496, %dma_wait3A_497] : memref<6x2x128xi32, #tpu.memory_space<vmem>> -> memref<1x2x128xi32, #tpu.memory_space<vmem>>
        %dma_wait3A_499 = tpu.memref_squeeze %dma_wait3A_498 : memref<1x2x128xi32, #tpu.memory_space<vmem>> -> memref<2x128xi32, #tpu.memory_space<vmem>>
        %dma_wait3A_500 = arith.constant 0 : i32
        %dma_wait3A_501 = arith.constant 0 : i32
        %dma_wait3A_502 = tpu.memref_slice %arg3[%add3A_486, %dma_wait3A_500, %dma_wait3A_501] : memref<2500x2x128xi32, #tpu.memory_space<hbm>> -> memref<1x2x128xi32, #tpu.memory_space<hbm>>
        %dma_wait3A_503 = tpu.memref_squeeze %dma_wait3A_502 : memref<1x2x128xi32, #tpu.memory_space<hbm>> -> memref<2x128xi32, #tpu.memory_space<hbm>>
        tpu.wait_dma2 semaphore(%arg9 : memref<!tpu.dma_semaphore, #tpu.memory_space<semaphore_mem>>) src(%dma_wait3A_503 : memref<2x128xi32, #tpu.memory_space<hbm>>) dst(%dma_wait3A_499 : memref<2x128xi32, #tpu.memory_space<vmem>>)
        %dma_start3A_504 = arith.constant 3 : i32
        %dma_start3A_505 = arith.constant 0 : i32
        %dma_start3A_506 = arith.constant 3 : i32
        %dma_start3A_507 = arith.constant 0 : i32
        %dma_start3A_508 = arith.constant 0 : i32
        %dma_start3A_509 = tpu.memref_slice %arg7[%dma_start3A_506, %dma_start3A_507, %dma_start3A_508] : memref<6x128x64xf32, #tpu.memory_space<vmem>> -> memref<1x128x64xf32, #tpu.memory_space<vmem>>
        %dma_start3A_510 = tpu.memref_squeeze %dma_start3A_509 : memref<1x128x64xf32, #tpu.memory_space<vmem>> -> memref<128x64xf32, #tpu.memory_space<vmem>>
        %dma_start3A_511 = arith.constant 0 : i32
        %dma_start3A_512 = tpu.memref_slice %arg5[%dma_start3A_504, %dma_start3A_505, %dma_start3A_511] : memref<6x2x128xi32, #tpu.memory_space<vmem>> -> memref<1x1x128xi32, #tpu.memory_space<vmem>>
        %dma_start3A_513 = tpu.memref_squeeze %dma_start3A_512 : memref<1x1x128xi32, #tpu.memory_space<vmem>> -> memref<128xi32, #tpu.memory_space<vmem>>
        %dma_start3A_514 = arith.constant 0 : i32
        %dma_start3A_515 = arith.constant 0 : i32
        %dma_start3A_516 = tpu.memref_slice %arg2[%dma_start3A_514, %dma_start3A_515] : memref<10000x64xf32, #tpu.memory_space<hbm>> -> memref<10000x64xf32, #tpu.memory_space<hbm>>
        tpu.enqueue_indirect_dma source(%dma_start3A_516 : memref<10000x64xf32, #tpu.memory_space<hbm>>) target(%dma_start3A_510 : memref<128x64xf32, #tpu.memory_space<vmem>>) offsets(%dma_start3A_513 : memref<128xi32, #tpu.memory_space<vmem>>) semaphore(%arg10 : memref<!tpu.dma_semaphore, #tpu.memory_space<semaphore_mem>>)
      } else {
      }
      %dma_wait3A_240 = arith.constant 1 : i32
      %dma_wait3A_241 = arith.constant 0 : i32
      %dma_wait3A_242 = arith.constant 1 : i32
      %dma_wait3A_243 = arith.constant 0 : i32
      %dma_wait3A_244 = arith.constant 0 : i32
      %dma_wait3A_245 = tpu.memref_slice %arg7[%dma_wait3A_242, %dma_wait3A_243, %dma_wait3A_244] : memref<6x128x64xf32, #tpu.memory_space<vmem>> -> memref<1x128x64xf32, #tpu.memory_space<vmem>>
      %dma_wait3A_246 = tpu.memref_squeeze %dma_wait3A_245 : memref<1x128x64xf32, #tpu.memory_space<vmem>> -> memref<128x64xf32, #tpu.memory_space<vmem>>
      %dma_wait3A_247 = arith.constant 0 : i32
      %dma_wait3A_248 = tpu.memref_slice %arg5[%dma_wait3A_240, %dma_wait3A_241, %dma_wait3A_247] : memref<6x2x128xi32, #tpu.memory_space<vmem>> -> memref<1x1x128xi32, #tpu.memory_space<vmem>>
      %dma_wait3A_249 = tpu.memref_squeeze %dma_wait3A_248 : memref<1x1x128xi32, #tpu.memory_space<vmem>> -> memref<128xi32, #tpu.memory_space<vmem>>
      %dma_wait3A_250 = arith.constant 0 : i32
      %dma_wait3A_251 = arith.constant 0 : i32
      %dma_wait3A_252 = tpu.memref_slice %arg2[%dma_wait3A_250, %dma_wait3A_251] : memref<10000x64xf32, #tpu.memory_space<hbm>> -> memref<10000x64xf32, #tpu.memory_space<hbm>>
      tpu.wait_indirect_dma semaphore(%arg10 : memref<!tpu.dma_semaphore, #tpu.memory_space<semaphore_mem>>) src(%dma_wait3A_252 : memref<10000x64xf32, #tpu.memory_space<hbm>>) dst(%dma_wait3A_246 : memref<128x64xf32, #tpu.memory_space<vmem>>)
      %dma_start3A_253 = arith.constant 1 : i32
      %dma_start3A_254 = arith.constant 1 : i32
      %dma_start3A_255 = arith.constant 1 : i32
      %dma_start3A_256 = arith.constant 0 : i32
      %dma_start3A_257 = arith.constant 0 : i32
      %dma_start3A_258 = tpu.memref_slice %arg7[%dma_start3A_253, %dma_start3A_256, %dma_start3A_257] : memref<6x128x64xf32, #tpu.memory_space<vmem>> -> memref<1x128x64xf32, #tpu.memory_space<vmem>>
      %dma_start3A_259 = tpu.memref_squeeze %dma_start3A_258 : memref<1x128x64xf32, #tpu.memory_space<vmem>> -> memref<128x64xf32, #tpu.memory_space<vmem>>
      %dma_start3A_260 = arith.constant 0 : i32
      %dma_start3A_261 = tpu.memref_slice %arg5[%dma_start3A_254, %dma_start3A_255, %dma_start3A_260] : memref<6x2x128xi32, #tpu.memory_space<vmem>> -> memref<1x1x128xi32, #tpu.memory_space<vmem>>
      %dma_start3A_262 = tpu.memref_squeeze %dma_start3A_261 : memref<1x1x128xi32, #tpu.memory_space<vmem>> -> memref<128xi32, #tpu.memory_space<vmem>>
      %dma_start3A_263 = arith.constant 0 : i32
      %dma_start3A_264 = arith.constant 0 : i32
      %dma_start3A_265 = tpu.memref_slice %arg8[%dma_start3A_263, %dma_start3A_264] : memref<10000x64xf32, #tpu.memory_space<vmem_shared>> -> memref<10000x64xf32, #tpu.memory_space<vmem_shared>>
      tpu.enqueue_indirect_dma source(%dma_start3A_259 : memref<128x64xf32, #tpu.memory_space<vmem>>) target(%dma_start3A_265 : memref<10000x64xf32, #tpu.memory_space<vmem_shared>>) offsets(%dma_start3A_262 : memref<128xi32, #tpu.memory_space<vmem>>) semaphore(%arg11 : memref<!tpu.dma_semaphore, #tpu.memory_space<semaphore_mem>>) {add = true}
      %add3A_266 = arith.constant 3 : i32
      %add3A_267 = arith.addi %add3A_232, %add3A_266 : i32
      %ge3A_268 = arith.constant 6 : i32
      %ge3A_269 = arith.cmpi sge, %add3A_267, %ge3A_268 : i32
      %convert_element_type3A_270 = arith.extui %ge3A_269 : i1 to i32
      %cond3A_271 = arith.constant 0 : i32
      %cond3A_272 = arith.cmpi ne, %convert_element_type3A_270, %cond3A_271 : i32
      scf.if %cond3A_272 {
        %dma_wait3A_484 = arith.constant 4 : i32
        %dma_wait3A_485 = arith.constant 4 : i32
        %dma_wait3A_486 = arith.constant 1 : i32
        %dma_wait3A_487 = arith.constant 0 : i32
        %dma_wait3A_488 = arith.constant 0 : i32
        %dma_wait3A_489 = tpu.memref_slice %arg7[%dma_wait3A_484, %dma_wait3A_487, %dma_wait3A_488] : memref<6x128x64xf32, #tpu.memory_space<vmem>> -> memref<1x128x64xf32, #tpu.memory_space<vmem>>
        %dma_wait3A_490 = tpu.memref_squeeze %dma_wait3A_489 : memref<1x128x64xf32, #tpu.memory_space<vmem>> -> memref<128x64xf32, #tpu.memory_space<vmem>>
        %dma_wait3A_491 = arith.constant 0 : i32
        %dma_wait3A_492 = tpu.memref_slice %arg5[%dma_wait3A_485, %dma_wait3A_486, %dma_wait3A_491] : memref<6x2x128xi32, #tpu.memory_space<vmem>> -> memref<1x1x128xi32, #tpu.memory_space<vmem>>
        %dma_wait3A_493 = tpu.memref_squeeze %dma_wait3A_492 : memref<1x1x128xi32, #tpu.memory_space<vmem>> -> memref<128xi32, #tpu.memory_space<vmem>>
        %dma_wait3A_494 = arith.constant 0 : i32
        %dma_wait3A_495 = arith.constant 0 : i32
        %dma_wait3A_496 = tpu.memref_slice %arg8[%dma_wait3A_494, %dma_wait3A_495] : memref<10000x64xf32, #tpu.memory_space<vmem_shared>> -> memref<10000x64xf32, #tpu.memory_space<vmem_shared>>
        tpu.wait_indirect_dma semaphore(%arg11 : memref<!tpu.dma_semaphore, #tpu.memory_space<semaphore_mem>>) src(%dma_wait3A_490 : memref<128x64xf32, #tpu.memory_space<vmem>>) dst(%dma_wait3A_496 : memref<10000x64xf32, #tpu.memory_space<vmem_shared>>)
      } else {
      }
      %add3A_273 = arith.constant 3 : i32
      %add3A_274 = arith.addi %add3A_232, %add3A_273 : i32
      %lt3A_275 = arith.constant 78 : i32
      %lt3A_276 = arith.cmpi slt, %add3A_274, %lt3A_275 : i32
      %convert_element_type3A_277 = arith.extui %lt3A_276 : i1 to i32
      %cond3A_278 = arith.constant 0 : i32
      %cond3A_279 = arith.cmpi ne, %convert_element_type3A_277, %cond3A_278 : i32
      scf.if %cond3A_279 {
        %add3A_484 = arith.constant 3 : i32
        %add3A_485 = arith.addi %add3A_232, %add3A_484 : i32
        %add3A_486 = arith.addi %add3A, %add3A_485 : i32
        %dma_start3A_487 = arith.constant 4 : i32
        %dma_start3A_488 = arith.constant 0 : i32
        %dma_start3A_489 = arith.constant 0 : i32
        %dma_start3A_490 = tpu.memref_slice %arg5[%dma_start3A_487, %dma_start3A_488, %dma_start3A_489] : memref<6x2x128xi32, #tpu.memory_space<vmem>> -> memref<1x2x128xi32, #tpu.memory_space<vmem>>
        %dma_start3A_491 = tpu.memref_squeeze %dma_start3A_490 : memref<1x2x128xi32, #tpu.memory_space<vmem>> -> memref<2x128xi32, #tpu.memory_space<vmem>>
        %dma_start3A_492 = arith.constant 0 : i32
        %dma_start3A_493 = arith.constant 0 : i32
        %dma_start3A_494 = tpu.memref_slice %arg3[%add3A_486, %dma_start3A_492, %dma_start3A_493] : memref<2500x2x128xi32, #tpu.memory_space<hbm>> -> memref<1x2x128xi32, #tpu.memory_space<hbm>>
        %dma_start3A_495 = tpu.memref_squeeze %dma_start3A_494 : memref<1x2x128xi32, #tpu.memory_space<hbm>> -> memref<2x128xi32, #tpu.memory_space<hbm>>
        %dma_start3A_496 = arith.constant 0 : i32
        %dma_start3A_497 = arith.constant 0 : i32
        %dma_start3A_498 = tpu.memref_slice %arg5[%dma_start3A_487, %dma_start3A_496, %dma_start3A_497] : memref<6x2x128xi32, #tpu.memory_space<vmem>> -> memref<1x2x128xi32, #tpu.memory_space<vmem>>
        %dma_start3A_499 = tpu.memref_squeeze %dma_start3A_498 : memref<1x2x128xi32, #tpu.memory_space<vmem>> -> memref<2x128xi32, #tpu.memory_space<vmem>>
        %dma_start3A_500 = arith.constant 0 : i32
        %dma_start3A_501 = arith.constant 0 : i32
        %dma_start3A_502 = tpu.memref_slice %arg3[%add3A_486, %dma_start3A_500, %dma_start3A_501] : memref<2500x2x128xi32, #tpu.memory_space<hbm>> -> memref<1x2x128xi32, #tpu.memory_space<hbm>>
        %dma_start3A_503 = tpu.memref_squeeze %dma_start3A_502 : memref<1x2x128xi32, #tpu.memory_space<hbm>> -> memref<2x128xi32, #tpu.memory_space<hbm>>
        tpu.enqueue_dma source(%dma_start3A_503 : memref<2x128xi32, #tpu.memory_space<hbm>>) target(%dma_start3A_499 : memref<2x128xi32, #tpu.memory_space<vmem>>) target_semaphore(%arg9 : memref<!tpu.dma_semaphore, #tpu.memory_space<semaphore_mem>>)
      } else {
      }
      %mul3A_280 = arith.constant 6 : i32
      %mul3A_281 = arith.muli %scan3A_178, %mul3A_280 : i32
      %add3A_282 = arith.constant 2 : i32
      %add3A_283 = arith.addi %mul3A_281, %add3A_282 : i32
      %add3A_284 = arith.constant 2 : i32
      %add3A_285 = arith.addi %add3A_283, %add3A_284 : i32
      %lt3A_286 = arith.constant 78 : i32
      %lt3A_287 = arith.cmpi slt, %add3A_285, %lt3A_286 : i32
      %convert_element_type3A_288 = arith.extui %lt3A_287 : i1 to i32
      %cond3A_289 = arith.constant 0 : i32
      %cond3A_290 = arith.cmpi ne, %convert_element_type3A_288, %cond3A_289 : i32
      scf.if %cond3A_290 {
        %add3A_484 = arith.constant 2 : i32
        %add3A_485 = arith.addi %add3A_283, %add3A_484 : i32
        %add3A_486 = arith.addi %add3A, %add3A_485 : i32
        %dma_wait3A_487 = arith.constant 4 : i32
        %dma_wait3A_488 = arith.constant 0 : i32
        %dma_wait3A_489 = arith.constant 0 : i32
        %dma_wait3A_490 = tpu.memref_slice %arg5[%dma_wait3A_487, %dma_wait3A_488, %dma_wait3A_489] : memref<6x2x128xi32, #tpu.memory_space<vmem>> -> memref<1x2x128xi32, #tpu.memory_space<vmem>>
        %dma_wait3A_491 = tpu.memref_squeeze %dma_wait3A_490 : memref<1x2x128xi32, #tpu.memory_space<vmem>> -> memref<2x128xi32, #tpu.memory_space<vmem>>
        %dma_wait3A_492 = arith.constant 0 : i32
        %dma_wait3A_493 = arith.constant 0 : i32
        %dma_wait3A_494 = tpu.memref_slice %arg3[%add3A_486, %dma_wait3A_492, %dma_wait3A_493] : memref<2500x2x128xi32, #tpu.memory_space<hbm>> -> memref<1x2x128xi32, #tpu.memory_space<hbm>>
        %dma_wait3A_495 = tpu.memref_squeeze %dma_wait3A_494 : memref<1x2x128xi32, #tpu.memory_space<hbm>> -> memref<2x128xi32, #tpu.memory_space<hbm>>
        %dma_wait3A_496 = arith.constant 0 : i32
        %dma_wait3A_497 = arith.constant 0 : i32
        %dma_wait3A_498 = tpu.memref_slice %arg5[%dma_wait3A_487, %dma_wait3A_496, %dma_wait3A_497] : memref<6x2x128xi32, #tpu.memory_space<vmem>> -> memref<1x2x128xi32, #tpu.memory_space<vmem>>
        %dma_wait3A_499 = tpu.memref_squeeze %dma_wait3A_498 : memref<1x2x128xi32, #tpu.memory_space<vmem>> -> memref<2x128xi32, #tpu.memory_space<vmem>>
        %dma_wait3A_500 = arith.constant 0 : i32
        %dma_wait3A_501 = arith.constant 0 : i32
        %dma_wait3A_502 = tpu.memref_slice %arg3[%add3A_486, %dma_wait3A_500, %dma_wait3A_501] : memref<2500x2x128xi32, #tpu.memory_space<hbm>> -> memref<1x2x128xi32, #tpu.memory_space<hbm>>
        %dma_wait3A_503 = tpu.memref_squeeze %dma_wait3A_502 : memref<1x2x128xi32, #tpu.memory_space<hbm>> -> memref<2x128xi32, #tpu.memory_space<hbm>>
        tpu.wait_dma2 semaphore(%arg9 : memref<!tpu.dma_semaphore, #tpu.memory_space<semaphore_mem>>) src(%dma_wait3A_503 : memref<2x128xi32, #tpu.memory_space<hbm>>) dst(%dma_wait3A_499 : memref<2x128xi32, #tpu.memory_space<vmem>>)
        %dma_start3A_504 = arith.constant 4 : i32
        %dma_start3A_505 = arith.constant 0 : i32
        %dma_start3A_506 = arith.constant 4 : i32
        %dma_start3A_507 = arith.constant 0 : i32
        %dma_start3A_508 = arith.constant 0 : i32
        %dma_start3A_509 = tpu.memref_slice %arg7[%dma_start3A_506, %dma_start3A_507, %dma_start3A_508] : memref<6x128x64xf32, #tpu.memory_space<vmem>> -> memref<1x128x64xf32, #tpu.memory_space<vmem>>
        %dma_start3A_510 = tpu.memref_squeeze %dma_start3A_509 : memref<1x128x64xf32, #tpu.memory_space<vmem>> -> memref<128x64xf32, #tpu.memory_space<vmem>>
        %dma_start3A_511 = arith.constant 0 : i32
        %dma_start3A_512 = tpu.memref_slice %arg5[%dma_start3A_504, %dma_start3A_505, %dma_start3A_511] : memref<6x2x128xi32, #tpu.memory_space<vmem>> -> memref<1x1x128xi32, #tpu.memory_space<vmem>>
        %dma_start3A_513 = tpu.memref_squeeze %dma_start3A_512 : memref<1x1x128xi32, #tpu.memory_space<vmem>> -> memref<128xi32, #tpu.memory_space<vmem>>
        %dma_start3A_514 = arith.constant 0 : i32
        %dma_start3A_515 = arith.constant 0 : i32
        %dma_start3A_516 = tpu.memref_slice %arg2[%dma_start3A_514, %dma_start3A_515] : memref<10000x64xf32, #tpu.memory_space<hbm>> -> memref<10000x64xf32, #tpu.memory_space<hbm>>
        tpu.enqueue_indirect_dma source(%dma_start3A_516 : memref<10000x64xf32, #tpu.memory_space<hbm>>) target(%dma_start3A_510 : memref<128x64xf32, #tpu.memory_space<vmem>>) offsets(%dma_start3A_513 : memref<128xi32, #tpu.memory_space<vmem>>) semaphore(%arg10 : memref<!tpu.dma_semaphore, #tpu.memory_space<semaphore_mem>>)
      } else {
      }
      %dma_wait3A_291 = arith.constant 2 : i32
      %dma_wait3A_292 = arith.constant 0 : i32
      %dma_wait3A_293 = arith.constant 2 : i32
      %dma_wait3A_294 = arith.constant 0 : i32
      %dma_wait3A_295 = arith.constant 0 : i32
      %dma_wait3A_296 = tpu.memref_slice %arg7[%dma_wait3A_293, %dma_wait3A_294, %dma_wait3A_295] : memref<6x128x64xf32, #tpu.memory_space<vmem>> -> memref<1x128x64xf32, #tpu.memory_space<vmem>>
      %dma_wait3A_297 = tpu.memref_squeeze %dma_wait3A_296 : memref<1x128x64xf32, #tpu.memory_space<vmem>> -> memref<128x64xf32, #tpu.memory_space<vmem>>
      %dma_wait3A_298 = arith.constant 0 : i32
      %dma_wait3A_299 = tpu.memref_slice %arg5[%dma_wait3A_291, %dma_wait3A_292, %dma_wait3A_298] : memref<6x2x128xi32, #tpu.memory_space<vmem>> -> memref<1x1x128xi32, #tpu.memory_space<vmem>>
      %dma_wait3A_300 = tpu.memref_squeeze %dma_wait3A_299 : memref<1x1x128xi32, #tpu.memory_space<vmem>> -> memref<128xi32, #tpu.memory_space<vmem>>
      %dma_wait3A_301 = arith.constant 0 : i32
      %dma_wait3A_302 = arith.constant 0 : i32
      %dma_wait3A_303 = tpu.memref_slice %arg2[%dma_wait3A_301, %dma_wait3A_302] : memref<10000x64xf32, #tpu.memory_space<hbm>> -> memref<10000x64xf32, #tpu.memory_space<hbm>>
      tpu.wait_indirect_dma semaphore(%arg10 : memref<!tpu.dma_semaphore, #tpu.memory_space<semaphore_mem>>) src(%dma_wait3A_303 : memref<10000x64xf32, #tpu.memory_space<hbm>>) dst(%dma_wait3A_297 : memref<128x64xf32, #tpu.memory_space<vmem>>)
      %dma_start3A_304 = arith.constant 2 : i32
      %dma_start3A_305 = arith.constant 2 : i32
      %dma_start3A_306 = arith.constant 1 : i32
      %dma_start3A_307 = arith.constant 0 : i32
      %dma_start3A_308 = arith.constant 0 : i32
      %dma_start3A_309 = tpu.memref_slice %arg7[%dma_start3A_304, %dma_start3A_307, %dma_start3A_308] : memref<6x128x64xf32, #tpu.memory_space<vmem>> -> memref<1x128x64xf32, #tpu.memory_space<vmem>>
      %dma_start3A_310 = tpu.memref_squeeze %dma_start3A_309 : memref<1x128x64xf32, #tpu.memory_space<vmem>> -> memref<128x64xf32, #tpu.memory_space<vmem>>
      %dma_start3A_311 = arith.constant 0 : i32
      %dma_start3A_312 = tpu.memref_slice %arg5[%dma_start3A_305, %dma_start3A_306, %dma_start3A_311] : memref<6x2x128xi32, #tpu.memory_space<vmem>> -> memref<1x1x128xi32, #tpu.memory_space<vmem>>
      %dma_start3A_313 = tpu.memref_squeeze %dma_start3A_312 : memref<1x1x128xi32, #tpu.memory_space<vmem>> -> memref<128xi32, #tpu.memory_space<vmem>>
      %dma_start3A_314 = arith.constant 0 : i32
      %dma_start3A_315 = arith.constant 0 : i32
      %dma_start3A_316 = tpu.memref_slice %arg8[%dma_start3A_314, %dma_start3A_315] : memref<10000x64xf32, #tpu.memory_space<vmem_shared>> -> memref<10000x64xf32, #tpu.memory_space<vmem_shared>>
      tpu.enqueue_indirect_dma source(%dma_start3A_310 : memref<128x64xf32, #tpu.memory_space<vmem>>) target(%dma_start3A_316 : memref<10000x64xf32, #tpu.memory_space<vmem_shared>>) offsets(%dma_start3A_313 : memref<128xi32, #tpu.memory_space<vmem>>) semaphore(%arg11 : memref<!tpu.dma_semaphore, #tpu.memory_space<semaphore_mem>>) {add = true}
      %add3A_317 = arith.constant 3 : i32
      %add3A_318 = arith.addi %add3A_283, %add3A_317 : i32
      %ge3A_319 = arith.constant 6 : i32
      %ge3A_320 = arith.cmpi sge, %add3A_318, %ge3A_319 : i32
      %convert_element_type3A_321 = arith.extui %ge3A_320 : i1 to i32
      %cond3A_322 = arith.constant 0 : i32
      %cond3A_323 = arith.cmpi ne, %convert_element_type3A_321, %cond3A_322 : i32
      scf.if %cond3A_323 {
        %dma_wait3A_484 = arith.constant 5 : i32
        %dma_wait3A_485 = arith.constant 5 : i32
        %dma_wait3A_486 = arith.constant 1 : i32
        %dma_wait3A_487 = arith.constant 0 : i32
        %dma_wait3A_488 = arith.constant 0 : i32
        %dma_wait3A_489 = tpu.memref_slice %arg7[%dma_wait3A_484, %dma_wait3A_487, %dma_wait3A_488] : memref<6x128x64xf32, #tpu.memory_space<vmem>> -> memref<1x128x64xf32, #tpu.memory_space<vmem>>
        %dma_wait3A_490 = tpu.memref_squeeze %dma_wait3A_489 : memref<1x128x64xf32, #tpu.memory_space<vmem>> -> memref<128x64xf32, #tpu.memory_space<vmem>>
        %dma_wait3A_491 = arith.constant 0 : i32
        %dma_wait3A_492 = tpu.memref_slice %arg5[%dma_wait3A_485, %dma_wait3A_486, %dma_wait3A_491] : memref<6x2x128xi32, #tpu.memory_space<vmem>> -> memref<1x1x128xi32, #tpu.memory_space<vmem>>
        %dma_wait3A_493 = tpu.memref_squeeze %dma_wait3A_492 : memref<1x1x128xi32, #tpu.memory_space<vmem>> -> memref<128xi32, #tpu.memory_space<vmem>>
        %dma_wait3A_494 = arith.constant 0 : i32
        %dma_wait3A_495 = arith.constant 0 : i32
        %dma_wait3A_496 = tpu.memref_slice %arg8[%dma_wait3A_494, %dma_wait3A_495] : memref<10000x64xf32, #tpu.memory_space<vmem_shared>> -> memref<10000x64xf32, #tpu.memory_space<vmem_shared>>
        tpu.wait_indirect_dma semaphore(%arg11 : memref<!tpu.dma_semaphore, #tpu.memory_space<semaphore_mem>>) src(%dma_wait3A_490 : memref<128x64xf32, #tpu.memory_space<vmem>>) dst(%dma_wait3A_496 : memref<10000x64xf32, #tpu.memory_space<vmem_shared>>)
      } else {
      }
      %add3A_324 = arith.constant 3 : i32
      %add3A_325 = arith.addi %add3A_283, %add3A_324 : i32
      %lt3A_326 = arith.constant 78 : i32
      %lt3A_327 = arith.cmpi slt, %add3A_325, %lt3A_326 : i32
      %convert_element_type3A_328 = arith.extui %lt3A_327 : i1 to i32
      %cond3A_329 = arith.constant 0 : i32
      %cond3A_330 = arith.cmpi ne, %convert_element_type3A_328, %cond3A_329 : i32
      scf.if %cond3A_330 {
        %add3A_484 = arith.constant 3 : i32
        %add3A_485 = arith.addi %add3A_283, %add3A_484 : i32
        %add3A_486 = arith.addi %add3A, %add3A_485 : i32
        %dma_start3A_487 = arith.constant 5 : i32
        %dma_start3A_488 = arith.constant 0 : i32
        %dma_start3A_489 = arith.constant 0 : i32
        %dma_start3A_490 = tpu.memref_slice %arg5[%dma_start3A_487, %dma_start3A_488, %dma_start3A_489] : memref<6x2x128xi32, #tpu.memory_space<vmem>> -> memref<1x2x128xi32, #tpu.memory_space<vmem>>
        %dma_start3A_491 = tpu.memref_squeeze %dma_start3A_490 : memref<1x2x128xi32, #tpu.memory_space<vmem>> -> memref<2x128xi32, #tpu.memory_space<vmem>>
        %dma_start3A_492 = arith.constant 0 : i32
        %dma_start3A_493 = arith.constant 0 : i32
        %dma_start3A_494 = tpu.memref_slice %arg3[%add3A_486, %dma_start3A_492, %dma_start3A_493] : memref<2500x2x128xi32, #tpu.memory_space<hbm>> -> memref<1x2x128xi32, #tpu.memory_space<hbm>>
        %dma_start3A_495 = tpu.memref_squeeze %dma_start3A_494 : memref<1x2x128xi32, #tpu.memory_space<hbm>> -> memref<2x128xi32, #tpu.memory_space<hbm>>
        %dma_start3A_496 = arith.constant 0 : i32
        %dma_start3A_497 = arith.constant 0 : i32
        %dma_start3A_498 = tpu.memref_slice %arg5[%dma_start3A_487, %dma_start3A_496, %dma_start3A_497] : memref<6x2x128xi32, #tpu.memory_space<vmem>> -> memref<1x2x128xi32, #tpu.memory_space<vmem>>
        %dma_start3A_499 = tpu.memref_squeeze %dma_start3A_498 : memref<1x2x128xi32, #tpu.memory_space<vmem>> -> memref<2x128xi32, #tpu.memory_space<vmem>>
        %dma_start3A_500 = arith.constant 0 : i32
        %dma_start3A_501 = arith.constant 0 : i32
        %dma_start3A_502 = tpu.memref_slice %arg3[%add3A_486, %dma_start3A_500, %dma_start3A_501] : memref<2500x2x128xi32, #tpu.memory_space<hbm>> -> memref<1x2x128xi32, #tpu.memory_space<hbm>>
        %dma_start3A_503 = tpu.memref_squeeze %dma_start3A_502 : memref<1x2x128xi32, #tpu.memory_space<hbm>> -> memref<2x128xi32, #tpu.memory_space<hbm>>
        tpu.enqueue_dma source(%dma_start3A_503 : memref<2x128xi32, #tpu.memory_space<hbm>>) target(%dma_start3A_499 : memref<2x128xi32, #tpu.memory_space<vmem>>) target_semaphore(%arg9 : memref<!tpu.dma_semaphore, #tpu.memory_space<semaphore_mem>>)
      } else {
      }
      %mul3A_331 = arith.constant 6 : i32
      %mul3A_332 = arith.muli %scan3A_178, %mul3A_331 : i32
      %add3A_333 = arith.constant 3 : i32
      %add3A_334 = arith.addi %mul3A_332, %add3A_333 : i32
      %add3A_335 = arith.constant 2 : i32
      %add3A_336 = arith.addi %add3A_334, %add3A_335 : i32
      %lt3A_337 = arith.constant 78 : i32
      %lt3A_338 = arith.cmpi slt, %add3A_336, %lt3A_337 : i32
      %convert_element_type3A_339 = arith.extui %lt3A_338 : i1 to i32
      %cond3A_340 = arith.constant 0 : i32
      %cond3A_341 = arith.cmpi ne, %convert_element_type3A_339, %cond3A_340 : i32
      scf.if %cond3A_341 {
        %add3A_484 = arith.constant 2 : i32
        %add3A_485 = arith.addi %add3A_334, %add3A_484 : i32
        %add3A_486 = arith.addi %add3A, %add3A_485 : i32
        %dma_wait3A_487 = arith.constant 5 : i32
        %dma_wait3A_488 = arith.constant 0 : i32
        %dma_wait3A_489 = arith.constant 0 : i32
        %dma_wait3A_490 = tpu.memref_slice %arg5[%dma_wait3A_487, %dma_wait3A_488, %dma_wait3A_489] : memref<6x2x128xi32, #tpu.memory_space<vmem>> -> memref<1x2x128xi32, #tpu.memory_space<vmem>>
        %dma_wait3A_491 = tpu.memref_squeeze %dma_wait3A_490 : memref<1x2x128xi32, #tpu.memory_space<vmem>> -> memref<2x128xi32, #tpu.memory_space<vmem>>
        %dma_wait3A_492 = arith.constant 0 : i32
        %dma_wait3A_493 = arith.constant 0 : i32
        %dma_wait3A_494 = tpu.memref_slice %arg3[%add3A_486, %dma_wait3A_492, %dma_wait3A_493] : memref<2500x2x128xi32, #tpu.memory_space<hbm>> -> memref<1x2x128xi32, #tpu.memory_space<hbm>>
        %dma_wait3A_495 = tpu.memref_squeeze %dma_wait3A_494 : memref<1x2x128xi32, #tpu.memory_space<hbm>> -> memref<2x128xi32, #tpu.memory_space<hbm>>
        %dma_wait3A_496 = arith.constant 0 : i32
        %dma_wait3A_497 = arith.constant 0 : i32
        %dma_wait3A_498 = tpu.memref_slice %arg5[%dma_wait3A_487, %dma_wait3A_496, %dma_wait3A_497] : memref<6x2x128xi32, #tpu.memory_space<vmem>> -> memref<1x2x128xi32, #tpu.memory_space<vmem>>
        %dma_wait3A_499 = tpu.memref_squeeze %dma_wait3A_498 : memref<1x2x128xi32, #tpu.memory_space<vmem>> -> memref<2x128xi32, #tpu.memory_space<vmem>>
        %dma_wait3A_500 = arith.constant 0 : i32
        %dma_wait3A_501 = arith.constant 0 : i32
        %dma_wait3A_502 = tpu.memref_slice %arg3[%add3A_486, %dma_wait3A_500, %dma_wait3A_501] : memref<2500x2x128xi32, #tpu.memory_space<hbm>> -> memref<1x2x128xi32, #tpu.memory_space<hbm>>
        %dma_wait3A_503 = tpu.memref_squeeze %dma_wait3A_502 : memref<1x2x128xi32, #tpu.memory_space<hbm>> -> memref<2x128xi32, #tpu.memory_space<hbm>>
        tpu.wait_dma2 semaphore(%arg9 : memref<!tpu.dma_semaphore, #tpu.memory_space<semaphore_mem>>) src(%dma_wait3A_503 : memref<2x128xi32, #tpu.memory_space<hbm>>) dst(%dma_wait3A_499 : memref<2x128xi32, #tpu.memory_space<vmem>>)
        %dma_start3A_504 = arith.constant 5 : i32
        %dma_start3A_505 = arith.constant 0 : i32
        %dma_start3A_506 = arith.constant 5 : i32
        %dma_start3A_507 = arith.constant 0 : i32
        %dma_start3A_508 = arith.constant 0 : i32
        %dma_start3A_509 = tpu.memref_slice %arg7[%dma_start3A_506, %dma_start3A_507, %dma_start3A_508] : memref<6x128x64xf32, #tpu.memory_space<vmem>> -> memref<1x128x64xf32, #tpu.memory_space<vmem>>
        %dma_start3A_510 = tpu.memref_squeeze %dma_start3A_509 : memref<1x128x64xf32, #tpu.memory_space<vmem>> -> memref<128x64xf32, #tpu.memory_space<vmem>>
        %dma_start3A_511 = arith.constant 0 : i32
        %dma_start3A_512 = tpu.memref_slice %arg5[%dma_start3A_504, %dma_start3A_505, %dma_start3A_511] : memref<6x2x128xi32, #tpu.memory_space<vmem>> -> memref<1x1x128xi32, #tpu.memory_space<vmem>>
        %dma_start3A_513 = tpu.memref_squeeze %dma_start3A_512 : memref<1x1x128xi32, #tpu.memory_space<vmem>> -> memref<128xi32, #tpu.memory_space<vmem>>
        %dma_start3A_514 = arith.constant 0 : i32
        %dma_start3A_515 = arith.constant 0 : i32
        %dma_start3A_516 = tpu.memref_slice %arg2[%dma_start3A_514, %dma_start3A_515] : memref<10000x64xf32, #tpu.memory_space<hbm>> -> memref<10000x64xf32, #tpu.memory_space<hbm>>
        tpu.enqueue_indirect_dma source(%dma_start3A_516 : memref<10000x64xf32, #tpu.memory_space<hbm>>) target(%dma_start3A_510 : memref<128x64xf32, #tpu.memory_space<vmem>>) offsets(%dma_start3A_513 : memref<128xi32, #tpu.memory_space<vmem>>) semaphore(%arg10 : memref<!tpu.dma_semaphore, #tpu.memory_space<semaphore_mem>>)
      } else {
      }
      %dma_wait3A_342 = arith.constant 3 : i32
      %dma_wait3A_343 = arith.constant 0 : i32
      %dma_wait3A_344 = arith.constant 3 : i32
      %dma_wait3A_345 = arith.constant 0 : i32
      %dma_wait3A_346 = arith.constant 0 : i32
      %dma_wait3A_347 = tpu.memref_slice %arg7[%dma_wait3A_344, %dma_wait3A_345, %dma_wait3A_346] : memref<6x128x64xf32, #tpu.memory_space<vmem>> -> memref<1x128x64xf32, #tpu.memory_space<vmem>>
      %dma_wait3A_348 = tpu.memref_squeeze %dma_wait3A_347 : memref<1x128x64xf32, #tpu.memory_space<vmem>> -> memref<128x64xf32, #tpu.memory_space<vmem>>
      %dma_wait3A_349 = arith.constant 0 : i32
      %dma_wait3A_350 = tpu.memref_slice %arg5[%dma_wait3A_342, %dma_wait3A_343, %dma_wait3A_349] : memref<6x2x128xi32, #tpu.memory_space<vmem>> -> memref<1x1x128xi32, #tpu.memory_space<vmem>>
      %dma_wait3A_351 = tpu.memref_squeeze %dma_wait3A_350 : memref<1x1x128xi32, #tpu.memory_space<vmem>> -> memref<128xi32, #tpu.memory_space<vmem>>
      %dma_wait3A_352 = arith.constant 0 : i32
      %dma_wait3A_353 = arith.constant 0 : i32
      %dma_wait3A_354 = tpu.memref_slice %arg2[%dma_wait3A_352, %dma_wait3A_353] : memref<10000x64xf32, #tpu.memory_space<hbm>> -> memref<10000x64xf32, #tpu.memory_space<hbm>>
      tpu.wait_indirect_dma semaphore(%arg10 : memref<!tpu.dma_semaphore, #tpu.memory_space<semaphore_mem>>) src(%dma_wait3A_354 : memref<10000x64xf32, #tpu.memory_space<hbm>>) dst(%dma_wait3A_348 : memref<128x64xf32, #tpu.memory_space<vmem>>)
      %dma_start3A_355 = arith.constant 3 : i32
      %dma_start3A_356 = arith.constant 3 : i32
      %dma_start3A_357 = arith.constant 1 : i32
      %dma_start3A_358 = arith.constant 0 : i32
      %dma_start3A_359 = arith.constant 0 : i32
      %dma_start3A_360 = tpu.memref_slice %arg7[%dma_start3A_355, %dma_start3A_358, %dma_start3A_359] : memref<6x128x64xf32, #tpu.memory_space<vmem>> -> memref<1x128x64xf32, #tpu.memory_space<vmem>>
      %dma_start3A_361 = tpu.memref_squeeze %dma_start3A_360 : memref<1x128x64xf32, #tpu.memory_space<vmem>> -> memref<128x64xf32, #tpu.memory_space<vmem>>
      %dma_start3A_362 = arith.constant 0 : i32
      %dma_start3A_363 = tpu.memref_slice %arg5[%dma_start3A_356, %dma_start3A_357, %dma_start3A_362] : memref<6x2x128xi32, #tpu.memory_space<vmem>> -> memref<1x1x128xi32, #tpu.memory_space<vmem>>
      %dma_start3A_364 = tpu.memref_squeeze %dma_start3A_363 : memref<1x1x128xi32, #tpu.memory_space<vmem>> -> memref<128xi32, #tpu.memory_space<vmem>>
      %dma_start3A_365 = arith.constant 0 : i32
      %dma_start3A_366 = arith.constant 0 : i32
      %dma_start3A_367 = tpu.memref_slice %arg8[%dma_start3A_365, %dma_start3A_366] : memref<10000x64xf32, #tpu.memory_space<vmem_shared>> -> memref<10000x64xf32, #tpu.memory_space<vmem_shared>>
      tpu.enqueue_indirect_dma source(%dma_start3A_361 : memref<128x64xf32, #tpu.memory_space<vmem>>) target(%dma_start3A_367 : memref<10000x64xf32, #tpu.memory_space<vmem_shared>>) offsets(%dma_start3A_364 : memref<128xi32, #tpu.memory_space<vmem>>) semaphore(%arg11 : memref<!tpu.dma_semaphore, #tpu.memory_space<semaphore_mem>>) {add = true}
      %add3A_368 = arith.constant 3 : i32
      %add3A_369 = arith.addi %add3A_334, %add3A_368 : i32
      %ge3A_370 = arith.constant 6 : i32
      %ge3A_371 = arith.cmpi sge, %add3A_369, %ge3A_370 : i32
      %convert_element_type3A_372 = arith.extui %ge3A_371 : i1 to i32
      %cond3A_373 = arith.constant 0 : i32
      %cond3A_374 = arith.cmpi ne, %convert_element_type3A_372, %cond3A_373 : i32
      scf.if %cond3A_374 {
        %dma_wait3A_484 = arith.constant 0 : i32
        %dma_wait3A_485 = arith.constant 0 : i32
        %dma_wait3A_486 = arith.constant 1 : i32
        %dma_wait3A_487 = arith.constant 0 : i32
        %dma_wait3A_488 = arith.constant 0 : i32
        %dma_wait3A_489 = tpu.memref_slice %arg7[%dma_wait3A_484, %dma_wait3A_487, %dma_wait3A_488] : memref<6x128x64xf32, #tpu.memory_space<vmem>> -> memref<1x128x64xf32, #tpu.memory_space<vmem>>
        %dma_wait3A_490 = tpu.memref_squeeze %dma_wait3A_489 : memref<1x128x64xf32, #tpu.memory_space<vmem>> -> memref<128x64xf32, #tpu.memory_space<vmem>>
        %dma_wait3A_491 = arith.constant 0 : i32
        %dma_wait3A_492 = tpu.memref_slice %arg5[%dma_wait3A_485, %dma_wait3A_486, %dma_wait3A_491] : memref<6x2x128xi32, #tpu.memory_space<vmem>> -> memref<1x1x128xi32, #tpu.memory_space<vmem>>
        %dma_wait3A_493 = tpu.memref_squeeze %dma_wait3A_492 : memref<1x1x128xi32, #tpu.memory_space<vmem>> -> memref<128xi32, #tpu.memory_space<vmem>>
        %dma_wait3A_494 = arith.constant 0 : i32
        %dma_wait3A_495 = arith.constant 0 : i32
        %dma_wait3A_496 = tpu.memref_slice %arg8[%dma_wait3A_494, %dma_wait3A_495] : memref<10000x64xf32, #tpu.memory_space<vmem_shared>> -> memref<10000x64xf32, #tpu.memory_space<vmem_shared>>
        tpu.wait_indirect_dma semaphore(%arg11 : memref<!tpu.dma_semaphore, #tpu.memory_space<semaphore_mem>>) src(%dma_wait3A_490 : memref<128x64xf32, #tpu.memory_space<vmem>>) dst(%dma_wait3A_496 : memref<10000x64xf32, #tpu.memory_space<vmem_shared>>)
      } else {
      }
      %add3A_375 = arith.constant 3 : i32
      %add3A_376 = arith.addi %add3A_334, %add3A_375 : i32
      %lt3A_377 = arith.constant 78 : i32
      %lt3A_378 = arith.cmpi slt, %add3A_376, %lt3A_377 : i32
      %convert_element_type3A_379 = arith.extui %lt3A_378 : i1 to i32
      %cond3A_380 = arith.constant 0 : i32
      %cond3A_381 = arith.cmpi ne, %convert_element_type3A_379, %cond3A_380 : i32
      scf.if %cond3A_381 {
        %add3A_484 = arith.constant 3 : i32
        %add3A_485 = arith.addi %add3A_334, %add3A_484 : i32
        %add3A_486 = arith.addi %add3A, %add3A_485 : i32
        %dma_start3A_487 = arith.constant 0 : i32
        %dma_start3A_488 = arith.constant 0 : i32
        %dma_start3A_489 = arith.constant 0 : i32
        %dma_start3A_490 = tpu.memref_slice %arg5[%dma_start3A_487, %dma_start3A_488, %dma_start3A_489] : memref<6x2x128xi32, #tpu.memory_space<vmem>> -> memref<1x2x128xi32, #tpu.memory_space<vmem>>
        %dma_start3A_491 = tpu.memref_squeeze %dma_start3A_490 : memref<1x2x128xi32, #tpu.memory_space<vmem>> -> memref<2x128xi32, #tpu.memory_space<vmem>>
        %dma_start3A_492 = arith.constant 0 : i32
        %dma_start3A_493 = arith.constant 0 : i32
        %dma_start3A_494 = tpu.memref_slice %arg3[%add3A_486, %dma_start3A_492, %dma_start3A_493] : memref<2500x2x128xi32, #tpu.memory_space<hbm>> -> memref<1x2x128xi32, #tpu.memory_space<hbm>>
        %dma_start3A_495 = tpu.memref_squeeze %dma_start3A_494 : memref<1x2x128xi32, #tpu.memory_space<hbm>> -> memref<2x128xi32, #tpu.memory_space<hbm>>
        %dma_start3A_496 = arith.constant 0 : i32
        %dma_start3A_497 = arith.constant 0 : i32
        %dma_start3A_498 = tpu.memref_slice %arg5[%dma_start3A_487, %dma_start3A_496, %dma_start3A_497] : memref<6x2x128xi32, #tpu.memory_space<vmem>> -> memref<1x2x128xi32, #tpu.memory_space<vmem>>
        %dma_start3A_499 = tpu.memref_squeeze %dma_start3A_498 : memref<1x2x128xi32, #tpu.memory_space<vmem>> -> memref<2x128xi32, #tpu.memory_space<vmem>>
        %dma_start3A_500 = arith.constant 0 : i32
        %dma_start3A_501 = arith.constant 0 : i32
        %dma_start3A_502 = tpu.memref_slice %arg3[%add3A_486, %dma_start3A_500, %dma_start3A_501] : memref<2500x2x128xi32, #tpu.memory_space<hbm>> -> memref<1x2x128xi32, #tpu.memory_space<hbm>>
        %dma_start3A_503 = tpu.memref_squeeze %dma_start3A_502 : memref<1x2x128xi32, #tpu.memory_space<hbm>> -> memref<2x128xi32, #tpu.memory_space<hbm>>
        tpu.enqueue_dma source(%dma_start3A_503 : memref<2x128xi32, #tpu.memory_space<hbm>>) target(%dma_start3A_499 : memref<2x128xi32, #tpu.memory_space<vmem>>) target_semaphore(%arg9 : memref<!tpu.dma_semaphore, #tpu.memory_space<semaphore_mem>>)
      } else {
      }
      %mul3A_382 = arith.constant 6 : i32
      %mul3A_383 = arith.muli %scan3A_178, %mul3A_382 : i32
      %add3A_384 = arith.constant 4 : i32
      %add3A_385 = arith.addi %mul3A_383, %add3A_384 : i32
      %add3A_386 = arith.constant 2 : i32
      %add3A_387 = arith.addi %add3A_385, %add3A_386 : i32
      %lt3A_388 = arith.constant 78 : i32
      %lt3A_389 = arith.cmpi slt, %add3A_387, %lt3A_388 : i32
      %convert_element_type3A_390 = arith.extui %lt3A_389 : i1 to i32
      %cond3A_391 = arith.constant 0 : i32
      %cond3A_392 = arith.cmpi ne, %convert_element_type3A_390, %cond3A_391 : i32
      scf.if %cond3A_392 {
        %add3A_484 = arith.constant 2 : i32
        %add3A_485 = arith.addi %add3A_385, %add3A_484 : i32
        %add3A_486 = arith.addi %add3A, %add3A_485 : i32
        %dma_wait3A_487 = arith.constant 0 : i32
        %dma_wait3A_488 = arith.constant 0 : i32
        %dma_wait3A_489 = arith.constant 0 : i32
        %dma_wait3A_490 = tpu.memref_slice %arg5[%dma_wait3A_487, %dma_wait3A_488, %dma_wait3A_489] : memref<6x2x128xi32, #tpu.memory_space<vmem>> -> memref<1x2x128xi32, #tpu.memory_space<vmem>>
        %dma_wait3A_491 = tpu.memref_squeeze %dma_wait3A_490 : memref<1x2x128xi32, #tpu.memory_space<vmem>> -> memref<2x128xi32, #tpu.memory_space<vmem>>
        %dma_wait3A_492 = arith.constant 0 : i32
        %dma_wait3A_493 = arith.constant 0 : i32
        %dma_wait3A_494 = tpu.memref_slice %arg3[%add3A_486, %dma_wait3A_492, %dma_wait3A_493] : memref<2500x2x128xi32, #tpu.memory_space<hbm>> -> memref<1x2x128xi32, #tpu.memory_space<hbm>>
        %dma_wait3A_495 = tpu.memref_squeeze %dma_wait3A_494 : memref<1x2x128xi32, #tpu.memory_space<hbm>> -> memref<2x128xi32, #tpu.memory_space<hbm>>
        %dma_wait3A_496 = arith.constant 0 : i32
        %dma_wait3A_497 = arith.constant 0 : i32
        %dma_wait3A_498 = tpu.memref_slice %arg5[%dma_wait3A_487, %dma_wait3A_496, %dma_wait3A_497] : memref<6x2x128xi32, #tpu.memory_space<vmem>> -> memref<1x2x128xi32, #tpu.memory_space<vmem>>
        %dma_wait3A_499 = tpu.memref_squeeze %dma_wait3A_498 : memref<1x2x128xi32, #tpu.memory_space<vmem>> -> memref<2x128xi32, #tpu.memory_space<vmem>>
        %dma_wait3A_500 = arith.constant 0 : i32
        %dma_wait3A_501 = arith.constant 0 : i32
        %dma_wait3A_502 = tpu.memref_slice %arg3[%add3A_486, %dma_wait3A_500, %dma_wait3A_501] : memref<2500x2x128xi32, #tpu.memory_space<hbm>> -> memref<1x2x128xi32, #tpu.memory_space<hbm>>
        %dma_wait3A_503 = tpu.memref_squeeze %dma_wait3A_502 : memref<1x2x128xi32, #tpu.memory_space<hbm>> -> memref<2x128xi32, #tpu.memory_space<hbm>>
        tpu.wait_dma2 semaphore(%arg9 : memref<!tpu.dma_semaphore, #tpu.memory_space<semaphore_mem>>) src(%dma_wait3A_503 : memref<2x128xi32, #tpu.memory_space<hbm>>) dst(%dma_wait3A_499 : memref<2x128xi32, #tpu.memory_space<vmem>>)
        %dma_start3A_504 = arith.constant 0 : i32
        %dma_start3A_505 = arith.constant 0 : i32
        %dma_start3A_506 = arith.constant 0 : i32
        %dma_start3A_507 = arith.constant 0 : i32
        %dma_start3A_508 = arith.constant 0 : i32
        %dma_start3A_509 = tpu.memref_slice %arg7[%dma_start3A_506, %dma_start3A_507, %dma_start3A_508] : memref<6x128x64xf32, #tpu.memory_space<vmem>> -> memref<1x128x64xf32, #tpu.memory_space<vmem>>
        %dma_start3A_510 = tpu.memref_squeeze %dma_start3A_509 : memref<1x128x64xf32, #tpu.memory_space<vmem>> -> memref<128x64xf32, #tpu.memory_space<vmem>>
        %dma_start3A_511 = arith.constant 0 : i32
        %dma_start3A_512 = tpu.memref_slice %arg5[%dma_start3A_504, %dma_start3A_505, %dma_start3A_511] : memref<6x2x128xi32, #tpu.memory_space<vmem>> -> memref<1x1x128xi32, #tpu.memory_space<vmem>>
        %dma_start3A_513 = tpu.memref_squeeze %dma_start3A_512 : memref<1x1x128xi32, #tpu.memory_space<vmem>> -> memref<128xi32, #tpu.memory_space<vmem>>
        %dma_start3A_514 = arith.constant 0 : i32
        %dma_start3A_515 = arith.constant 0 : i32
        %dma_start3A_516 = tpu.memref_slice %arg2[%dma_start3A_514, %dma_start3A_515] : memref<10000x64xf32, #tpu.memory_space<hbm>> -> memref<10000x64xf32, #tpu.memory_space<hbm>>
        tpu.enqueue_indirect_dma source(%dma_start3A_516 : memref<10000x64xf32, #tpu.memory_space<hbm>>) target(%dma_start3A_510 : memref<128x64xf32, #tpu.memory_space<vmem>>) offsets(%dma_start3A_513 : memref<128xi32, #tpu.memory_space<vmem>>) semaphore(%arg10 : memref<!tpu.dma_semaphore, #tpu.memory_space<semaphore_mem>>)
      } else {
      }
      %dma_wait3A_393 = arith.constant 4 : i32
      %dma_wait3A_394 = arith.constant 0 : i32
      %dma_wait3A_395 = arith.constant 4 : i32
      %dma_wait3A_396 = arith.constant 0 : i32
      %dma_wait3A_397 = arith.constant 0 : i32
      %dma_wait3A_398 = tpu.memref_slice %arg7[%dma_wait3A_395, %dma_wait3A_396, %dma_wait3A_397] : memref<6x128x64xf32, #tpu.memory_space<vmem>> -> memref<1x128x64xf32, #tpu.memory_space<vmem>>
      %dma_wait3A_399 = tpu.memref_squeeze %dma_wait3A_398 : memref<1x128x64xf32, #tpu.memory_space<vmem>> -> memref<128x64xf32, #tpu.memory_space<vmem>>
      %dma_wait3A_400 = arith.constant 0 : i32
      %dma_wait3A_401 = tpu.memref_slice %arg5[%dma_wait3A_393, %dma_wait3A_394, %dma_wait3A_400] : memref<6x2x128xi32, #tpu.memory_space<vmem>> -> memref<1x1x128xi32, #tpu.memory_space<vmem>>
      %dma_wait3A_402 = tpu.memref_squeeze %dma_wait3A_401 : memref<1x1x128xi32, #tpu.memory_space<vmem>> -> memref<128xi32, #tpu.memory_space<vmem>>
      %dma_wait3A_403 = arith.constant 0 : i32
      %dma_wait3A_404 = arith.constant 0 : i32
      %dma_wait3A_405 = tpu.memref_slice %arg2[%dma_wait3A_403, %dma_wait3A_404] : memref<10000x64xf32, #tpu.memory_space<hbm>> -> memref<10000x64xf32, #tpu.memory_space<hbm>>
      tpu.wait_indirect_dma semaphore(%arg10 : memref<!tpu.dma_semaphore, #tpu.memory_space<semaphore_mem>>) src(%dma_wait3A_405 : memref<10000x64xf32, #tpu.memory_space<hbm>>) dst(%dma_wait3A_399 : memref<128x64xf32, #tpu.memory_space<vmem>>)
      %dma_start3A_406 = arith.constant 4 : i32
      %dma_start3A_407 = arith.constant 4 : i32
      %dma_start3A_408 = arith.constant 1 : i32
      %dma_start3A_409 = arith.constant 0 : i32
      %dma_start3A_410 = arith.constant 0 : i32
      %dma_start3A_411 = tpu.memref_slice %arg7[%dma_start3A_406, %dma_start3A_409, %dma_start3A_410] : memref<6x128x64xf32, #tpu.memory_space<vmem>> -> memref<1x128x64xf32, #tpu.memory_space<vmem>>
      %dma_start3A_412 = tpu.memref_squeeze %dma_start3A_411 : memref<1x128x64xf32, #tpu.memory_space<vmem>> -> memref<128x64xf32, #tpu.memory_space<vmem>>
      %dma_start3A_413 = arith.constant 0 : i32
      %dma_start3A_414 = tpu.memref_slice %arg5[%dma_start3A_407, %dma_start3A_408, %dma_start3A_413] : memref<6x2x128xi32, #tpu.memory_space<vmem>> -> memref<1x1x128xi32, #tpu.memory_space<vmem>>
      %dma_start3A_415 = tpu.memref_squeeze %dma_start3A_414 : memref<1x1x128xi32, #tpu.memory_space<vmem>> -> memref<128xi32, #tpu.memory_space<vmem>>
      %dma_start3A_416 = arith.constant 0 : i32
      %dma_start3A_417 = arith.constant 0 : i32
      %dma_start3A_418 = tpu.memref_slice %arg8[%dma_start3A_416, %dma_start3A_417] : memref<10000x64xf32, #tpu.memory_space<vmem_shared>> -> memref<10000x64xf32, #tpu.memory_space<vmem_shared>>
      tpu.enqueue_indirect_dma source(%dma_start3A_412 : memref<128x64xf32, #tpu.memory_space<vmem>>) target(%dma_start3A_418 : memref<10000x64xf32, #tpu.memory_space<vmem_shared>>) offsets(%dma_start3A_415 : memref<128xi32, #tpu.memory_space<vmem>>) semaphore(%arg11 : memref<!tpu.dma_semaphore, #tpu.memory_space<semaphore_mem>>) {add = true}
      %add3A_419 = arith.constant 3 : i32
      %add3A_420 = arith.addi %add3A_385, %add3A_419 : i32
      %ge3A_421 = arith.constant 6 : i32
      %ge3A_422 = arith.cmpi sge, %add3A_420, %ge3A_421 : i32
      %convert_element_type3A_423 = arith.extui %ge3A_422 : i1 to i32
      %cond3A_424 = arith.constant 0 : i32
      %cond3A_425 = arith.cmpi ne, %convert_element_type3A_423, %cond3A_424 : i32
      scf.if %cond3A_425 {
        %dma_wait3A_484 = arith.constant 1 : i32
        %dma_wait3A_485 = arith.constant 1 : i32
        %dma_wait3A_486 = arith.constant 1 : i32
        %dma_wait3A_487 = arith.constant 0 : i32
        %dma_wait3A_488 = arith.constant 0 : i32
        %dma_wait3A_489 = tpu.memref_slice %arg7[%dma_wait3A_484, %dma_wait3A_487, %dma_wait3A_488] : memref<6x128x64xf32, #tpu.memory_space<vmem>> -> memref<1x128x64xf32, #tpu.memory_space<vmem>>
        %dma_wait3A_490 = tpu.memref_squeeze %dma_wait3A_489 : memref<1x128x64xf32, #tpu.memory_space<vmem>> -> memref<128x64xf32, #tpu.memory_space<vmem>>
        %dma_wait3A_491 = arith.constant 0 : i32
        %dma_wait3A_492 = tpu.memref_slice %arg5[%dma_wait3A_485, %dma_wait3A_486, %dma_wait3A_491] : memref<6x2x128xi32, #tpu.memory_space<vmem>> -> memref<1x1x128xi32, #tpu.memory_space<vmem>>
        %dma_wait3A_493 = tpu.memref_squeeze %dma_wait3A_492 : memref<1x1x128xi32, #tpu.memory_space<vmem>> -> memref<128xi32, #tpu.memory_space<vmem>>
        %dma_wait3A_494 = arith.constant 0 : i32
        %dma_wait3A_495 = arith.constant 0 : i32
        %dma_wait3A_496 = tpu.memref_slice %arg8[%dma_wait3A_494, %dma_wait3A_495] : memref<10000x64xf32, #tpu.memory_space<vmem_shared>> -> memref<10000x64xf32, #tpu.memory_space<vmem_shared>>
        tpu.wait_indirect_dma semaphore(%arg11 : memref<!tpu.dma_semaphore, #tpu.memory_space<semaphore_mem>>) src(%dma_wait3A_490 : memref<128x64xf32, #tpu.memory_space<vmem>>) dst(%dma_wait3A_496 : memref<10000x64xf32, #tpu.memory_space<vmem_shared>>)
      } else {
      }
      %add3A_426 = arith.constant 3 : i32
      %add3A_427 = arith.addi %add3A_385, %add3A_426 : i32
      %lt3A_428 = arith.constant 78 : i32
      %lt3A_429 = arith.cmpi slt, %add3A_427, %lt3A_428 : i32
      %convert_element_type3A_430 = arith.extui %lt3A_429 : i1 to i32
      %cond3A_431 = arith.constant 0 : i32
      %cond3A_432 = arith.cmpi ne, %convert_element_type3A_430, %cond3A_431 : i32
      scf.if %cond3A_432 {
        %add3A_484 = arith.constant 3 : i32
        %add3A_485 = arith.addi %add3A_385, %add3A_484 : i32
        %add3A_486 = arith.addi %add3A, %add3A_485 : i32
        %dma_start3A_487 = arith.constant 1 : i32
        %dma_start3A_488 = arith.constant 0 : i32
        %dma_start3A_489 = arith.constant 0 : i32
        %dma_start3A_490 = tpu.memref_slice %arg5[%dma_start3A_487, %dma_start3A_488, %dma_start3A_489] : memref<6x2x128xi32, #tpu.memory_space<vmem>> -> memref<1x2x128xi32, #tpu.memory_space<vmem>>
        %dma_start3A_491 = tpu.memref_squeeze %dma_start3A_490 : memref<1x2x128xi32, #tpu.memory_space<vmem>> -> memref<2x128xi32, #tpu.memory_space<vmem>>
        %dma_start3A_492 = arith.constant 0 : i32
        %dma_start3A_493 = arith.constant 0 : i32
        %dma_start3A_494 = tpu.memref_slice %arg3[%add3A_486, %dma_start3A_492, %dma_start3A_493] : memref<2500x2x128xi32, #tpu.memory_space<hbm>> -> memref<1x2x128xi32, #tpu.memory_space<hbm>>
        %dma_start3A_495 = tpu.memref_squeeze %dma_start3A_494 : memref<1x2x128xi32, #tpu.memory_space<hbm>> -> memref<2x128xi32, #tpu.memory_space<hbm>>
        %dma_start3A_496 = arith.constant 0 : i32
        %dma_start3A_497 = arith.constant 0 : i32
        %dma_start3A_498 = tpu.memref_slice %arg5[%dma_start3A_487, %dma_start3A_496, %dma_start3A_497] : memref<6x2x128xi32, #tpu.memory_space<vmem>> -> memref<1x2x128xi32, #tpu.memory_space<vmem>>
        %dma_start3A_499 = tpu.memref_squeeze %dma_start3A_498 : memref<1x2x128xi32, #tpu.memory_space<vmem>> -> memref<2x128xi32, #tpu.memory_space<vmem>>
        %dma_start3A_500 = arith.constant 0 : i32
        %dma_start3A_501 = arith.constant 0 : i32
        %dma_start3A_502 = tpu.memref_slice %arg3[%add3A_486, %dma_start3A_500, %dma_start3A_501] : memref<2500x2x128xi32, #tpu.memory_space<hbm>> -> memref<1x2x128xi32, #tpu.memory_space<hbm>>
        %dma_start3A_503 = tpu.memref_squeeze %dma_start3A_502 : memref<1x2x128xi32, #tpu.memory_space<hbm>> -> memref<2x128xi32, #tpu.memory_space<hbm>>
        tpu.enqueue_dma source(%dma_start3A_503 : memref<2x128xi32, #tpu.memory_space<hbm>>) target(%dma_start3A_499 : memref<2x128xi32, #tpu.memory_space<vmem>>) target_semaphore(%arg9 : memref<!tpu.dma_semaphore, #tpu.memory_space<semaphore_mem>>)
      } else {
      }
      %mul3A_433 = arith.constant 6 : i32
      %mul3A_434 = arith.muli %scan3A_178, %mul3A_433 : i32
      %add3A_435 = arith.constant 5 : i32
      %add3A_436 = arith.addi %mul3A_434, %add3A_435 : i32
      %add3A_437 = arith.constant 2 : i32
      %add3A_438 = arith.addi %add3A_436, %add3A_437 : i32
      %lt3A_439 = arith.constant 78 : i32
      %lt3A_440 = arith.cmpi slt, %add3A_438, %lt3A_439 : i32
      %convert_element_type3A_441 = arith.extui %lt3A_440 : i1 to i32
      %cond3A_442 = arith.constant 0 : i32
      %cond3A_443 = arith.cmpi ne, %convert_element_type3A_441, %cond3A_442 : i32
      scf.if %cond3A_443 {
        %add3A_484 = arith.constant 2 : i32
        %add3A_485 = arith.addi %add3A_436, %add3A_484 : i32
        %add3A_486 = arith.addi %add3A, %add3A_485 : i32
        %dma_wait3A_487 = arith.constant 1 : i32
        %dma_wait3A_488 = arith.constant 0 : i32
        %dma_wait3A_489 = arith.constant 0 : i32
        %dma_wait3A_490 = tpu.memref_slice %arg5[%dma_wait3A_487, %dma_wait3A_488, %dma_wait3A_489] : memref<6x2x128xi32, #tpu.memory_space<vmem>> -> memref<1x2x128xi32, #tpu.memory_space<vmem>>
        %dma_wait3A_491 = tpu.memref_squeeze %dma_wait3A_490 : memref<1x2x128xi32, #tpu.memory_space<vmem>> -> memref<2x128xi32, #tpu.memory_space<vmem>>
        %dma_wait3A_492 = arith.constant 0 : i32
        %dma_wait3A_493 = arith.constant 0 : i32
        %dma_wait3A_494 = tpu.memref_slice %arg3[%add3A_486, %dma_wait3A_492, %dma_wait3A_493] : memref<2500x2x128xi32, #tpu.memory_space<hbm>> -> memref<1x2x128xi32, #tpu.memory_space<hbm>>
        %dma_wait3A_495 = tpu.memref_squeeze %dma_wait3A_494 : memref<1x2x128xi32, #tpu.memory_space<hbm>> -> memref<2x128xi32, #tpu.memory_space<hbm>>
        %dma_wait3A_496 = arith.constant 0 : i32
        %dma_wait3A_497 = arith.constant 0 : i32
        %dma_wait3A_498 = tpu.memref_slice %arg5[%dma_wait3A_487, %dma_wait3A_496, %dma_wait3A_497] : memref<6x2x128xi32, #tpu.memory_space<vmem>> -> memref<1x2x128xi32, #tpu.memory_space<vmem>>
        %dma_wait3A_499 = tpu.memref_squeeze %dma_wait3A_498 : memref<1x2x128xi32, #tpu.memory_space<vmem>> -> memref<2x128xi32, #tpu.memory_space<vmem>>
        %dma_wait3A_500 = arith.constant 0 : i32
        %dma_wait3A_501 = arith.constant 0 : i32
        %dma_wait3A_502 = tpu.memref_slice %arg3[%add3A_486, %dma_wait3A_500, %dma_wait3A_501] : memref<2500x2x128xi32, #tpu.memory_space<hbm>> -> memref<1x2x128xi32, #tpu.memory_space<hbm>>
        %dma_wait3A_503 = tpu.memref_squeeze %dma_wait3A_502 : memref<1x2x128xi32, #tpu.memory_space<hbm>> -> memref<2x128xi32, #tpu.memory_space<hbm>>
        tpu.wait_dma2 semaphore(%arg9 : memref<!tpu.dma_semaphore, #tpu.memory_space<semaphore_mem>>) src(%dma_wait3A_503 : memref<2x128xi32, #tpu.memory_space<hbm>>) dst(%dma_wait3A_499 : memref<2x128xi32, #tpu.memory_space<vmem>>)
        %dma_start3A_504 = arith.constant 1 : i32
        %dma_start3A_505 = arith.constant 0 : i32
        %dma_start3A_506 = arith.constant 1 : i32
        %dma_start3A_507 = arith.constant 0 : i32
        %dma_start3A_508 = arith.constant 0 : i32
        %dma_start3A_509 = tpu.memref_slice %arg7[%dma_start3A_506, %dma_start3A_507, %dma_start3A_508] : memref<6x128x64xf32, #tpu.memory_space<vmem>> -> memref<1x128x64xf32, #tpu.memory_space<vmem>>
        %dma_start3A_510 = tpu.memref_squeeze %dma_start3A_509 : memref<1x128x64xf32, #tpu.memory_space<vmem>> -> memref<128x64xf32, #tpu.memory_space<vmem>>
        %dma_start3A_511 = arith.constant 0 : i32
        %dma_start3A_512 = tpu.memref_slice %arg5[%dma_start3A_504, %dma_start3A_505, %dma_start3A_511] : memref<6x2x128xi32, #tpu.memory_space<vmem>> -> memref<1x1x128xi32, #tpu.memory_space<vmem>>
        %dma_start3A_513 = tpu.memref_squeeze %dma_start3A_512 : memref<1x1x128xi32, #tpu.memory_space<vmem>> -> memref<128xi32, #tpu.memory_space<vmem>>
        %dma_start3A_514 = arith.constant 0 : i32
        %dma_start3A_515 = arith.constant 0 : i32
        %dma_start3A_516 = tpu.memref_slice %arg2[%dma_start3A_514, %dma_start3A_515] : memref<10000x64xf32, #tpu.memory_space<hbm>> -> memref<10000x64xf32, #tpu.memory_space<hbm>>
        tpu.enqueue_indirect_dma source(%dma_start3A_516 : memref<10000x64xf32, #tpu.memory_space<hbm>>) target(%dma_start3A_510 : memref<128x64xf32, #tpu.memory_space<vmem>>) offsets(%dma_start3A_513 : memref<128xi32, #tpu.memory_space<vmem>>) semaphore(%arg10 : memref<!tpu.dma_semaphore, #tpu.memory_space<semaphore_mem>>)
      } else {
      }
      %dma_wait3A_444 = arith.constant 5 : i32
      %dma_wait3A_445 = arith.constant 0 : i32
      %dma_wait3A_446 = arith.constant 5 : i32
      %dma_wait3A_447 = arith.constant 0 : i32
      %dma_wait3A_448 = arith.constant 0 : i32
      %dma_wait3A_449 = tpu.memref_slice %arg7[%dma_wait3A_446, %dma_wait3A_447, %dma_wait3A_448] : memref<6x128x64xf32, #tpu.memory_space<vmem>> -> memref<1x128x64xf32, #tpu.memory_space<vmem>>
      %dma_wait3A_450 = tpu.memref_squeeze %dma_wait3A_449 : memref<1x128x64xf32, #tpu.memory_space<vmem>> -> memref<128x64xf32, #tpu.memory_space<vmem>>
      %dma_wait3A_451 = arith.constant 0 : i32
      %dma_wait3A_452 = tpu.memref_slice %arg5[%dma_wait3A_444, %dma_wait3A_445, %dma_wait3A_451] : memref<6x2x128xi32, #tpu.memory_space<vmem>> -> memref<1x1x128xi32, #tpu.memory_space<vmem>>
      %dma_wait3A_453 = tpu.memref_squeeze %dma_wait3A_452 : memref<1x1x128xi32, #tpu.memory_space<vmem>> -> memref<128xi32, #tpu.memory_space<vmem>>
      %dma_wait3A_454 = arith.constant 0 : i32
      %dma_wait3A_455 = arith.constant 0 : i32
      %dma_wait3A_456 = tpu.memref_slice %arg2[%dma_wait3A_454, %dma_wait3A_455] : memref<10000x64xf32, #tpu.memory_space<hbm>> -> memref<10000x64xf32, #tpu.memory_space<hbm>>
      tpu.wait_indirect_dma semaphore(%arg10 : memref<!tpu.dma_semaphore, #tpu.memory_space<semaphore_mem>>) src(%dma_wait3A_456 : memref<10000x64xf32, #tpu.memory_space<hbm>>) dst(%dma_wait3A_450 : memref<128x64xf32, #tpu.memory_space<vmem>>)
      %dma_start3A_457 = arith.constant 5 : i32
      %dma_start3A_458 = arith.constant 5 : i32
      %dma_start3A_459 = arith.constant 1 : i32
      %dma_start3A_460 = arith.constant 0 : i32
      %dma_start3A_461 = arith.constant 0 : i32
      %dma_start3A_462 = tpu.memref_slice %arg7[%dma_start3A_457, %dma_start3A_460, %dma_start3A_461] : memref<6x128x64xf32, #tpu.memory_space<vmem>> -> memref<1x128x64xf32, #tpu.memory_space<vmem>>
      %dma_start3A_463 = tpu.memref_squeeze %dma_start3A_462 : memref<1x128x64xf32, #tpu.memory_space<vmem>> -> memref<128x64xf32, #tpu.memory_space<vmem>>
      %dma_start3A_464 = arith.constant 0 : i32
      %dma_start3A_465 = tpu.memref_slice %arg5[%dma_start3A_458, %dma_start3A_459, %dma_start3A_464] : memref<6x2x128xi32, #tpu.memory_space<vmem>> -> memref<1x1x128xi32, #tpu.memory_space<vmem>>
      %dma_start3A_466 = tpu.memref_squeeze %dma_start3A_465 : memref<1x1x128xi32, #tpu.memory_space<vmem>> -> memref<128xi32, #tpu.memory_space<vmem>>
      %dma_start3A_467 = arith.constant 0 : i32
      %dma_start3A_468 = arith.constant 0 : i32
      %dma_start3A_469 = tpu.memref_slice %arg8[%dma_start3A_467, %dma_start3A_468] : memref<10000x64xf32, #tpu.memory_space<vmem_shared>> -> memref<10000x64xf32, #tpu.memory_space<vmem_shared>>
      tpu.enqueue_indirect_dma source(%dma_start3A_463 : memref<128x64xf32, #tpu.memory_space<vmem>>) target(%dma_start3A_469 : memref<10000x64xf32, #tpu.memory_space<vmem_shared>>) offsets(%dma_start3A_466 : memref<128xi32, #tpu.memory_space<vmem>>) semaphore(%arg11 : memref<!tpu.dma_semaphore, #tpu.memory_space<semaphore_mem>>) {add = true}
      %add3A_470 = arith.constant 3 : i32
      %add3A_471 = arith.addi %add3A_436, %add3A_470 : i32
      %ge3A_472 = arith.constant 6 : i32
      %ge3A_473 = arith.cmpi sge, %add3A_471, %ge3A_472 : i32
      %convert_element_type3A_474 = arith.extui %ge3A_473 : i1 to i32
      %cond3A_475 = arith.constant 0 : i32
      %cond3A_476 = arith.cmpi ne, %convert_element_type3A_474, %cond3A_475 : i32
      scf.if %cond3A_476 {
        %dma_wait3A_484 = arith.constant 2 : i32
        %dma_wait3A_485 = arith.constant 2 : i32
        %dma_wait3A_486 = arith.constant 1 : i32
        %dma_wait3A_487 = arith.constant 0 : i32
        %dma_wait3A_488 = arith.constant 0 : i32
        %dma_wait3A_489 = tpu.memref_slice %arg7[%dma_wait3A_484, %dma_wait3A_487, %dma_wait3A_488] : memref<6x128x64xf32, #tpu.memory_space<vmem>> -> memref<1x128x64xf32, #tpu.memory_space<vmem>>
        %dma_wait3A_490 = tpu.memref_squeeze %dma_wait3A_489 : memref<1x128x64xf32, #tpu.memory_space<vmem>> -> memref<128x64xf32, #tpu.memory_space<vmem>>
        %dma_wait3A_491 = arith.constant 0 : i32
        %dma_wait3A_492 = tpu.memref_slice %arg5[%dma_wait3A_485, %dma_wait3A_486, %dma_wait3A_491] : memref<6x2x128xi32, #tpu.memory_space<vmem>> -> memref<1x1x128xi32, #tpu.memory_space<vmem>>
        %dma_wait3A_493 = tpu.memref_squeeze %dma_wait3A_492 : memref<1x1x128xi32, #tpu.memory_space<vmem>> -> memref<128xi32, #tpu.memory_space<vmem>>
        %dma_wait3A_494 = arith.constant 0 : i32
        %dma_wait3A_495 = arith.constant 0 : i32
        %dma_wait3A_496 = tpu.memref_slice %arg8[%dma_wait3A_494, %dma_wait3A_495] : memref<10000x64xf32, #tpu.memory_space<vmem_shared>> -> memref<10000x64xf32, #tpu.memory_space<vmem_shared>>
        tpu.wait_indirect_dma semaphore(%arg11 : memref<!tpu.dma_semaphore, #tpu.memory_space<semaphore_mem>>) src(%dma_wait3A_490 : memref<128x64xf32, #tpu.memory_space<vmem>>) dst(%dma_wait3A_496 : memref<10000x64xf32, #tpu.memory_space<vmem_shared>>)
      } else {
      }
      %add3A_477 = arith.constant 3 : i32
      %add3A_478 = arith.addi %add3A_436, %add3A_477 : i32
      %lt3A_479 = arith.constant 78 : i32
      %lt3A_480 = arith.cmpi slt, %add3A_478, %lt3A_479 : i32
      %convert_element_type3A_481 = arith.extui %lt3A_480 : i1 to i32
      %cond3A_482 = arith.constant 0 : i32
      %cond3A_483 = arith.cmpi ne, %convert_element_type3A_481, %cond3A_482 : i32
      scf.if %cond3A_483 {
        %add3A_484 = arith.constant 3 : i32
        %add3A_485 = arith.addi %add3A_436, %add3A_484 : i32
        %add3A_486 = arith.addi %add3A, %add3A_485 : i32
        %dma_start3A_487 = arith.constant 2 : i32
        %dma_start3A_488 = arith.constant 0 : i32
        %dma_start3A_489 = arith.constant 0 : i32
        %dma_start3A_490 = tpu.memref_slice %arg5[%dma_start3A_487, %dma_start3A_488, %dma_start3A_489] : memref<6x2x128xi32, #tpu.memory_space<vmem>> -> memref<1x2x128xi32, #tpu.memory_space<vmem>>
        %dma_start3A_491 = tpu.memref_squeeze %dma_start3A_490 : memref<1x2x128xi32, #tpu.memory_space<vmem>> -> memref<2x128xi32, #tpu.memory_space<vmem>>
        %dma_start3A_492 = arith.constant 0 : i32
        %dma_start3A_493 = arith.constant 0 : i32
        %dma_start3A_494 = tpu.memref_slice %arg3[%add3A_486, %dma_start3A_492, %dma_start3A_493] : memref<2500x2x128xi32, #tpu.memory_space<hbm>> -> memref<1x2x128xi32, #tpu.memory_space<hbm>>
        %dma_start3A_495 = tpu.memref_squeeze %dma_start3A_494 : memref<1x2x128xi32, #tpu.memory_space<hbm>> -> memref<2x128xi32, #tpu.memory_space<hbm>>
        %dma_start3A_496 = arith.constant 0 : i32
        %dma_start3A_497 = arith.constant 0 : i32
        %dma_start3A_498 = tpu.memref_slice %arg5[%dma_start3A_487, %dma_start3A_496, %dma_start3A_497] : memref<6x2x128xi32, #tpu.memory_space<vmem>> -> memref<1x2x128xi32, #tpu.memory_space<vmem>>
        %dma_start3A_499 = tpu.memref_squeeze %dma_start3A_498 : memref<1x2x128xi32, #tpu.memory_space<vmem>> -> memref<2x128xi32, #tpu.memory_space<vmem>>
        %dma_start3A_500 = arith.constant 0 : i32
        %dma_start3A_501 = arith.constant 0 : i32
        %dma_start3A_502 = tpu.memref_slice %arg3[%add3A_486, %dma_start3A_500, %dma_start3A_501] : memref<2500x2x128xi32, #tpu.memory_space<hbm>> -> memref<1x2x128xi32, #tpu.memory_space<hbm>>
        %dma_start3A_503 = tpu.memref_squeeze %dma_start3A_502 : memref<1x2x128xi32, #tpu.memory_space<hbm>> -> memref<2x128xi32, #tpu.memory_space<hbm>>
        tpu.enqueue_dma source(%dma_start3A_503 : memref<2x128xi32, #tpu.memory_space<hbm>>) target(%dma_start3A_499 : memref<2x128xi32, #tpu.memory_space<vmem>>) target_semaphore(%arg9 : memref<!tpu.dma_semaphore, #tpu.memory_space<semaphore_mem>>)
      } else {
      }
    }
    %scan3A_128 = arith.constant 13 : i32
    %dma_wait3A_129 = arith.constant 5 : i32
    %dma_wait3A_130 = arith.constant 5 : i32
    %dma_wait3A_131 = arith.constant 1 : i32
    %dma_wait3A_132 = arith.constant 0 : i32
    %dma_wait3A_133 = arith.constant 0 : i32
    %dma_wait3A_134 = tpu.memref_slice %arg7[%dma_wait3A_129, %dma_wait3A_132, %dma_wait3A_133] : memref<6x128x64xf32, #tpu.memory_space<vmem>> -> memref<1x128x64xf32, #tpu.memory_space<vmem>>
    %dma_wait3A_135 = tpu.memref_squeeze %dma_wait3A_134 : memref<1x128x64xf32, #tpu.memory_space<vmem>> -> memref<128x64xf32, #tpu.memory_space<vmem>>
    %dma_wait3A_136 = arith.constant 0 : i32
    %dma_wait3A_137 = tpu.memref_slice %arg5[%dma_wait3A_130, %dma_wait3A_131, %dma_wait3A_136] : memref<6x2x128xi32, #tpu.memory_space<vmem>> -> memref<1x1x128xi32, #tpu.memory_space<vmem>>
    %dma_wait3A_138 = tpu.memref_squeeze %dma_wait3A_137 : memref<1x1x128xi32, #tpu.memory_space<vmem>> -> memref<128xi32, #tpu.memory_space<vmem>>
    %dma_wait3A_139 = arith.constant 0 : i32
    %dma_wait3A_140 = arith.constant 0 : i32
    %dma_wait3A_141 = tpu.memref_slice %arg8[%dma_wait3A_139, %dma_wait3A_140] : memref<10000x64xf32, #tpu.memory_space<vmem_shared>> -> memref<10000x64xf32, #tpu.memory_space<vmem_shared>>
    tpu.wait_indirect_dma semaphore(%arg11 : memref<!tpu.dma_semaphore, #tpu.memory_space<semaphore_mem>>) src(%dma_wait3A_135 : memref<128x64xf32, #tpu.memory_space<vmem>>) dst(%dma_wait3A_141 : memref<10000x64xf32, #tpu.memory_space<vmem_shared>>)
    %dma_wait3A_142 = arith.constant 4 : i32
    %dma_wait3A_143 = arith.constant 4 : i32
    %dma_wait3A_144 = arith.constant 1 : i32
    %dma_wait3A_145 = arith.constant 0 : i32
    %dma_wait3A_146 = arith.constant 0 : i32
    %dma_wait3A_147 = tpu.memref_slice %arg7[%dma_wait3A_142, %dma_wait3A_145, %dma_wait3A_146] : memref<6x128x64xf32, #tpu.memory_space<vmem>> -> memref<1x128x64xf32, #tpu.memory_space<vmem>>
    %dma_wait3A_148 = tpu.memref_squeeze %dma_wait3A_147 : memref<1x128x64xf32, #tpu.memory_space<vmem>> -> memref<128x64xf32, #tpu.memory_space<vmem>>
    %dma_wait3A_149 = arith.constant 0 : i32
    %dma_wait3A_150 = tpu.memref_slice %arg5[%dma_wait3A_143, %dma_wait3A_144, %dma_wait3A_149] : memref<6x2x128xi32, #tpu.memory_space<vmem>> -> memref<1x1x128xi32, #tpu.memory_space<vmem>>
    %dma_wait3A_151 = tpu.memref_squeeze %dma_wait3A_150 : memref<1x1x128xi32, #tpu.memory_space<vmem>> -> memref<128xi32, #tpu.memory_space<vmem>>
    %dma_wait3A_152 = arith.constant 0 : i32
    %dma_wait3A_153 = arith.constant 0 : i32
    %dma_wait3A_154 = tpu.memref_slice %arg8[%dma_wait3A_152, %dma_wait3A_153] : memref<10000x64xf32, #tpu.memory_space<vmem_shared>> -> memref<10000x64xf32, #tpu.memory_space<vmem_shared>>
    tpu.wait_indirect_dma semaphore(%arg11 : memref<!tpu.dma_semaphore, #tpu.memory_space<semaphore_mem>>) src(%dma_wait3A_148 : memref<128x64xf32, #tpu.memory_space<vmem>>) dst(%dma_wait3A_154 : memref<10000x64xf32, #tpu.memory_space<vmem_shared>>)
    %dma_wait3A_155 = arith.constant 3 : i32
    %dma_wait3A_156 = arith.constant 3 : i32
    %dma_wait3A_157 = arith.constant 1 : i32
    %dma_wait3A_158 = arith.constant 0 : i32
    %dma_wait3A_159 = arith.constant 0 : i32
    %dma_wait3A_160 = tpu.memref_slice %arg7[%dma_wait3A_155, %dma_wait3A_158, %dma_wait3A_159] : memref<6x128x64xf32, #tpu.memory_space<vmem>> -> memref<1x128x64xf32, #tpu.memory_space<vmem>>
    %dma_wait3A_161 = tpu.memref_squeeze %dma_wait3A_160 : memref<1x128x64xf32, #tpu.memory_space<vmem>> -> memref<128x64xf32, #tpu.memory_space<vmem>>
    %dma_wait3A_162 = arith.constant 0 : i32
    %dma_wait3A_163 = tpu.memref_slice %arg5[%dma_wait3A_156, %dma_wait3A_157, %dma_wait3A_162] : memref<6x2x128xi32, #tpu.memory_space<vmem>> -> memref<1x1x128xi32, #tpu.memory_space<vmem>>
    %dma_wait3A_164 = tpu.memref_squeeze %dma_wait3A_163 : memref<1x1x128xi32, #tpu.memory_space<vmem>> -> memref<128xi32, #tpu.memory_space<vmem>>
    %dma_wait3A_165 = arith.constant 0 : i32
    %dma_wait3A_166 = arith.constant 0 : i32
    %dma_wait3A_167 = tpu.memref_slice %arg8[%dma_wait3A_165, %dma_wait3A_166] : memref<10000x64xf32, #tpu.memory_space<vmem_shared>> -> memref<10000x64xf32, #tpu.memory_space<vmem_shared>>
    tpu.wait_indirect_dma semaphore(%arg11 : memref<!tpu.dma_semaphore, #tpu.memory_space<semaphore_mem>>) src(%dma_wait3A_161 : memref<128x64xf32, #tpu.memory_space<vmem>>) dst(%dma_wait3A_167 : memref<10000x64xf32, #tpu.memory_space<vmem_shared>>)
    %scan3A_168 = arith.constant 0 : i32
    %scan3A_169 = arith.constant 78 : i32
    %scan3A_170 = arith.constant 0 : i32
    %scan3A_171 = arith.addi %scan3A_169, %scan3A_170 : i32
    %scan3A_172 = arith.constant 0 : i32
    %lt3A = arith.constant 2 : i32
    %lt3A_173 = arith.cmpi slt, %arg1, %lt3A : i32
    %convert_element_type3A = arith.extui %lt3A_173 : i1 to i32
    %cond3A = arith.constant 0 : i32
    %cond3A_174 = arith.cmpi ne, %convert_element_type3A, %cond3A : i32
    scf.if %cond3A_174 {
      %mul3A_178 = arith.constant 1250 : i32
      %mul3A_179 = arith.muli %arg0, %mul3A_178 : i32
      %add3A_180 = arith.constant 1248 : i32
      %add3A_181 = arith.addi %mul3A_179, %add3A_180 : i32
      %add3A_182 = arith.addi %add3A_181, %arg1 : i32
      "tpu.region"() ({
        %run_scoped3A_208 = tpu.sem_alloc : memref<!tpu.dma_semaphore, #tpu.memory_space<semaphore_mem>>
        %dma_start3A_209 = arith.constant 0 : i32
        %dma_start3A_210 = arith.constant 0 : i32
        %dma_start3A_211 = tpu.memref_slice %arg3[%add3A_182, %dma_start3A_209, %dma_start3A_210] : memref<2500x2x128xi32, #tpu.memory_space<hbm>> -> memref<1x2x128xi32, #tpu.memory_space<hbm>>
        %dma_start3A_212 = tpu.memref_squeeze %dma_start3A_211 : memref<1x2x128xi32, #tpu.memory_space<hbm>> -> memref<2x128xi32, #tpu.memory_space<hbm>>
        %dma_start3A_213 = arith.constant 0 : i32
        %dma_start3A_214 = arith.constant 0 : i32
        %dma_start3A_215 = tpu.memref_slice %arg3[%add3A_182, %dma_start3A_213, %dma_start3A_214] : memref<2500x2x128xi32, #tpu.memory_space<hbm>> -> memref<1x2x128xi32, #tpu.memory_space<hbm>>
        %dma_start3A_216 = tpu.memref_squeeze %dma_start3A_215 : memref<1x2x128xi32, #tpu.memory_space<hbm>> -> memref<2x128xi32, #tpu.memory_space<hbm>>
        tpu.enqueue_dma source(%dma_start3A_216 : memref<2x128xi32, #tpu.memory_space<hbm>>) target(%arg6 : memref<2x128xi32, #tpu.memory_space<vmem>>) target_semaphore(%run_scoped3A_208 : memref<!tpu.dma_semaphore, #tpu.memory_space<semaphore_mem>>)
        %dma_wait3A_217 = arith.constant 0 : i32
        %dma_wait3A_218 = arith.constant 0 : i32
        %dma_wait3A_219 = tpu.memref_slice %arg3[%add3A_182, %dma_wait3A_217, %dma_wait3A_218] : memref<2500x2x128xi32, #tpu.memory_space<hbm>> -> memref<1x2x128xi32, #tpu.memory_space<hbm>>
        %dma_wait3A_220 = tpu.memref_squeeze %dma_wait3A_219 : memref<1x2x128xi32, #tpu.memory_space<hbm>> -> memref<2x128xi32, #tpu.memory_space<hbm>>
        %dma_wait3A_221 = arith.constant 0 : i32
        %dma_wait3A_222 = arith.constant 0 : i32
        %dma_wait3A_223 = tpu.memref_slice %arg3[%add3A_182, %dma_wait3A_221, %dma_wait3A_222] : memref<2500x2x128xi32, #tpu.memory_space<hbm>> -> memref<1x2x128xi32, #tpu.memory_space<hbm>>
        %dma_wait3A_224 = tpu.memref_squeeze %dma_wait3A_223 : memref<1x2x128xi32, #tpu.memory_space<hbm>> -> memref<2x128xi32, #tpu.memory_space<hbm>>
        tpu.wait_dma2 semaphore(%run_scoped3A_208 : memref<!tpu.dma_semaphore, #tpu.memory_space<semaphore_mem>>) src(%dma_wait3A_224 : memref<2x128xi32, #tpu.memory_space<hbm>>) dst(%arg6 : memref<2x128xi32, #tpu.memory_space<vmem>>)
        tpu.yield
      }) : () -> ()
      %dma_start3A_183 = arith.constant 0 : i32
      %dma_start3A_184 = arith.constant 0 : i32
      %dma_start3A_185 = arith.constant 0 : i32
      %dma_start3A_186 = arith.constant 0 : i32
      %dma_start3A_187 = tpu.memref_slice %arg7[%dma_start3A_184, %dma_start3A_185, %dma_start3A_186] : memref<6x128x64xf32, #tpu.memory_space<vmem>> -> memref<1x128x64xf32, #tpu.memory_space<vmem>>
      %dma_start3A_188 = tpu.memref_squeeze %dma_start3A_187 : memref<1x128x64xf32, #tpu.memory_space<vmem>> -> memref<128x64xf32, #tpu.memory_space<vmem>>
      %dma_start3A_189 = arith.constant 0 : i32
      %dma_start3A_190 = tpu.memref_slice %arg6[%dma_start3A_183, %dma_start3A_189] : memref<2x128xi32, #tpu.memory_space<vmem>> -> memref<1x128xi32, #tpu.memory_space<vmem>>
      %dma_start3A_191 = tpu.memref_squeeze %dma_start3A_190 : memref<1x128xi32, #tpu.memory_space<vmem>> -> memref<128xi32, #tpu.memory_space<vmem>>
      %dma_start3A_192 = arith.constant 0 : i32
      %dma_start3A_193 = arith.constant 0 : i32
      %dma_start3A_194 = tpu.memref_slice %arg2[%dma_start3A_192, %dma_start3A_193] : memref<10000x64xf32, #tpu.memory_space<hbm>> -> memref<10000x64xf32, #tpu.memory_space<hbm>>
      tpu.enqueue_indirect_dma source(%dma_start3A_194 : memref<10000x64xf32, #tpu.memory_space<hbm>>) target(%dma_start3A_188 : memref<128x64xf32, #tpu.memory_space<vmem>>) offsets(%dma_start3A_191 : memref<128xi32, #tpu.memory_space<vmem>>) semaphore(%arg10 : memref<!tpu.dma_semaphore, #tpu.memory_space<semaphore_mem>>)
      %dma_wait3A_195 = arith.constant 0 : i32
      %dma_wait3A_196 = arith.constant 0 : i32
      %dma_wait3A_197 = arith.constant 0 : i32
      %dma_wait3A_198 = arith.constant 0 : i32
      %dma_wait3A_199 = tpu.memref_slice %arg7[%dma_wait3A_196, %dma_wait3A_197, %dma_wait3A_198] : memref<6x128x64xf32, #tpu.memory_space<vmem>> -> memref<1x128x64xf32, #tpu.memory_space<vmem>>
      %dma_wait3A_200 = tpu.memref_squeeze %dma_wait3A_199 : memref<1x128x64xf32, #tpu.memory_space<vmem>> -> memref<128x64xf32, #tpu.memory_space<vmem>>
      %dma_wait3A_201 = arith.constant 0 : i32
      %dma_wait3A_202 = tpu.memref_slice %arg6[%dma_wait3A_195, %dma_wait3A_201] : memref<2x128xi32, #tpu.memory_space<vmem>> -> memref<1x128xi32, #tpu.memory_space<vmem>>
      %dma_wait3A_203 = tpu.memref_squeeze %dma_wait3A_202 : memref<1x128xi32, #tpu.memory_space<vmem>> -> memref<128xi32, #tpu.memory_space<vmem>>
      %dma_wait3A_204 = arith.constant 0 : i32
      %dma_wait3A_205 = arith.constant 0 : i32
      %dma_wait3A_206 = tpu.memref_slice %arg2[%dma_wait3A_204, %dma_wait3A_205] : memref<10000x64xf32, #tpu.memory_space<hbm>> -> memref<10000x64xf32, #tpu.memory_space<hbm>>
      tpu.wait_indirect_dma semaphore(%arg10 : memref<!tpu.dma_semaphore, #tpu.memory_space<semaphore_mem>>) src(%dma_wait3A_206 : memref<10000x64xf32, #tpu.memory_space<hbm>>) dst(%dma_wait3A_200 : memref<128x64xf32, #tpu.memory_space<vmem>>)
      %run_scoped3A = arith.constant 0 : i32
      %run_scoped3A_207 = arith.constant 1 : i32
      "tpu.region"() ({
        %run_scoped3A_208 = tpu.sem_alloc : memref<!tpu.dma_semaphore, #tpu.memory_space<semaphore_mem>>
        %dma_start3A_209 = arith.constant 0 : i32
        %dma_start3A_210 = arith.constant 0 : i32
        %dma_start3A_211 = tpu.memref_slice %arg7[%run_scoped3A, %dma_start3A_209, %dma_start3A_210] : memref<6x128x64xf32, #tpu.memory_space<vmem>> -> memref<1x128x64xf32, #tpu.memory_space<vmem>>
        %dma_start3A_212 = tpu.memref_squeeze %dma_start3A_211 : memref<1x128x64xf32, #tpu.memory_space<vmem>> -> memref<128x64xf32, #tpu.memory_space<vmem>>
        %dma_start3A_213 = arith.constant 0 : i32
        %dma_start3A_214 = tpu.memref_slice %arg6[%run_scoped3A_207, %dma_start3A_213] : memref<2x128xi32, #tpu.memory_space<vmem>> -> memref<1x128xi32, #tpu.memory_space<vmem>>
        %dma_start3A_215 = tpu.memref_squeeze %dma_start3A_214 : memref<1x128xi32, #tpu.memory_space<vmem>> -> memref<128xi32, #tpu.memory_space<vmem>>
        %dma_start3A_216 = arith.constant 0 : i32
        %dma_start3A_217 = arith.constant 0 : i32
        %dma_start3A_218 = tpu.memref_slice %arg8[%dma_start3A_216, %dma_start3A_217] : memref<10000x64xf32, #tpu.memory_space<vmem_shared>> -> memref<10000x64xf32, #tpu.memory_space<vmem_shared>>
        tpu.enqueue_indirect_dma source(%dma_start3A_212 : memref<128x64xf32, #tpu.memory_space<vmem>>) target(%dma_start3A_218 : memref<10000x64xf32, #tpu.memory_space<vmem_shared>>) offsets(%dma_start3A_215 : memref<128xi32, #tpu.memory_space<vmem>>) semaphore(%run_scoped3A_208 : memref<!tpu.dma_semaphore, #tpu.memory_space<semaphore_mem>>) {add = true}
        %dma_wait3A_219 = arith.constant 0 : i32
        %dma_wait3A_220 = arith.constant 0 : i32
        %dma_wait3A_221 = tpu.memref_slice %arg7[%run_scoped3A, %dma_wait3A_219, %dma_wait3A_220] : memref<6x128x64xf32, #tpu.memory_space<vmem>> -> memref<1x128x64xf32, #tpu.memory_space<vmem>>
        %dma_wait3A_222 = tpu.memref_squeeze %dma_wait3A_221 : memref<1x128x64xf32, #tpu.memory_space<vmem>> -> memref<128x64xf32, #tpu.memory_space<vmem>>
        %dma_wait3A_223 = arith.constant 0 : i32
        %dma_wait3A_224 = tpu.memref_slice %arg6[%run_scoped3A_207, %dma_wait3A_223] : memref<2x128xi32, #tpu.memory_space<vmem>> -> memref<1x128xi32, #tpu.memory_space<vmem>>
        %dma_wait3A_225 = tpu.memref_squeeze %dma_wait3A_224 : memref<1x128xi32, #tpu.memory_space<vmem>> -> memref<128xi32, #tpu.memory_space<vmem>>
        %dma_wait3A_226 = arith.constant 0 : i32
        %dma_wait3A_227 = arith.constant 0 : i32
        %dma_wait3A_228 = tpu.memref_slice %arg8[%dma_wait3A_226, %dma_wait3A_227] : memref<10000x64xf32, #tpu.memory_space<vmem_shared>> -> memref<10000x64xf32, #tpu.memory_space<vmem_shared>>
        tpu.wait_indirect_dma semaphore(%run_scoped3A_208 : memref<!tpu.dma_semaphore, #tpu.memory_space<semaphore_mem>>) src(%dma_wait3A_222 : memref<128x64xf32, #tpu.memory_space<vmem>>) dst(%dma_wait3A_228 : memref<10000x64xf32, #tpu.memory_space<vmem_shared>>)
        tpu.yield
      }) : () -> ()
    } else {
    }
    %barrier3A_175 = arith.constant 0 : index
    tpu.barrier barrier_id(%barrier3A_175)
    %mul3A_176 = arith.constant 64 : i32
    %mul3A_177 = arith.muli %arg0, %mul3A_176 : i32
    "tpu.region"() ({
      %run_scoped3A = tpu.sem_alloc : memref<!tpu.dma_semaphore, #tpu.memory_space<semaphore_mem>>
      %dma_start3A_178 = tpu.memref_slice %arg4[%mul3A_0, %mul3A_177] : memref<10000x128xf32, #tpu.memory_space<hbm>> -> memref<625x64xf32, #tpu.memory_space<hbm>>
      %dma_start3A_179 = arith.constant 0 : i32
      %dma_start3A_180 = tpu.memref_slice %arg8[%mul3A_0, %dma_start3A_179] : memref<10000x64xf32, #tpu.memory_space<vmem_shared>> -> memref<625x64xf32, #tpu.memory_space<vmem_shared>>
      tpu.enqueue_dma source(%dma_start3A_180 : memref<625x64xf32, #tpu.memory_space<vmem_shared>>) target(%dma_start3A_178 : memref<625x64xf32, #tpu.memory_space<hbm>>) target_semaphore(%run_scoped3A : memref<!tpu.dma_semaphore, #tpu.memory_space<semaphore_mem>>)
      %dma_wait3A_181 = tpu.memref_slice %arg4[%mul3A_0, %mul3A_177] : memref<10000x128xf32, #tpu.memory_space<hbm>> -> memref<625x64xf32, #tpu.memory_space<hbm>>
      %dma_wait3A_182 = arith.constant 0 : i32
      %dma_wait3A_183 = tpu.memref_slice %arg8[%mul3A_0, %dma_wait3A_182] : memref<10000x64xf32, #tpu.memory_space<vmem_shared>> -> memref<625x64xf32, #tpu.memory_space<vmem_shared>>
      tpu.wait_dma2 semaphore(%run_scoped3A : memref<!tpu.dma_semaphore, #tpu.memory_space<semaphore_mem>>) src(%dma_wait3A_183 : memref<625x64xf32, #tpu.memory_space<vmem_shared>>) dst(%dma_wait3A_181 : memref<625x64xf32, #tpu.memory_space<hbm>>)
      tpu.yield
    }) : () -> ()
    return
  }
}

#map = affine_map<(d0, d1) -> (0, 0)>
#map1 = affine_map<(d0, d1) -> (0, 0, 0)>
module attributes {stable_mosaic.version = 14 : i64} {
  func.func @body(%arg0: i32, %arg1: i32, %arg2: memref<10000x128xf32, #tpu.memory_space<hbm>>, %arg3: memref<2500x2x128xi32, #tpu.memory_space<hbm>>, %arg4: memref<2x10000x128xf32, #tpu.memory_space<hbm>>, %arg5: memref<3x2x128xi32, #tpu.memory_space<vmem>>, %arg6: memref<2x128xi32, #tpu.memory_space<vmem>>, %arg7: memref<3x128x128xf32, #tpu.memory_space<vmem>>, %arg8: memref<10000x128xf32, #tpu.memory_space<vmem_shared>>, %arg9: memref<!tpu.dma_semaphore, #tpu.memory_space<semaphore_mem>>, %arg10: memref<!tpu.dma_semaphore, #tpu.memory_space<semaphore_mem>>, %arg11: memref<!tpu.dma_semaphore, #tpu.memory_space<semaphore_mem>>) attributes {dimension_semantics = [#tpu.dimension_semantics<core_parallel>, #tpu.dimension_semantics<subcore_parallel>], iteration_bounds = array<i64: 2, 16>, scalar_prefetch = 0 : i64, scratch_operands = 7 : i64, tpu.core_type = #tpu.core_type<sc_vector_subcore>, window_params = [{transform_indices = #map}, {transform_indices = #map1}, {transform_indices = #map1}]} {
    %mul3A = arith.constant 625 : i32
    %mul3A_0 = arith.muli %arg1, %mul3A : i32
    %mul3A_1 = arith.constant 1250 : i32
    %mul3A_2 = arith.muli %arg0, %mul3A_1 : i32
    %mul3A_3 = arith.constant 78 : i32
    %mul3A_4 = arith.muli %arg1, %mul3A_3 : i32
    %add3A = arith.addi %mul3A_2, %mul3A_4 : i32
    "tpu.region"() ({
      %run_scoped3A = tpu.sem_alloc : memref<!tpu.dma_semaphore, #tpu.memory_space<semaphore_mem>>
      %dma_start3A_99 = arith.constant 0 : i32
      %dma_start3A_100 = tpu.memref_slice %arg8[%mul3A_0, %dma_start3A_99] : memref<10000x128xf32, #tpu.memory_space<vmem_shared>> -> memref<625x128xf32, #tpu.memory_space<vmem_shared>>
      %dma_start3A_101 = arith.constant 0 : i32
      %dma_start3A_102 = tpu.memref_slice %arg2[%mul3A_0, %dma_start3A_101] : memref<10000x128xf32, #tpu.memory_space<hbm>> -> memref<625x128xf32, #tpu.memory_space<hbm>>
      tpu.enqueue_dma source(%dma_start3A_102 : memref<625x128xf32, #tpu.memory_space<hbm>>) target(%dma_start3A_100 : memref<625x128xf32, #tpu.memory_space<vmem_shared>>) target_semaphore(%run_scoped3A : memref<!tpu.dma_semaphore, #tpu.memory_space<semaphore_mem>>)
      %dma_wait3A_103 = arith.constant 0 : i32
      %dma_wait3A_104 = tpu.memref_slice %arg8[%mul3A_0, %dma_wait3A_103] : memref<10000x128xf32, #tpu.memory_space<vmem_shared>> -> memref<625x128xf32, #tpu.memory_space<vmem_shared>>
      %dma_wait3A_105 = arith.constant 0 : i32
      %dma_wait3A_106 = tpu.memref_slice %arg2[%mul3A_0, %dma_wait3A_105] : memref<10000x128xf32, #tpu.memory_space<hbm>> -> memref<625x128xf32, #tpu.memory_space<hbm>>
      tpu.wait_dma2 semaphore(%run_scoped3A : memref<!tpu.dma_semaphore, #tpu.memory_space<semaphore_mem>>) src(%dma_wait3A_106 : memref<625x128xf32, #tpu.memory_space<hbm>>) dst(%dma_wait3A_104 : memref<625x128xf32, #tpu.memory_space<vmem_shared>>)
      tpu.yield
    }) : () -> ()
    %barrier3A = arith.constant 0 : index
    tpu.barrier barrier_id(%barrier3A)
    %add3A_5 = arith.constant 0 : i32
    %add3A_6 = arith.addi %add3A, %add3A_5 : i32
    %dma_start3A = arith.constant 0 : i32
    %dma_start3A_7 = arith.constant 0 : i32
    %dma_start3A_8 = arith.constant 0 : i32
    %dma_start3A_9 = tpu.memref_slice %arg5[%dma_start3A, %dma_start3A_7, %dma_start3A_8] : memref<3x2x128xi32, #tpu.memory_space<vmem>> -> memref<1x2x128xi32, #tpu.memory_space<vmem>>
    %dma_start3A_10 = tpu.memref_squeeze %dma_start3A_9 : memref<1x2x128xi32, #tpu.memory_space<vmem>> -> memref<2x128xi32, #tpu.memory_space<vmem>>
    %dma_start3A_11 = arith.constant 0 : i32
    %dma_start3A_12 = arith.constant 0 : i32
    %dma_start3A_13 = tpu.memref_slice %arg3[%add3A_6, %dma_start3A_11, %dma_start3A_12] : memref<2500x2x128xi32, #tpu.memory_space<hbm>> -> memref<1x2x128xi32, #tpu.memory_space<hbm>>
    %dma_start3A_14 = tpu.memref_squeeze %dma_start3A_13 : memref<1x2x128xi32, #tpu.memory_space<hbm>> -> memref<2x128xi32, #tpu.memory_space<hbm>>
    %dma_start3A_15 = arith.constant 0 : i32
    %dma_start3A_16 = arith.constant 0 : i32
    %dma_start3A_17 = tpu.memref_slice %arg5[%dma_start3A, %dma_start3A_15, %dma_start3A_16] : memref<3x2x128xi32, #tpu.memory_space<vmem>> -> memref<1x2x128xi32, #tpu.memory_space<vmem>>
    %dma_start3A_18 = tpu.memref_squeeze %dma_start3A_17 : memref<1x2x128xi32, #tpu.memory_space<vmem>> -> memref<2x128xi32, #tpu.memory_space<vmem>>
    %dma_start3A_19 = arith.constant 0 : i32
    %dma_start3A_20 = arith.constant 0 : i32
    %dma_start3A_21 = tpu.memref_slice %arg3[%add3A_6, %dma_start3A_19, %dma_start3A_20] : memref<2500x2x128xi32, #tpu.memory_space<hbm>> -> memref<1x2x128xi32, #tpu.memory_space<hbm>>
    %dma_start3A_22 = tpu.memref_squeeze %dma_start3A_21 : memref<1x2x128xi32, #tpu.memory_space<hbm>> -> memref<2x128xi32, #tpu.memory_space<hbm>>
    tpu.enqueue_dma source(%dma_start3A_22 : memref<2x128xi32, #tpu.memory_space<hbm>>) target(%dma_start3A_18 : memref<2x128xi32, #tpu.memory_space<vmem>>) target_semaphore(%arg9 : memref<!tpu.dma_semaphore, #tpu.memory_space<semaphore_mem>>)
    %add3A_23 = arith.constant 1 : i32
    %add3A_24 = arith.addi %add3A, %add3A_23 : i32
    %dma_start3A_25 = arith.constant 1 : i32
    %dma_start3A_26 = arith.constant 0 : i32
    %dma_start3A_27 = arith.constant 0 : i32
    %dma_start3A_28 = tpu.memref_slice %arg5[%dma_start3A_25, %dma_start3A_26, %dma_start3A_27] : memref<3x2x128xi32, #tpu.memory_space<vmem>> -> memref<1x2x128xi32, #tpu.memory_space<vmem>>
    %dma_start3A_29 = tpu.memref_squeeze %dma_start3A_28 : memref<1x2x128xi32, #tpu.memory_space<vmem>> -> memref<2x128xi32, #tpu.memory_space<vmem>>
    %dma_start3A_30 = arith.constant 0 : i32
    %dma_start3A_31 = arith.constant 0 : i32
    %dma_start3A_32 = tpu.memref_slice %arg3[%add3A_24, %dma_start3A_30, %dma_start3A_31] : memref<2500x2x128xi32, #tpu.memory_space<hbm>> -> memref<1x2x128xi32, #tpu.memory_space<hbm>>
    %dma_start3A_33 = tpu.memref_squeeze %dma_start3A_32 : memref<1x2x128xi32, #tpu.memory_space<hbm>> -> memref<2x128xi32, #tpu.memory_space<hbm>>
    %dma_start3A_34 = arith.constant 0 : i32
    %dma_start3A_35 = arith.constant 0 : i32
    %dma_start3A_36 = tpu.memref_slice %arg5[%dma_start3A_25, %dma_start3A_34, %dma_start3A_35] : memref<3x2x128xi32, #tpu.memory_space<vmem>> -> memref<1x2x128xi32, #tpu.memory_space<vmem>>
    %dma_start3A_37 = tpu.memref_squeeze %dma_start3A_36 : memref<1x2x128xi32, #tpu.memory_space<vmem>> -> memref<2x128xi32, #tpu.memory_space<vmem>>
    %dma_start3A_38 = arith.constant 0 : i32
    %dma_start3A_39 = arith.constant 0 : i32
    %dma_start3A_40 = tpu.memref_slice %arg3[%add3A_24, %dma_start3A_38, %dma_start3A_39] : memref<2500x2x128xi32, #tpu.memory_space<hbm>> -> memref<1x2x128xi32, #tpu.memory_space<hbm>>
    %dma_start3A_41 = tpu.memref_squeeze %dma_start3A_40 : memref<1x2x128xi32, #tpu.memory_space<hbm>> -> memref<2x128xi32, #tpu.memory_space<hbm>>
    tpu.enqueue_dma source(%dma_start3A_41 : memref<2x128xi32, #tpu.memory_space<hbm>>) target(%dma_start3A_37 : memref<2x128xi32, #tpu.memory_space<vmem>>) target_semaphore(%arg9 : memref<!tpu.dma_semaphore, #tpu.memory_space<semaphore_mem>>)
    %add3A_42 = arith.constant 0 : i32
    %add3A_43 = arith.addi %add3A, %add3A_42 : i32
    %dma_wait3A = arith.constant 0 : i32
    %dma_wait3A_44 = arith.constant 0 : i32
    %dma_wait3A_45 = arith.constant 0 : i32
    %dma_wait3A_46 = tpu.memref_slice %arg5[%dma_wait3A, %dma_wait3A_44, %dma_wait3A_45] : memref<3x2x128xi32, #tpu.memory_space<vmem>> -> memref<1x2x128xi32, #tpu.memory_space<vmem>>
    %dma_wait3A_47 = tpu.memref_squeeze %dma_wait3A_46 : memref<1x2x128xi32, #tpu.memory_space<vmem>> -> memref<2x128xi32, #tpu.memory_space<vmem>>
    %dma_wait3A_48 = arith.constant 0 : i32
    %dma_wait3A_49 = arith.constant 0 : i32
    %dma_wait3A_50 = tpu.memref_slice %arg3[%add3A_43, %dma_wait3A_48, %dma_wait3A_49] : memref<2500x2x128xi32, #tpu.memory_space<hbm>> -> memref<1x2x128xi32, #tpu.memory_space<hbm>>
    %dma_wait3A_51 = tpu.memref_squeeze %dma_wait3A_50 : memref<1x2x128xi32, #tpu.memory_space<hbm>> -> memref<2x128xi32, #tpu.memory_space<hbm>>
    %dma_wait3A_52 = arith.constant 0 : i32
    %dma_wait3A_53 = arith.constant 0 : i32
    %dma_wait3A_54 = tpu.memref_slice %arg5[%dma_wait3A, %dma_wait3A_52, %dma_wait3A_53] : memref<3x2x128xi32, #tpu.memory_space<vmem>> -> memref<1x2x128xi32, #tpu.memory_space<vmem>>
    %dma_wait3A_55 = tpu.memref_squeeze %dma_wait3A_54 : memref<1x2x128xi32, #tpu.memory_space<vmem>> -> memref<2x128xi32, #tpu.memory_space<vmem>>
    %dma_wait3A_56 = arith.constant 0 : i32
    %dma_wait3A_57 = arith.constant 0 : i32
    %dma_wait3A_58 = tpu.memref_slice %arg3[%add3A_43, %dma_wait3A_56, %dma_wait3A_57] : memref<2500x2x128xi32, #tpu.memory_space<hbm>> -> memref<1x2x128xi32, #tpu.memory_space<hbm>>
    %dma_wait3A_59 = tpu.memref_squeeze %dma_wait3A_58 : memref<1x2x128xi32, #tpu.memory_space<hbm>> -> memref<2x128xi32, #tpu.memory_space<hbm>>
    tpu.wait_dma2 semaphore(%arg9 : memref<!tpu.dma_semaphore, #tpu.memory_space<semaphore_mem>>) src(%dma_wait3A_59 : memref<2x128xi32, #tpu.memory_space<hbm>>) dst(%dma_wait3A_55 : memref<2x128xi32, #tpu.memory_space<vmem>>)
    %dma_start3A_60 = arith.constant 0 : i32
    %dma_start3A_61 = arith.constant 0 : i32
    %dma_start3A_62 = arith.constant 0 : i32
    %dma_start3A_63 = arith.constant 0 : i32
    %dma_start3A_64 = arith.constant 0 : i32
    %dma_start3A_65 = tpu.memref_slice %arg7[%dma_start3A_62, %dma_start3A_63, %dma_start3A_64] : memref<3x128x128xf32, #tpu.memory_space<vmem>> -> memref<1x128x128xf32, #tpu.memory_space<vmem>>
    %dma_start3A_66 = tpu.memref_squeeze %dma_start3A_65 : memref<1x128x128xf32, #tpu.memory_space<vmem>> -> memref<128x128xf32, #tpu.memory_space<vmem>>
    %dma_start3A_67 = arith.constant 0 : i32
    %dma_start3A_68 = tpu.memref_slice %arg5[%dma_start3A_60, %dma_start3A_61, %dma_start3A_67] : memref<3x2x128xi32, #tpu.memory_space<vmem>> -> memref<1x1x128xi32, #tpu.memory_space<vmem>>
    %dma_start3A_69 = tpu.memref_squeeze %dma_start3A_68 : memref<1x1x128xi32, #tpu.memory_space<vmem>> -> memref<128xi32, #tpu.memory_space<vmem>>
    %dma_start3A_70 = arith.constant 0 : i32
    %dma_start3A_71 = arith.constant 0 : i32
    %dma_start3A_72 = tpu.memref_slice %arg2[%dma_start3A_70, %dma_start3A_71] : memref<10000x128xf32, #tpu.memory_space<hbm>> -> memref<10000x128xf32, #tpu.memory_space<hbm>>
    tpu.enqueue_indirect_dma source(%dma_start3A_72 : memref<10000x128xf32, #tpu.memory_space<hbm>>) target(%dma_start3A_66 : memref<128x128xf32, #tpu.memory_space<vmem>>) offsets(%dma_start3A_69 : memref<128xi32, #tpu.memory_space<vmem>>) semaphore(%arg10 : memref<!tpu.dma_semaphore, #tpu.memory_space<semaphore_mem>>)
    %scan3A = arith.constant 0 : i32
    %scan3A_73 = arith.constant 0 : i32
    %scan3A_74 = arith.constant 26 : i32
    %scan3A_75 = arith.addi %scan3A_73, %scan3A_74 : i32
    %scan3A_76 = arith.constant 1 : i32
    scf.for %scan3A_99 = %scan3A_73 to %scan3A_75 step %scan3A_76  : i32 {
      %mul3A_100 = arith.constant 3 : i32
      %mul3A_101 = arith.muli %scan3A_99, %mul3A_100 : i32
      %add3A_102 = arith.constant 0 : i32
      %add3A_103 = arith.addi %mul3A_101, %add3A_102 : i32
      %add3A_104 = arith.constant 1 : i32
      %add3A_105 = arith.addi %add3A_103, %add3A_104 : i32
      %lt3A_106 = arith.constant 78 : i32
      %lt3A_107 = arith.cmpi slt, %add3A_105, %lt3A_106 : i32
      %convert_element_type3A_108 = arith.extui %lt3A_107 : i1 to i32
      %cond3A_109 = arith.constant 0 : i32
      %cond3A_110 = arith.cmpi ne, %convert_element_type3A_108, %cond3A_109 : i32
      scf.if %cond3A_110 {
        %add3A_252 = arith.constant 1 : i32
        %add3A_253 = arith.addi %add3A_103, %add3A_252 : i32
        %add3A_254 = arith.addi %add3A, %add3A_253 : i32
        %dma_wait3A_255 = arith.constant 1 : i32
        %dma_wait3A_256 = arith.constant 0 : i32
        %dma_wait3A_257 = arith.constant 0 : i32
        %dma_wait3A_258 = tpu.memref_slice %arg5[%dma_wait3A_255, %dma_wait3A_256, %dma_wait3A_257] : memref<3x2x128xi32, #tpu.memory_space<vmem>> -> memref<1x2x128xi32, #tpu.memory_space<vmem>>
        %dma_wait3A_259 = tpu.memref_squeeze %dma_wait3A_258 : memref<1x2x128xi32, #tpu.memory_space<vmem>> -> memref<2x128xi32, #tpu.memory_space<vmem>>
        %dma_wait3A_260 = arith.constant 0 : i32
        %dma_wait3A_261 = arith.constant 0 : i32
        %dma_wait3A_262 = tpu.memref_slice %arg3[%add3A_254, %dma_wait3A_260, %dma_wait3A_261] : memref<2500x2x128xi32, #tpu.memory_space<hbm>> -> memref<1x2x128xi32, #tpu.memory_space<hbm>>
        %dma_wait3A_263 = tpu.memref_squeeze %dma_wait3A_262 : memref<1x2x128xi32, #tpu.memory_space<hbm>> -> memref<2x128xi32, #tpu.memory_space<hbm>>
        %dma_wait3A_264 = arith.constant 0 : i32
        %dma_wait3A_265 = arith.constant 0 : i32
        %dma_wait3A_266 = tpu.memref_slice %arg5[%dma_wait3A_255, %dma_wait3A_264, %dma_wait3A_265] : memref<3x2x128xi32, #tpu.memory_space<vmem>> -> memref<1x2x128xi32, #tpu.memory_space<vmem>>
        %dma_wait3A_267 = tpu.memref_squeeze %dma_wait3A_266 : memref<1x2x128xi32, #tpu.memory_space<vmem>> -> memref<2x128xi32, #tpu.memory_space<vmem>>
        %dma_wait3A_268 = arith.constant 0 : i32
        %dma_wait3A_269 = arith.constant 0 : i32
        %dma_wait3A_270 = tpu.memref_slice %arg3[%add3A_254, %dma_wait3A_268, %dma_wait3A_269] : memref<2500x2x128xi32, #tpu.memory_space<hbm>> -> memref<1x2x128xi32, #tpu.memory_space<hbm>>
        %dma_wait3A_271 = tpu.memref_squeeze %dma_wait3A_270 : memref<1x2x128xi32, #tpu.memory_space<hbm>> -> memref<2x128xi32, #tpu.memory_space<hbm>>
        tpu.wait_dma2 semaphore(%arg9 : memref<!tpu.dma_semaphore, #tpu.memory_space<semaphore_mem>>) src(%dma_wait3A_271 : memref<2x128xi32, #tpu.memory_space<hbm>>) dst(%dma_wait3A_267 : memref<2x128xi32, #tpu.memory_space<vmem>>)
        %dma_start3A_272 = arith.constant 1 : i32
        %dma_start3A_273 = arith.constant 0 : i32
        %dma_start3A_274 = arith.constant 1 : i32
        %dma_start3A_275 = arith.constant 0 : i32
        %dma_start3A_276 = arith.constant 0 : i32
        %dma_start3A_277 = tpu.memref_slice %arg7[%dma_start3A_274, %dma_start3A_275, %dma_start3A_276] : memref<3x128x128xf32, #tpu.memory_space<vmem>> -> memref<1x128x128xf32, #tpu.memory_space<vmem>>
        %dma_start3A_278 = tpu.memref_squeeze %dma_start3A_277 : memref<1x128x128xf32, #tpu.memory_space<vmem>> -> memref<128x128xf32, #tpu.memory_space<vmem>>
        %dma_start3A_279 = arith.constant 0 : i32
        %dma_start3A_280 = tpu.memref_slice %arg5[%dma_start3A_272, %dma_start3A_273, %dma_start3A_279] : memref<3x2x128xi32, #tpu.memory_space<vmem>> -> memref<1x1x128xi32, #tpu.memory_space<vmem>>
        %dma_start3A_281 = tpu.memref_squeeze %dma_start3A_280 : memref<1x1x128xi32, #tpu.memory_space<vmem>> -> memref<128xi32, #tpu.memory_space<vmem>>
        %dma_start3A_282 = arith.constant 0 : i32
        %dma_start3A_283 = arith.constant 0 : i32
        %dma_start3A_284 = tpu.memref_slice %arg2[%dma_start3A_282, %dma_start3A_283] : memref<10000x128xf32, #tpu.memory_space<hbm>> -> memref<10000x128xf32, #tpu.memory_space<hbm>>
        tpu.enqueue_indirect_dma source(%dma_start3A_284 : memref<10000x128xf32, #tpu.memory_space<hbm>>) target(%dma_start3A_278 : memref<128x128xf32, #tpu.memory_space<vmem>>) offsets(%dma_start3A_281 : memref<128xi32, #tpu.memory_space<vmem>>) semaphore(%arg10 : memref<!tpu.dma_semaphore, #tpu.memory_space<semaphore_mem>>)
      } else {
      }
      %dma_wait3A_111 = arith.constant 0 : i32
      %dma_wait3A_112 = arith.constant 0 : i32
      %dma_wait3A_113 = arith.constant 0 : i32
      %dma_wait3A_114 = arith.constant 0 : i32
      %dma_wait3A_115 = arith.constant 0 : i32
      %dma_wait3A_116 = tpu.memref_slice %arg7[%dma_wait3A_113, %dma_wait3A_114, %dma_wait3A_115] : memref<3x128x128xf32, #tpu.memory_space<vmem>> -> memref<1x128x128xf32, #tpu.memory_space<vmem>>
      %dma_wait3A_117 = tpu.memref_squeeze %dma_wait3A_116 : memref<1x128x128xf32, #tpu.memory_space<vmem>> -> memref<128x128xf32, #tpu.memory_space<vmem>>
      %dma_wait3A_118 = arith.constant 0 : i32
      %dma_wait3A_119 = tpu.memref_slice %arg5[%dma_wait3A_111, %dma_wait3A_112, %dma_wait3A_118] : memref<3x2x128xi32, #tpu.memory_space<vmem>> -> memref<1x1x128xi32, #tpu.memory_space<vmem>>
      %dma_wait3A_120 = tpu.memref_squeeze %dma_wait3A_119 : memref<1x1x128xi32, #tpu.memory_space<vmem>> -> memref<128xi32, #tpu.memory_space<vmem>>
      %dma_wait3A_121 = arith.constant 0 : i32
      %dma_wait3A_122 = arith.constant 0 : i32
      %dma_wait3A_123 = tpu.memref_slice %arg2[%dma_wait3A_121, %dma_wait3A_122] : memref<10000x128xf32, #tpu.memory_space<hbm>> -> memref<10000x128xf32, #tpu.memory_space<hbm>>
      tpu.wait_indirect_dma semaphore(%arg10 : memref<!tpu.dma_semaphore, #tpu.memory_space<semaphore_mem>>) src(%dma_wait3A_123 : memref<10000x128xf32, #tpu.memory_space<hbm>>) dst(%dma_wait3A_117 : memref<128x128xf32, #tpu.memory_space<vmem>>)
      %dma_start3A_124 = arith.constant 0 : i32
      %dma_start3A_125 = arith.constant 0 : i32
      %dma_start3A_126 = arith.constant 1 : i32
      %dma_start3A_127 = arith.constant 0 : i32
      %dma_start3A_128 = arith.constant 0 : i32
      %dma_start3A_129 = tpu.memref_slice %arg7[%dma_start3A_124, %dma_start3A_127, %dma_start3A_128] : memref<3x128x128xf32, #tpu.memory_space<vmem>> -> memref<1x128x128xf32, #tpu.memory_space<vmem>>
      %dma_start3A_130 = tpu.memref_squeeze %dma_start3A_129 : memref<1x128x128xf32, #tpu.memory_space<vmem>> -> memref<128x128xf32, #tpu.memory_space<vmem>>
      %dma_start3A_131 = arith.constant 0 : i32
      %dma_start3A_132 = tpu.memref_slice %arg5[%dma_start3A_125, %dma_start3A_126, %dma_start3A_131] : memref<3x2x128xi32, #tpu.memory_space<vmem>> -> memref<1x1x128xi32, #tpu.memory_space<vmem>>
      %dma_start3A_133 = tpu.memref_squeeze %dma_start3A_132 : memref<1x1x128xi32, #tpu.memory_space<vmem>> -> memref<128xi32, #tpu.memory_space<vmem>>
      %dma_start3A_134 = arith.constant 0 : i32
      %dma_start3A_135 = arith.constant 0 : i32
      %dma_start3A_136 = tpu.memref_slice %arg8[%dma_start3A_134, %dma_start3A_135] : memref<10000x128xf32, #tpu.memory_space<vmem_shared>> -> memref<10000x128xf32, #tpu.memory_space<vmem_shared>>
      tpu.enqueue_indirect_dma source(%dma_start3A_130 : memref<128x128xf32, #tpu.memory_space<vmem>>) target(%dma_start3A_136 : memref<10000x128xf32, #tpu.memory_space<vmem_shared>>) offsets(%dma_start3A_133 : memref<128xi32, #tpu.memory_space<vmem>>) semaphore(%arg11 : memref<!tpu.dma_semaphore, #tpu.memory_space<semaphore_mem>>) {add = true}
      %add3A_137 = arith.constant 2 : i32
      %add3A_138 = arith.addi %add3A_103, %add3A_137 : i32
      %ge3A = arith.constant 3 : i32
      %ge3A_139 = arith.cmpi sge, %add3A_138, %ge3A : i32
      %convert_element_type3A_140 = arith.extui %ge3A_139 : i1 to i32
      %cond3A_141 = arith.constant 0 : i32
      %cond3A_142 = arith.cmpi ne, %convert_element_type3A_140, %cond3A_141 : i32
      scf.if %cond3A_142 {
        %dma_wait3A_252 = arith.constant 2 : i32
        %dma_wait3A_253 = arith.constant 2 : i32
        %dma_wait3A_254 = arith.constant 1 : i32
        %dma_wait3A_255 = arith.constant 0 : i32
        %dma_wait3A_256 = arith.constant 0 : i32
        %dma_wait3A_257 = tpu.memref_slice %arg7[%dma_wait3A_252, %dma_wait3A_255, %dma_wait3A_256] : memref<3x128x128xf32, #tpu.memory_space<vmem>> -> memref<1x128x128xf32, #tpu.memory_space<vmem>>
        %dma_wait3A_258 = tpu.memref_squeeze %dma_wait3A_257 : memref<1x128x128xf32, #tpu.memory_space<vmem>> -> memref<128x128xf32, #tpu.memory_space<vmem>>
        %dma_wait3A_259 = arith.constant 0 : i32
        %dma_wait3A_260 = tpu.memref_slice %arg5[%dma_wait3A_253, %dma_wait3A_254, %dma_wait3A_259] : memref<3x2x128xi32, #tpu.memory_space<vmem>> -> memref<1x1x128xi32, #tpu.memory_space<vmem>>
        %dma_wait3A_261 = tpu.memref_squeeze %dma_wait3A_260 : memref<1x1x128xi32, #tpu.memory_space<vmem>> -> memref<128xi32, #tpu.memory_space<vmem>>
        %dma_wait3A_262 = arith.constant 0 : i32
        %dma_wait3A_263 = arith.constant 0 : i32
        %dma_wait3A_264 = tpu.memref_slice %arg8[%dma_wait3A_262, %dma_wait3A_263] : memref<10000x128xf32, #tpu.memory_space<vmem_shared>> -> memref<10000x128xf32, #tpu.memory_space<vmem_shared>>
        tpu.wait_indirect_dma semaphore(%arg11 : memref<!tpu.dma_semaphore, #tpu.memory_space<semaphore_mem>>) src(%dma_wait3A_258 : memref<128x128xf32, #tpu.memory_space<vmem>>) dst(%dma_wait3A_264 : memref<10000x128xf32, #tpu.memory_space<vmem_shared>>)
      } else {
      }
      %add3A_143 = arith.constant 2 : i32
      %add3A_144 = arith.addi %add3A_103, %add3A_143 : i32
      %lt3A_145 = arith.constant 78 : i32
      %lt3A_146 = arith.cmpi slt, %add3A_144, %lt3A_145 : i32
      %convert_element_type3A_147 = arith.extui %lt3A_146 : i1 to i32
      %cond3A_148 = arith.constant 0 : i32
      %cond3A_149 = arith.cmpi ne, %convert_element_type3A_147, %cond3A_148 : i32
      scf.if %cond3A_149 {
        %add3A_252 = arith.constant 2 : i32
        %add3A_253 = arith.addi %add3A_103, %add3A_252 : i32
        %add3A_254 = arith.addi %add3A, %add3A_253 : i32
        %dma_start3A_255 = arith.constant 2 : i32
        %dma_start3A_256 = arith.constant 0 : i32
        %dma_start3A_257 = arith.constant 0 : i32
        %dma_start3A_258 = tpu.memref_slice %arg5[%dma_start3A_255, %dma_start3A_256, %dma_start3A_257] : memref<3x2x128xi32, #tpu.memory_space<vmem>> -> memref<1x2x128xi32, #tpu.memory_space<vmem>>
        %dma_start3A_259 = tpu.memref_squeeze %dma_start3A_258 : memref<1x2x128xi32, #tpu.memory_space<vmem>> -> memref<2x128xi32, #tpu.memory_space<vmem>>
        %dma_start3A_260 = arith.constant 0 : i32
        %dma_start3A_261 = arith.constant 0 : i32
        %dma_start3A_262 = tpu.memref_slice %arg3[%add3A_254, %dma_start3A_260, %dma_start3A_261] : memref<2500x2x128xi32, #tpu.memory_space<hbm>> -> memref<1x2x128xi32, #tpu.memory_space<hbm>>
        %dma_start3A_263 = tpu.memref_squeeze %dma_start3A_262 : memref<1x2x128xi32, #tpu.memory_space<hbm>> -> memref<2x128xi32, #tpu.memory_space<hbm>>
        %dma_start3A_264 = arith.constant 0 : i32
        %dma_start3A_265 = arith.constant 0 : i32
        %dma_start3A_266 = tpu.memref_slice %arg5[%dma_start3A_255, %dma_start3A_264, %dma_start3A_265] : memref<3x2x128xi32, #tpu.memory_space<vmem>> -> memref<1x2x128xi32, #tpu.memory_space<vmem>>
        %dma_start3A_267 = tpu.memref_squeeze %dma_start3A_266 : memref<1x2x128xi32, #tpu.memory_space<vmem>> -> memref<2x128xi32, #tpu.memory_space<vmem>>
        %dma_start3A_268 = arith.constant 0 : i32
        %dma_start3A_269 = arith.constant 0 : i32
        %dma_start3A_270 = tpu.memref_slice %arg3[%add3A_254, %dma_start3A_268, %dma_start3A_269] : memref<2500x2x128xi32, #tpu.memory_space<hbm>> -> memref<1x2x128xi32, #tpu.memory_space<hbm>>
        %dma_start3A_271 = tpu.memref_squeeze %dma_start3A_270 : memref<1x2x128xi32, #tpu.memory_space<hbm>> -> memref<2x128xi32, #tpu.memory_space<hbm>>
        tpu.enqueue_dma source(%dma_start3A_271 : memref<2x128xi32, #tpu.memory_space<hbm>>) target(%dma_start3A_267 : memref<2x128xi32, #tpu.memory_space<vmem>>) target_semaphore(%arg9 : memref<!tpu.dma_semaphore, #tpu.memory_space<semaphore_mem>>)
      } else {
      }
      %mul3A_150 = arith.constant 3 : i32
      %mul3A_151 = arith.muli %scan3A_99, %mul3A_150 : i32
      %add3A_152 = arith.constant 1 : i32
      %add3A_153 = arith.addi %mul3A_151, %add3A_152 : i32
      %add3A_154 = arith.constant 1 : i32
      %add3A_155 = arith.addi %add3A_153, %add3A_154 : i32
      %lt3A_156 = arith.constant 78 : i32
      %lt3A_157 = arith.cmpi slt, %add3A_155, %lt3A_156 : i32
      %convert_element_type3A_158 = arith.extui %lt3A_157 : i1 to i32
      %cond3A_159 = arith.constant 0 : i32
      %cond3A_160 = arith.cmpi ne, %convert_element_type3A_158, %cond3A_159 : i32
      scf.if %cond3A_160 {
        %add3A_252 = arith.constant 1 : i32
        %add3A_253 = arith.addi %add3A_153, %add3A_252 : i32
        %add3A_254 = arith.addi %add3A, %add3A_253 : i32
        %dma_wait3A_255 = arith.constant 2 : i32
        %dma_wait3A_256 = arith.constant 0 : i32
        %dma_wait3A_257 = arith.constant 0 : i32
        %dma_wait3A_258 = tpu.memref_slice %arg5[%dma_wait3A_255, %dma_wait3A_256, %dma_wait3A_257] : memref<3x2x128xi32, #tpu.memory_space<vmem>> -> memref<1x2x128xi32, #tpu.memory_space<vmem>>
        %dma_wait3A_259 = tpu.memref_squeeze %dma_wait3A_258 : memref<1x2x128xi32, #tpu.memory_space<vmem>> -> memref<2x128xi32, #tpu.memory_space<vmem>>
        %dma_wait3A_260 = arith.constant 0 : i32
        %dma_wait3A_261 = arith.constant 0 : i32
        %dma_wait3A_262 = tpu.memref_slice %arg3[%add3A_254, %dma_wait3A_260, %dma_wait3A_261] : memref<2500x2x128xi32, #tpu.memory_space<hbm>> -> memref<1x2x128xi32, #tpu.memory_space<hbm>>
        %dma_wait3A_263 = tpu.memref_squeeze %dma_wait3A_262 : memref<1x2x128xi32, #tpu.memory_space<hbm>> -> memref<2x128xi32, #tpu.memory_space<hbm>>
        %dma_wait3A_264 = arith.constant 0 : i32
        %dma_wait3A_265 = arith.constant 0 : i32
        %dma_wait3A_266 = tpu.memref_slice %arg5[%dma_wait3A_255, %dma_wait3A_264, %dma_wait3A_265] : memref<3x2x128xi32, #tpu.memory_space<vmem>> -> memref<1x2x128xi32, #tpu.memory_space<vmem>>
        %dma_wait3A_267 = tpu.memref_squeeze %dma_wait3A_266 : memref<1x2x128xi32, #tpu.memory_space<vmem>> -> memref<2x128xi32, #tpu.memory_space<vmem>>
        %dma_wait3A_268 = arith.constant 0 : i32
        %dma_wait3A_269 = arith.constant 0 : i32
        %dma_wait3A_270 = tpu.memref_slice %arg3[%add3A_254, %dma_wait3A_268, %dma_wait3A_269] : memref<2500x2x128xi32, #tpu.memory_space<hbm>> -> memref<1x2x128xi32, #tpu.memory_space<hbm>>
        %dma_wait3A_271 = tpu.memref_squeeze %dma_wait3A_270 : memref<1x2x128xi32, #tpu.memory_space<hbm>> -> memref<2x128xi32, #tpu.memory_space<hbm>>
        tpu.wait_dma2 semaphore(%arg9 : memref<!tpu.dma_semaphore, #tpu.memory_space<semaphore_mem>>) src(%dma_wait3A_271 : memref<2x128xi32, #tpu.memory_space<hbm>>) dst(%dma_wait3A_267 : memref<2x128xi32, #tpu.memory_space<vmem>>)
        %dma_start3A_272 = arith.constant 2 : i32
        %dma_start3A_273 = arith.constant 0 : i32
        %dma_start3A_274 = arith.constant 2 : i32
        %dma_start3A_275 = arith.constant 0 : i32
        %dma_start3A_276 = arith.constant 0 : i32
        %dma_start3A_277 = tpu.memref_slice %arg7[%dma_start3A_274, %dma_start3A_275, %dma_start3A_276] : memref<3x128x128xf32, #tpu.memory_space<vmem>> -> memref<1x128x128xf32, #tpu.memory_space<vmem>>
        %dma_start3A_278 = tpu.memref_squeeze %dma_start3A_277 : memref<1x128x128xf32, #tpu.memory_space<vmem>> -> memref<128x128xf32, #tpu.memory_space<vmem>>
        %dma_start3A_279 = arith.constant 0 : i32
        %dma_start3A_280 = tpu.memref_slice %arg5[%dma_start3A_272, %dma_start3A_273, %dma_start3A_279] : memref<3x2x128xi32, #tpu.memory_space<vmem>> -> memref<1x1x128xi32, #tpu.memory_space<vmem>>
        %dma_start3A_281 = tpu.memref_squeeze %dma_start3A_280 : memref<1x1x128xi32, #tpu.memory_space<vmem>> -> memref<128xi32, #tpu.memory_space<vmem>>
        %dma_start3A_282 = arith.constant 0 : i32
        %dma_start3A_283 = arith.constant 0 : i32
        %dma_start3A_284 = tpu.memref_slice %arg2[%dma_start3A_282, %dma_start3A_283] : memref<10000x128xf32, #tpu.memory_space<hbm>> -> memref<10000x128xf32, #tpu.memory_space<hbm>>
        tpu.enqueue_indirect_dma source(%dma_start3A_284 : memref<10000x128xf32, #tpu.memory_space<hbm>>) target(%dma_start3A_278 : memref<128x128xf32, #tpu.memory_space<vmem>>) offsets(%dma_start3A_281 : memref<128xi32, #tpu.memory_space<vmem>>) semaphore(%arg10 : memref<!tpu.dma_semaphore, #tpu.memory_space<semaphore_mem>>)
      } else {
      }
      %dma_wait3A_161 = arith.constant 1 : i32
      %dma_wait3A_162 = arith.constant 0 : i32
      %dma_wait3A_163 = arith.constant 1 : i32
      %dma_wait3A_164 = arith.constant 0 : i32
      %dma_wait3A_165 = arith.constant 0 : i32
      %dma_wait3A_166 = tpu.memref_slice %arg7[%dma_wait3A_163, %dma_wait3A_164, %dma_wait3A_165] : memref<3x128x128xf32, #tpu.memory_space<vmem>> -> memref<1x128x128xf32, #tpu.memory_space<vmem>>
      %dma_wait3A_167 = tpu.memref_squeeze %dma_wait3A_166 : memref<1x128x128xf32, #tpu.memory_space<vmem>> -> memref<128x128xf32, #tpu.memory_space<vmem>>
      %dma_wait3A_168 = arith.constant 0 : i32
      %dma_wait3A_169 = tpu.memref_slice %arg5[%dma_wait3A_161, %dma_wait3A_162, %dma_wait3A_168] : memref<3x2x128xi32, #tpu.memory_space<vmem>> -> memref<1x1x128xi32, #tpu.memory_space<vmem>>
      %dma_wait3A_170 = tpu.memref_squeeze %dma_wait3A_169 : memref<1x1x128xi32, #tpu.memory_space<vmem>> -> memref<128xi32, #tpu.memory_space<vmem>>
      %dma_wait3A_171 = arith.constant 0 : i32
      %dma_wait3A_172 = arith.constant 0 : i32
      %dma_wait3A_173 = tpu.memref_slice %arg2[%dma_wait3A_171, %dma_wait3A_172] : memref<10000x128xf32, #tpu.memory_space<hbm>> -> memref<10000x128xf32, #tpu.memory_space<hbm>>
      tpu.wait_indirect_dma semaphore(%arg10 : memref<!tpu.dma_semaphore, #tpu.memory_space<semaphore_mem>>) src(%dma_wait3A_173 : memref<10000x128xf32, #tpu.memory_space<hbm>>) dst(%dma_wait3A_167 : memref<128x128xf32, #tpu.memory_space<vmem>>)
      %dma_start3A_174 = arith.constant 1 : i32
      %dma_start3A_175 = arith.constant 1 : i32
      %dma_start3A_176 = arith.constant 1 : i32
      %dma_start3A_177 = arith.constant 0 : i32
      %dma_start3A_178 = arith.constant 0 : i32
      %dma_start3A_179 = tpu.memref_slice %arg7[%dma_start3A_174, %dma_start3A_177, %dma_start3A_178] : memref<3x128x128xf32, #tpu.memory_space<vmem>> -> memref<1x128x128xf32, #tpu.memory_space<vmem>>
      %dma_start3A_180 = tpu.memref_squeeze %dma_start3A_179 : memref<1x128x128xf32, #tpu.memory_space<vmem>> -> memref<128x128xf32, #tpu.memory_space<vmem>>
      %dma_start3A_181 = arith.constant 0 : i32
      %dma_start3A_182 = tpu.memref_slice %arg5[%dma_start3A_175, %dma_start3A_176, %dma_start3A_181] : memref<3x2x128xi32, #tpu.memory_space<vmem>> -> memref<1x1x128xi32, #tpu.memory_space<vmem>>
      %dma_start3A_183 = tpu.memref_squeeze %dma_start3A_182 : memref<1x1x128xi32, #tpu.memory_space<vmem>> -> memref<128xi32, #tpu.memory_space<vmem>>
      %dma_start3A_184 = arith.constant 0 : i32
      %dma_start3A_185 = arith.constant 0 : i32
      %dma_start3A_186 = tpu.memref_slice %arg8[%dma_start3A_184, %dma_start3A_185] : memref<10000x128xf32, #tpu.memory_space<vmem_shared>> -> memref<10000x128xf32, #tpu.memory_space<vmem_shared>>
      tpu.enqueue_indirect_dma source(%dma_start3A_180 : memref<128x128xf32, #tpu.memory_space<vmem>>) target(%dma_start3A_186 : memref<10000x128xf32, #tpu.memory_space<vmem_shared>>) offsets(%dma_start3A_183 : memref<128xi32, #tpu.memory_space<vmem>>) semaphore(%arg11 : memref<!tpu.dma_semaphore, #tpu.memory_space<semaphore_mem>>) {add = true}
      %add3A_187 = arith.constant 2 : i32
      %add3A_188 = arith.addi %add3A_153, %add3A_187 : i32
      %ge3A_189 = arith.constant 3 : i32
      %ge3A_190 = arith.cmpi sge, %add3A_188, %ge3A_189 : i32
      %convert_element_type3A_191 = arith.extui %ge3A_190 : i1 to i32
      %cond3A_192 = arith.constant 0 : i32
      %cond3A_193 = arith.cmpi ne, %convert_element_type3A_191, %cond3A_192 : i32
      scf.if %cond3A_193 {
        %dma_wait3A_252 = arith.constant 0 : i32
        %dma_wait3A_253 = arith.constant 0 : i32
        %dma_wait3A_254 = arith.constant 1 : i32
        %dma_wait3A_255 = arith.constant 0 : i32
        %dma_wait3A_256 = arith.constant 0 : i32
        %dma_wait3A_257 = tpu.memref_slice %arg7[%dma_wait3A_252, %dma_wait3A_255, %dma_wait3A_256] : memref<3x128x128xf32, #tpu.memory_space<vmem>> -> memref<1x128x128xf32, #tpu.memory_space<vmem>>
        %dma_wait3A_258 = tpu.memref_squeeze %dma_wait3A_257 : memref<1x128x128xf32, #tpu.memory_space<vmem>> -> memref<128x128xf32, #tpu.memory_space<vmem>>
        %dma_wait3A_259 = arith.constant 0 : i32
        %dma_wait3A_260 = tpu.memref_slice %arg5[%dma_wait3A_253, %dma_wait3A_254, %dma_wait3A_259] : memref<3x2x128xi32, #tpu.memory_space<vmem>> -> memref<1x1x128xi32, #tpu.memory_space<vmem>>
        %dma_wait3A_261 = tpu.memref_squeeze %dma_wait3A_260 : memref<1x1x128xi32, #tpu.memory_space<vmem>> -> memref<128xi32, #tpu.memory_space<vmem>>
        %dma_wait3A_262 = arith.constant 0 : i32
        %dma_wait3A_263 = arith.constant 0 : i32
        %dma_wait3A_264 = tpu.memref_slice %arg8[%dma_wait3A_262, %dma_wait3A_263] : memref<10000x128xf32, #tpu.memory_space<vmem_shared>> -> memref<10000x128xf32, #tpu.memory_space<vmem_shared>>
        tpu.wait_indirect_dma semaphore(%arg11 : memref<!tpu.dma_semaphore, #tpu.memory_space<semaphore_mem>>) src(%dma_wait3A_258 : memref<128x128xf32, #tpu.memory_space<vmem>>) dst(%dma_wait3A_264 : memref<10000x128xf32, #tpu.memory_space<vmem_shared>>)
      } else {
      }
      %add3A_194 = arith.constant 2 : i32
      %add3A_195 = arith.addi %add3A_153, %add3A_194 : i32
      %lt3A_196 = arith.constant 78 : i32
      %lt3A_197 = arith.cmpi slt, %add3A_195, %lt3A_196 : i32
      %convert_element_type3A_198 = arith.extui %lt3A_197 : i1 to i32
      %cond3A_199 = arith.constant 0 : i32
      %cond3A_200 = arith.cmpi ne, %convert_element_type3A_198, %cond3A_199 : i32
      scf.if %cond3A_200 {
        %add3A_252 = arith.constant 2 : i32
        %add3A_253 = arith.addi %add3A_153, %add3A_252 : i32
        %add3A_254 = arith.addi %add3A, %add3A_253 : i32
        %dma_start3A_255 = arith.constant 0 : i32
        %dma_start3A_256 = arith.constant 0 : i32
        %dma_start3A_257 = arith.constant 0 : i32
        %dma_start3A_258 = tpu.memref_slice %arg5[%dma_start3A_255, %dma_start3A_256, %dma_start3A_257] : memref<3x2x128xi32, #tpu.memory_space<vmem>> -> memref<1x2x128xi32, #tpu.memory_space<vmem>>
        %dma_start3A_259 = tpu.memref_squeeze %dma_start3A_258 : memref<1x2x128xi32, #tpu.memory_space<vmem>> -> memref<2x128xi32, #tpu.memory_space<vmem>>
        %dma_start3A_260 = arith.constant 0 : i32
        %dma_start3A_261 = arith.constant 0 : i32
        %dma_start3A_262 = tpu.memref_slice %arg3[%add3A_254, %dma_start3A_260, %dma_start3A_261] : memref<2500x2x128xi32, #tpu.memory_space<hbm>> -> memref<1x2x128xi32, #tpu.memory_space<hbm>>
        %dma_start3A_263 = tpu.memref_squeeze %dma_start3A_262 : memref<1x2x128xi32, #tpu.memory_space<hbm>> -> memref<2x128xi32, #tpu.memory_space<hbm>>
        %dma_start3A_264 = arith.constant 0 : i32
        %dma_start3A_265 = arith.constant 0 : i32
        %dma_start3A_266 = tpu.memref_slice %arg5[%dma_start3A_255, %dma_start3A_264, %dma_start3A_265] : memref<3x2x128xi32, #tpu.memory_space<vmem>> -> memref<1x2x128xi32, #tpu.memory_space<vmem>>
        %dma_start3A_267 = tpu.memref_squeeze %dma_start3A_266 : memref<1x2x128xi32, #tpu.memory_space<vmem>> -> memref<2x128xi32, #tpu.memory_space<vmem>>
        %dma_start3A_268 = arith.constant 0 : i32
        %dma_start3A_269 = arith.constant 0 : i32
        %dma_start3A_270 = tpu.memref_slice %arg3[%add3A_254, %dma_start3A_268, %dma_start3A_269] : memref<2500x2x128xi32, #tpu.memory_space<hbm>> -> memref<1x2x128xi32, #tpu.memory_space<hbm>>
        %dma_start3A_271 = tpu.memref_squeeze %dma_start3A_270 : memref<1x2x128xi32, #tpu.memory_space<hbm>> -> memref<2x128xi32, #tpu.memory_space<hbm>>
        tpu.enqueue_dma source(%dma_start3A_271 : memref<2x128xi32, #tpu.memory_space<hbm>>) target(%dma_start3A_267 : memref<2x128xi32, #tpu.memory_space<vmem>>) target_semaphore(%arg9 : memref<!tpu.dma_semaphore, #tpu.memory_space<semaphore_mem>>)
      } else {
      }
      %mul3A_201 = arith.constant 3 : i32
      %mul3A_202 = arith.muli %scan3A_99, %mul3A_201 : i32
      %add3A_203 = arith.constant 2 : i32
      %add3A_204 = arith.addi %mul3A_202, %add3A_203 : i32
      %add3A_205 = arith.constant 1 : i32
      %add3A_206 = arith.addi %add3A_204, %add3A_205 : i32
      %lt3A_207 = arith.constant 78 : i32
      %lt3A_208 = arith.cmpi slt, %add3A_206, %lt3A_207 : i32
      %convert_element_type3A_209 = arith.extui %lt3A_208 : i1 to i32
      %cond3A_210 = arith.constant 0 : i32
      %cond3A_211 = arith.cmpi ne, %convert_element_type3A_209, %cond3A_210 : i32
      scf.if %cond3A_211 {
        %add3A_252 = arith.constant 1 : i32
        %add3A_253 = arith.addi %add3A_204, %add3A_252 : i32
        %add3A_254 = arith.addi %add3A, %add3A_253 : i32
        %dma_wait3A_255 = arith.constant 0 : i32
        %dma_wait3A_256 = arith.constant 0 : i32
        %dma_wait3A_257 = arith.constant 0 : i32
        %dma_wait3A_258 = tpu.memref_slice %arg5[%dma_wait3A_255, %dma_wait3A_256, %dma_wait3A_257] : memref<3x2x128xi32, #tpu.memory_space<vmem>> -> memref<1x2x128xi32, #tpu.memory_space<vmem>>
        %dma_wait3A_259 = tpu.memref_squeeze %dma_wait3A_258 : memref<1x2x128xi32, #tpu.memory_space<vmem>> -> memref<2x128xi32, #tpu.memory_space<vmem>>
        %dma_wait3A_260 = arith.constant 0 : i32
        %dma_wait3A_261 = arith.constant 0 : i32
        %dma_wait3A_262 = tpu.memref_slice %arg3[%add3A_254, %dma_wait3A_260, %dma_wait3A_261] : memref<2500x2x128xi32, #tpu.memory_space<hbm>> -> memref<1x2x128xi32, #tpu.memory_space<hbm>>
        %dma_wait3A_263 = tpu.memref_squeeze %dma_wait3A_262 : memref<1x2x128xi32, #tpu.memory_space<hbm>> -> memref<2x128xi32, #tpu.memory_space<hbm>>
        %dma_wait3A_264 = arith.constant 0 : i32
        %dma_wait3A_265 = arith.constant 0 : i32
        %dma_wait3A_266 = tpu.memref_slice %arg5[%dma_wait3A_255, %dma_wait3A_264, %dma_wait3A_265] : memref<3x2x128xi32, #tpu.memory_space<vmem>> -> memref<1x2x128xi32, #tpu.memory_space<vmem>>
        %dma_wait3A_267 = tpu.memref_squeeze %dma_wait3A_266 : memref<1x2x128xi32, #tpu.memory_space<vmem>> -> memref<2x128xi32, #tpu.memory_space<vmem>>
        %dma_wait3A_268 = arith.constant 0 : i32
        %dma_wait3A_269 = arith.constant 0 : i32
        %dma_wait3A_270 = tpu.memref_slice %arg3[%add3A_254, %dma_wait3A_268, %dma_wait3A_269] : memref<2500x2x128xi32, #tpu.memory_space<hbm>> -> memref<1x2x128xi32, #tpu.memory_space<hbm>>
        %dma_wait3A_271 = tpu.memref_squeeze %dma_wait3A_270 : memref<1x2x128xi32, #tpu.memory_space<hbm>> -> memref<2x128xi32, #tpu.memory_space<hbm>>
        tpu.wait_dma2 semaphore(%arg9 : memref<!tpu.dma_semaphore, #tpu.memory_space<semaphore_mem>>) src(%dma_wait3A_271 : memref<2x128xi32, #tpu.memory_space<hbm>>) dst(%dma_wait3A_267 : memref<2x128xi32, #tpu.memory_space<vmem>>)
        %dma_start3A_272 = arith.constant 0 : i32
        %dma_start3A_273 = arith.constant 0 : i32
        %dma_start3A_274 = arith.constant 0 : i32
        %dma_start3A_275 = arith.constant 0 : i32
        %dma_start3A_276 = arith.constant 0 : i32
        %dma_start3A_277 = tpu.memref_slice %arg7[%dma_start3A_274, %dma_start3A_275, %dma_start3A_276] : memref<3x128x128xf32, #tpu.memory_space<vmem>> -> memref<1x128x128xf32, #tpu.memory_space<vmem>>
        %dma_start3A_278 = tpu.memref_squeeze %dma_start3A_277 : memref<1x128x128xf32, #tpu.memory_space<vmem>> -> memref<128x128xf32, #tpu.memory_space<vmem>>
        %dma_start3A_279 = arith.constant 0 : i32
        %dma_start3A_280 = tpu.memref_slice %arg5[%dma_start3A_272, %dma_start3A_273, %dma_start3A_279] : memref<3x2x128xi32, #tpu.memory_space<vmem>> -> memref<1x1x128xi32, #tpu.memory_space<vmem>>
        %dma_start3A_281 = tpu.memref_squeeze %dma_start3A_280 : memref<1x1x128xi32, #tpu.memory_space<vmem>> -> memref<128xi32, #tpu.memory_space<vmem>>
        %dma_start3A_282 = arith.constant 0 : i32
        %dma_start3A_283 = arith.constant 0 : i32
        %dma_start3A_284 = tpu.memref_slice %arg2[%dma_start3A_282, %dma_start3A_283] : memref<10000x128xf32, #tpu.memory_space<hbm>> -> memref<10000x128xf32, #tpu.memory_space<hbm>>
        tpu.enqueue_indirect_dma source(%dma_start3A_284 : memref<10000x128xf32, #tpu.memory_space<hbm>>) target(%dma_start3A_278 : memref<128x128xf32, #tpu.memory_space<vmem>>) offsets(%dma_start3A_281 : memref<128xi32, #tpu.memory_space<vmem>>) semaphore(%arg10 : memref<!tpu.dma_semaphore, #tpu.memory_space<semaphore_mem>>)
      } else {
      }
      %dma_wait3A_212 = arith.constant 2 : i32
      %dma_wait3A_213 = arith.constant 0 : i32
      %dma_wait3A_214 = arith.constant 2 : i32
      %dma_wait3A_215 = arith.constant 0 : i32
      %dma_wait3A_216 = arith.constant 0 : i32
      %dma_wait3A_217 = tpu.memref_slice %arg7[%dma_wait3A_214, %dma_wait3A_215, %dma_wait3A_216] : memref<3x128x128xf32, #tpu.memory_space<vmem>> -> memref<1x128x128xf32, #tpu.memory_space<vmem>>
      %dma_wait3A_218 = tpu.memref_squeeze %dma_wait3A_217 : memref<1x128x128xf32, #tpu.memory_space<vmem>> -> memref<128x128xf32, #tpu.memory_space<vmem>>
      %dma_wait3A_219 = arith.constant 0 : i32
      %dma_wait3A_220 = tpu.memref_slice %arg5[%dma_wait3A_212, %dma_wait3A_213, %dma_wait3A_219] : memref<3x2x128xi32, #tpu.memory_space<vmem>> -> memref<1x1x128xi32, #tpu.memory_space<vmem>>
      %dma_wait3A_221 = tpu.memref_squeeze %dma_wait3A_220 : memref<1x1x128xi32, #tpu.memory_space<vmem>> -> memref<128xi32, #tpu.memory_space<vmem>>
      %dma_wait3A_222 = arith.constant 0 : i32
      %dma_wait3A_223 = arith.constant 0 : i32
      %dma_wait3A_224 = tpu.memref_slice %arg2[%dma_wait3A_222, %dma_wait3A_223] : memref<10000x128xf32, #tpu.memory_space<hbm>> -> memref<10000x128xf32, #tpu.memory_space<hbm>>
      tpu.wait_indirect_dma semaphore(%arg10 : memref<!tpu.dma_semaphore, #tpu.memory_space<semaphore_mem>>) src(%dma_wait3A_224 : memref<10000x128xf32, #tpu.memory_space<hbm>>) dst(%dma_wait3A_218 : memref<128x128xf32, #tpu.memory_space<vmem>>)
      %dma_start3A_225 = arith.constant 2 : i32
      %dma_start3A_226 = arith.constant 2 : i32
      %dma_start3A_227 = arith.constant 1 : i32
      %dma_start3A_228 = arith.constant 0 : i32
      %dma_start3A_229 = arith.constant 0 : i32
      %dma_start3A_230 = tpu.memref_slice %arg7[%dma_start3A_225, %dma_start3A_228, %dma_start3A_229] : memref<3x128x128xf32, #tpu.memory_space<vmem>> -> memref<1x128x128xf32, #tpu.memory_space<vmem>>
      %dma_start3A_231 = tpu.memref_squeeze %dma_start3A_230 : memref<1x128x128xf32, #tpu.memory_space<vmem>> -> memref<128x128xf32, #tpu.memory_space<vmem>>
      %dma_start3A_232 = arith.constant 0 : i32
      %dma_start3A_233 = tpu.memref_slice %arg5[%dma_start3A_226, %dma_start3A_227, %dma_start3A_232] : memref<3x2x128xi32, #tpu.memory_space<vmem>> -> memref<1x1x128xi32, #tpu.memory_space<vmem>>
      %dma_start3A_234 = tpu.memref_squeeze %dma_start3A_233 : memref<1x1x128xi32, #tpu.memory_space<vmem>> -> memref<128xi32, #tpu.memory_space<vmem>>
      %dma_start3A_235 = arith.constant 0 : i32
      %dma_start3A_236 = arith.constant 0 : i32
      %dma_start3A_237 = tpu.memref_slice %arg8[%dma_start3A_235, %dma_start3A_236] : memref<10000x128xf32, #tpu.memory_space<vmem_shared>> -> memref<10000x128xf32, #tpu.memory_space<vmem_shared>>
      tpu.enqueue_indirect_dma source(%dma_start3A_231 : memref<128x128xf32, #tpu.memory_space<vmem>>) target(%dma_start3A_237 : memref<10000x128xf32, #tpu.memory_space<vmem_shared>>) offsets(%dma_start3A_234 : memref<128xi32, #tpu.memory_space<vmem>>) semaphore(%arg11 : memref<!tpu.dma_semaphore, #tpu.memory_space<semaphore_mem>>) {add = true}
      %add3A_238 = arith.constant 2 : i32
      %add3A_239 = arith.addi %add3A_204, %add3A_238 : i32
      %ge3A_240 = arith.constant 3 : i32
      %ge3A_241 = arith.cmpi sge, %add3A_239, %ge3A_240 : i32
      %convert_element_type3A_242 = arith.extui %ge3A_241 : i1 to i32
      %cond3A_243 = arith.constant 0 : i32
      %cond3A_244 = arith.cmpi ne, %convert_element_type3A_242, %cond3A_243 : i32
      scf.if %cond3A_244 {
        %dma_wait3A_252 = arith.constant 1 : i32
        %dma_wait3A_253 = arith.constant 1 : i32
        %dma_wait3A_254 = arith.constant 1 : i32
        %dma_wait3A_255 = arith.constant 0 : i32
        %dma_wait3A_256 = arith.constant 0 : i32
        %dma_wait3A_257 = tpu.memref_slice %arg7[%dma_wait3A_252, %dma_wait3A_255, %dma_wait3A_256] : memref<3x128x128xf32, #tpu.memory_space<vmem>> -> memref<1x128x128xf32, #tpu.memory_space<vmem>>
        %dma_wait3A_258 = tpu.memref_squeeze %dma_wait3A_257 : memref<1x128x128xf32, #tpu.memory_space<vmem>> -> memref<128x128xf32, #tpu.memory_space<vmem>>
        %dma_wait3A_259 = arith.constant 0 : i32
        %dma_wait3A_260 = tpu.memref_slice %arg5[%dma_wait3A_253, %dma_wait3A_254, %dma_wait3A_259] : memref<3x2x128xi32, #tpu.memory_space<vmem>> -> memref<1x1x128xi32, #tpu.memory_space<vmem>>
        %dma_wait3A_261 = tpu.memref_squeeze %dma_wait3A_260 : memref<1x1x128xi32, #tpu.memory_space<vmem>> -> memref<128xi32, #tpu.memory_space<vmem>>
        %dma_wait3A_262 = arith.constant 0 : i32
        %dma_wait3A_263 = arith.constant 0 : i32
        %dma_wait3A_264 = tpu.memref_slice %arg8[%dma_wait3A_262, %dma_wait3A_263] : memref<10000x128xf32, #tpu.memory_space<vmem_shared>> -> memref<10000x128xf32, #tpu.memory_space<vmem_shared>>
        tpu.wait_indirect_dma semaphore(%arg11 : memref<!tpu.dma_semaphore, #tpu.memory_space<semaphore_mem>>) src(%dma_wait3A_258 : memref<128x128xf32, #tpu.memory_space<vmem>>) dst(%dma_wait3A_264 : memref<10000x128xf32, #tpu.memory_space<vmem_shared>>)
      } else {
      }
      %add3A_245 = arith.constant 2 : i32
      %add3A_246 = arith.addi %add3A_204, %add3A_245 : i32
      %lt3A_247 = arith.constant 78 : i32
      %lt3A_248 = arith.cmpi slt, %add3A_246, %lt3A_247 : i32
      %convert_element_type3A_249 = arith.extui %lt3A_248 : i1 to i32
      %cond3A_250 = arith.constant 0 : i32
      %cond3A_251 = arith.cmpi ne, %convert_element_type3A_249, %cond3A_250 : i32
      scf.if %cond3A_251 {
        %add3A_252 = arith.constant 2 : i32
        %add3A_253 = arith.addi %add3A_204, %add3A_252 : i32
        %add3A_254 = arith.addi %add3A, %add3A_253 : i32
        %dma_start3A_255 = arith.constant 1 : i32
        %dma_start3A_256 = arith.constant 0 : i32
        %dma_start3A_257 = arith.constant 0 : i32
        %dma_start3A_258 = tpu.memref_slice %arg5[%dma_start3A_255, %dma_start3A_256, %dma_start3A_257] : memref<3x2x128xi32, #tpu.memory_space<vmem>> -> memref<1x2x128xi32, #tpu.memory_space<vmem>>
        %dma_start3A_259 = tpu.memref_squeeze %dma_start3A_258 : memref<1x2x128xi32, #tpu.memory_space<vmem>> -> memref<2x128xi32, #tpu.memory_space<vmem>>
        %dma_start3A_260 = arith.constant 0 : i32
        %dma_start3A_261 = arith.constant 0 : i32
        %dma_start3A_262 = tpu.memref_slice %arg3[%add3A_254, %dma_start3A_260, %dma_start3A_261] : memref<2500x2x128xi32, #tpu.memory_space<hbm>> -> memref<1x2x128xi32, #tpu.memory_space<hbm>>
        %dma_start3A_263 = tpu.memref_squeeze %dma_start3A_262 : memref<1x2x128xi32, #tpu.memory_space<hbm>> -> memref<2x128xi32, #tpu.memory_space<hbm>>
        %dma_start3A_264 = arith.constant 0 : i32
        %dma_start3A_265 = arith.constant 0 : i32
        %dma_start3A_266 = tpu.memref_slice %arg5[%dma_start3A_255, %dma_start3A_264, %dma_start3A_265] : memref<3x2x128xi32, #tpu.memory_space<vmem>> -> memref<1x2x128xi32, #tpu.memory_space<vmem>>
        %dma_start3A_267 = tpu.memref_squeeze %dma_start3A_266 : memref<1x2x128xi32, #tpu.memory_space<vmem>> -> memref<2x128xi32, #tpu.memory_space<vmem>>
        %dma_start3A_268 = arith.constant 0 : i32
        %dma_start3A_269 = arith.constant 0 : i32
        %dma_start3A_270 = tpu.memref_slice %arg3[%add3A_254, %dma_start3A_268, %dma_start3A_269] : memref<2500x2x128xi32, #tpu.memory_space<hbm>> -> memref<1x2x128xi32, #tpu.memory_space<hbm>>
        %dma_start3A_271 = tpu.memref_squeeze %dma_start3A_270 : memref<1x2x128xi32, #tpu.memory_space<hbm>> -> memref<2x128xi32, #tpu.memory_space<hbm>>
        tpu.enqueue_dma source(%dma_start3A_271 : memref<2x128xi32, #tpu.memory_space<hbm>>) target(%dma_start3A_267 : memref<2x128xi32, #tpu.memory_space<vmem>>) target_semaphore(%arg9 : memref<!tpu.dma_semaphore, #tpu.memory_space<semaphore_mem>>)
      } else {
      }
    }
    %scan3A_77 = arith.constant 26 : i32
    %dma_wait3A_78 = arith.constant 2 : i32
    %dma_wait3A_79 = arith.constant 2 : i32
    %dma_wait3A_80 = arith.constant 1 : i32
    %dma_wait3A_81 = arith.constant 0 : i32
    %dma_wait3A_82 = arith.constant 0 : i32
    %dma_wait3A_83 = tpu.memref_slice %arg7[%dma_wait3A_78, %dma_wait3A_81, %dma_wait3A_82] : memref<3x128x128xf32, #tpu.memory_space<vmem>> -> memref<1x128x128xf32, #tpu.memory_space<vmem>>
    %dma_wait3A_84 = tpu.memref_squeeze %dma_wait3A_83 : memref<1x128x128xf32, #tpu.memory_space<vmem>> -> memref<128x128xf32, #tpu.memory_space<vmem>>
    %dma_wait3A_85 = arith.constant 0 : i32
    %dma_wait3A_86 = tpu.memref_slice %arg5[%dma_wait3A_79, %dma_wait3A_80, %dma_wait3A_85] : memref<3x2x128xi32, #tpu.memory_space<vmem>> -> memref<1x1x128xi32, #tpu.memory_space<vmem>>
    %dma_wait3A_87 = tpu.memref_squeeze %dma_wait3A_86 : memref<1x1x128xi32, #tpu.memory_space<vmem>> -> memref<128xi32, #tpu.memory_space<vmem>>
    %dma_wait3A_88 = arith.constant 0 : i32
    %dma_wait3A_89 = arith.constant 0 : i32
    %dma_wait3A_90 = tpu.memref_slice %arg8[%dma_wait3A_88, %dma_wait3A_89] : memref<10000x128xf32, #tpu.memory_space<vmem_shared>> -> memref<10000x128xf32, #tpu.memory_space<vmem_shared>>
    tpu.wait_indirect_dma semaphore(%arg11 : memref<!tpu.dma_semaphore, #tpu.memory_space<semaphore_mem>>) src(%dma_wait3A_84 : memref<128x128xf32, #tpu.memory_space<vmem>>) dst(%dma_wait3A_90 : memref<10000x128xf32, #tpu.memory_space<vmem_shared>>)
    %scan3A_91 = arith.constant 0 : i32
    %scan3A_92 = arith.constant 78 : i32
    %scan3A_93 = arith.constant 0 : i32
    %scan3A_94 = arith.addi %scan3A_92, %scan3A_93 : i32
    %scan3A_95 = arith.constant 0 : i32
    %lt3A = arith.constant 2 : i32
    %lt3A_96 = arith.cmpi slt, %arg1, %lt3A : i32
    %convert_element_type3A = arith.extui %lt3A_96 : i1 to i32
    %cond3A = arith.constant 0 : i32
    %cond3A_97 = arith.cmpi ne, %convert_element_type3A, %cond3A : i32
    scf.if %cond3A_97 {
      %mul3A_99 = arith.constant 1250 : i32
      %mul3A_100 = arith.muli %arg0, %mul3A_99 : i32
      %add3A_101 = arith.constant 1248 : i32
      %add3A_102 = arith.addi %mul3A_100, %add3A_101 : i32
      %add3A_103 = arith.addi %add3A_102, %arg1 : i32
      "tpu.region"() ({
        %run_scoped3A_129 = tpu.sem_alloc : memref<!tpu.dma_semaphore, #tpu.memory_space<semaphore_mem>>
        %dma_start3A_130 = arith.constant 0 : i32
        %dma_start3A_131 = arith.constant 0 : i32
        %dma_start3A_132 = tpu.memref_slice %arg3[%add3A_103, %dma_start3A_130, %dma_start3A_131] : memref<2500x2x128xi32, #tpu.memory_space<hbm>> -> memref<1x2x128xi32, #tpu.memory_space<hbm>>
        %dma_start3A_133 = tpu.memref_squeeze %dma_start3A_132 : memref<1x2x128xi32, #tpu.memory_space<hbm>> -> memref<2x128xi32, #tpu.memory_space<hbm>>
        %dma_start3A_134 = arith.constant 0 : i32
        %dma_start3A_135 = arith.constant 0 : i32
        %dma_start3A_136 = tpu.memref_slice %arg3[%add3A_103, %dma_start3A_134, %dma_start3A_135] : memref<2500x2x128xi32, #tpu.memory_space<hbm>> -> memref<1x2x128xi32, #tpu.memory_space<hbm>>
        %dma_start3A_137 = tpu.memref_squeeze %dma_start3A_136 : memref<1x2x128xi32, #tpu.memory_space<hbm>> -> memref<2x128xi32, #tpu.memory_space<hbm>>
        tpu.enqueue_dma source(%dma_start3A_137 : memref<2x128xi32, #tpu.memory_space<hbm>>) target(%arg6 : memref<2x128xi32, #tpu.memory_space<vmem>>) target_semaphore(%run_scoped3A_129 : memref<!tpu.dma_semaphore, #tpu.memory_space<semaphore_mem>>)
        %dma_wait3A_138 = arith.constant 0 : i32
        %dma_wait3A_139 = arith.constant 0 : i32
        %dma_wait3A_140 = tpu.memref_slice %arg3[%add3A_103, %dma_wait3A_138, %dma_wait3A_139] : memref<2500x2x128xi32, #tpu.memory_space<hbm>> -> memref<1x2x128xi32, #tpu.memory_space<hbm>>
        %dma_wait3A_141 = tpu.memref_squeeze %dma_wait3A_140 : memref<1x2x128xi32, #tpu.memory_space<hbm>> -> memref<2x128xi32, #tpu.memory_space<hbm>>
        %dma_wait3A_142 = arith.constant 0 : i32
        %dma_wait3A_143 = arith.constant 0 : i32
        %dma_wait3A_144 = tpu.memref_slice %arg3[%add3A_103, %dma_wait3A_142, %dma_wait3A_143] : memref<2500x2x128xi32, #tpu.memory_space<hbm>> -> memref<1x2x128xi32, #tpu.memory_space<hbm>>
        %dma_wait3A_145 = tpu.memref_squeeze %dma_wait3A_144 : memref<1x2x128xi32, #tpu.memory_space<hbm>> -> memref<2x128xi32, #tpu.memory_space<hbm>>
        tpu.wait_dma2 semaphore(%run_scoped3A_129 : memref<!tpu.dma_semaphore, #tpu.memory_space<semaphore_mem>>) src(%dma_wait3A_145 : memref<2x128xi32, #tpu.memory_space<hbm>>) dst(%arg6 : memref<2x128xi32, #tpu.memory_space<vmem>>)
        tpu.yield
      }) : () -> ()
      %dma_start3A_104 = arith.constant 0 : i32
      %dma_start3A_105 = arith.constant 0 : i32
      %dma_start3A_106 = arith.constant 0 : i32
      %dma_start3A_107 = arith.constant 0 : i32
      %dma_start3A_108 = tpu.memref_slice %arg7[%dma_start3A_105, %dma_start3A_106, %dma_start3A_107] : memref<3x128x128xf32, #tpu.memory_space<vmem>> -> memref<1x128x128xf32, #tpu.memory_space<vmem>>
      %dma_start3A_109 = tpu.memref_squeeze %dma_start3A_108 : memref<1x128x128xf32, #tpu.memory_space<vmem>> -> memref<128x128xf32, #tpu.memory_space<vmem>>
      %dma_start3A_110 = arith.constant 0 : i32
      %dma_start3A_111 = tpu.memref_slice %arg6[%dma_start3A_104, %dma_start3A_110] : memref<2x128xi32, #tpu.memory_space<vmem>> -> memref<1x128xi32, #tpu.memory_space<vmem>>
      %dma_start3A_112 = tpu.memref_squeeze %dma_start3A_111 : memref<1x128xi32, #tpu.memory_space<vmem>> -> memref<128xi32, #tpu.memory_space<vmem>>
      %dma_start3A_113 = arith.constant 0 : i32
      %dma_start3A_114 = arith.constant 0 : i32
      %dma_start3A_115 = tpu.memref_slice %arg2[%dma_start3A_113, %dma_start3A_114] : memref<10000x128xf32, #tpu.memory_space<hbm>> -> memref<10000x128xf32, #tpu.memory_space<hbm>>
      tpu.enqueue_indirect_dma source(%dma_start3A_115 : memref<10000x128xf32, #tpu.memory_space<hbm>>) target(%dma_start3A_109 : memref<128x128xf32, #tpu.memory_space<vmem>>) offsets(%dma_start3A_112 : memref<128xi32, #tpu.memory_space<vmem>>) semaphore(%arg10 : memref<!tpu.dma_semaphore, #tpu.memory_space<semaphore_mem>>)
      %dma_wait3A_116 = arith.constant 0 : i32
      %dma_wait3A_117 = arith.constant 0 : i32
      %dma_wait3A_118 = arith.constant 0 : i32
      %dma_wait3A_119 = arith.constant 0 : i32
      %dma_wait3A_120 = tpu.memref_slice %arg7[%dma_wait3A_117, %dma_wait3A_118, %dma_wait3A_119] : memref<3x128x128xf32, #tpu.memory_space<vmem>> -> memref<1x128x128xf32, #tpu.memory_space<vmem>>
      %dma_wait3A_121 = tpu.memref_squeeze %dma_wait3A_120 : memref<1x128x128xf32, #tpu.memory_space<vmem>> -> memref<128x128xf32, #tpu.memory_space<vmem>>
      %dma_wait3A_122 = arith.constant 0 : i32
      %dma_wait3A_123 = tpu.memref_slice %arg6[%dma_wait3A_116, %dma_wait3A_122] : memref<2x128xi32, #tpu.memory_space<vmem>> -> memref<1x128xi32, #tpu.memory_space<vmem>>
      %dma_wait3A_124 = tpu.memref_squeeze %dma_wait3A_123 : memref<1x128xi32, #tpu.memory_space<vmem>> -> memref<128xi32, #tpu.memory_space<vmem>>
      %dma_wait3A_125 = arith.constant 0 : i32
      %dma_wait3A_126 = arith.constant 0 : i32
      %dma_wait3A_127 = tpu.memref_slice %arg2[%dma_wait3A_125, %dma_wait3A_126] : memref<10000x128xf32, #tpu.memory_space<hbm>> -> memref<10000x128xf32, #tpu.memory_space<hbm>>
      tpu.wait_indirect_dma semaphore(%arg10 : memref<!tpu.dma_semaphore, #tpu.memory_space<semaphore_mem>>) src(%dma_wait3A_127 : memref<10000x128xf32, #tpu.memory_space<hbm>>) dst(%dma_wait3A_121 : memref<128x128xf32, #tpu.memory_space<vmem>>)
      %run_scoped3A = arith.constant 0 : i32
      %run_scoped3A_128 = arith.constant 1 : i32
      "tpu.region"() ({
        %run_scoped3A_129 = tpu.sem_alloc : memref<!tpu.dma_semaphore, #tpu.memory_space<semaphore_mem>>
        %dma_start3A_130 = arith.constant 0 : i32
        %dma_start3A_131 = arith.constant 0 : i32
        %dma_start3A_132 = tpu.memref_slice %arg7[%run_scoped3A, %dma_start3A_130, %dma_start3A_131] : memref<3x128x128xf32, #tpu.memory_space<vmem>> -> memref<1x128x128xf32, #tpu.memory_space<vmem>>
        %dma_start3A_133 = tpu.memref_squeeze %dma_start3A_132 : memref<1x128x128xf32, #tpu.memory_space<vmem>> -> memref<128x128xf32, #tpu.memory_space<vmem>>
        %dma_start3A_134 = arith.constant 0 : i32
        %dma_start3A_135 = tpu.memref_slice %arg6[%run_scoped3A_128, %dma_start3A_134] : memref<2x128xi32, #tpu.memory_space<vmem>> -> memref<1x128xi32, #tpu.memory_space<vmem>>
        %dma_start3A_136 = tpu.memref_squeeze %dma_start3A_135 : memref<1x128xi32, #tpu.memory_space<vmem>> -> memref<128xi32, #tpu.memory_space<vmem>>
        %dma_start3A_137 = arith.constant 0 : i32
        %dma_start3A_138 = arith.constant 0 : i32
        %dma_start3A_139 = tpu.memref_slice %arg8[%dma_start3A_137, %dma_start3A_138] : memref<10000x128xf32, #tpu.memory_space<vmem_shared>> -> memref<10000x128xf32, #tpu.memory_space<vmem_shared>>
        tpu.enqueue_indirect_dma source(%dma_start3A_133 : memref<128x128xf32, #tpu.memory_space<vmem>>) target(%dma_start3A_139 : memref<10000x128xf32, #tpu.memory_space<vmem_shared>>) offsets(%dma_start3A_136 : memref<128xi32, #tpu.memory_space<vmem>>) semaphore(%run_scoped3A_129 : memref<!tpu.dma_semaphore, #tpu.memory_space<semaphore_mem>>) {add = true}
        %dma_wait3A_140 = arith.constant 0 : i32
        %dma_wait3A_141 = arith.constant 0 : i32
        %dma_wait3A_142 = tpu.memref_slice %arg7[%run_scoped3A, %dma_wait3A_140, %dma_wait3A_141] : memref<3x128x128xf32, #tpu.memory_space<vmem>> -> memref<1x128x128xf32, #tpu.memory_space<vmem>>
        %dma_wait3A_143 = tpu.memref_squeeze %dma_wait3A_142 : memref<1x128x128xf32, #tpu.memory_space<vmem>> -> memref<128x128xf32, #tpu.memory_space<vmem>>
        %dma_wait3A_144 = arith.constant 0 : i32
        %dma_wait3A_145 = tpu.memref_slice %arg6[%run_scoped3A_128, %dma_wait3A_144] : memref<2x128xi32, #tpu.memory_space<vmem>> -> memref<1x128xi32, #tpu.memory_space<vmem>>
        %dma_wait3A_146 = tpu.memref_squeeze %dma_wait3A_145 : memref<1x128xi32, #tpu.memory_space<vmem>> -> memref<128xi32, #tpu.memory_space<vmem>>
        %dma_wait3A_147 = arith.constant 0 : i32
        %dma_wait3A_148 = arith.constant 0 : i32
        %dma_wait3A_149 = tpu.memref_slice %arg8[%dma_wait3A_147, %dma_wait3A_148] : memref<10000x128xf32, #tpu.memory_space<vmem_shared>> -> memref<10000x128xf32, #tpu.memory_space<vmem_shared>>
        tpu.wait_indirect_dma semaphore(%run_scoped3A_129 : memref<!tpu.dma_semaphore, #tpu.memory_space<semaphore_mem>>) src(%dma_wait3A_143 : memref<128x128xf32, #tpu.memory_space<vmem>>) dst(%dma_wait3A_149 : memref<10000x128xf32, #tpu.memory_space<vmem_shared>>)
        tpu.yield
      }) : () -> ()
    } else {
    }
    %barrier3A_98 = arith.constant 0 : index
    tpu.barrier barrier_id(%barrier3A_98)
    "tpu.region"() ({
      %run_scoped3A = tpu.sem_alloc : memref<!tpu.dma_semaphore, #tpu.memory_space<semaphore_mem>>
      %dma_start3A_99 = arith.constant 0 : i32
      %dma_start3A_100 = tpu.memref_slice %arg4[%arg0, %mul3A_0, %dma_start3A_99] : memref<2x10000x128xf32, #tpu.memory_space<hbm>> -> memref<1x625x128xf32, #tpu.memory_space<hbm>>
      %dma_start3A_101 = tpu.memref_squeeze %dma_start3A_100 : memref<1x625x128xf32, #tpu.memory_space<hbm>> -> memref<625x128xf32, #tpu.memory_space<hbm>>
      %dma_start3A_102 = arith.constant 0 : i32
      %dma_start3A_103 = tpu.memref_slice %arg8[%mul3A_0, %dma_start3A_102] : memref<10000x128xf32, #tpu.memory_space<vmem_shared>> -> memref<625x128xf32, #tpu.memory_space<vmem_shared>>
      tpu.enqueue_dma source(%dma_start3A_103 : memref<625x128xf32, #tpu.memory_space<vmem_shared>>) target(%dma_start3A_101 : memref<625x128xf32, #tpu.memory_space<hbm>>) target_semaphore(%run_scoped3A : memref<!tpu.dma_semaphore, #tpu.memory_space<semaphore_mem>>)
      %dma_wait3A_104 = arith.constant 0 : i32
      %dma_wait3A_105 = tpu.memref_slice %arg4[%arg0, %mul3A_0, %dma_wait3A_104] : memref<2x10000x128xf32, #tpu.memory_space<hbm>> -> memref<1x625x128xf32, #tpu.memory_space<hbm>>
      %dma_wait3A_106 = tpu.memref_squeeze %dma_wait3A_105 : memref<1x625x128xf32, #tpu.memory_space<hbm>> -> memref<625x128xf32, #tpu.memory_space<hbm>>
      %dma_wait3A_107 = arith.constant 0 : i32
      %dma_wait3A_108 = tpu.memref_slice %arg8[%mul3A_0, %dma_wait3A_107] : memref<10000x128xf32, #tpu.memory_space<vmem_shared>> -> memref<625x128xf32, #tpu.memory_space<vmem_shared>>
      tpu.wait_dma2 semaphore(%run_scoped3A : memref<!tpu.dma_semaphore, #tpu.memory_space<semaphore_mem>>) src(%dma_wait3A_108 : memref<625x128xf32, #tpu.memory_space<vmem_shared>>) dst(%dma_wait3A_106 : memref<625x128xf32, #tpu.memory_space<hbm>>)
      tpu.yield
    }) : () -> ()
    return
  }
}

module attributes {stable_mosaic.version = 14 : i64} {
  func.func @body(%arg0: i32, %arg1: memref<2000x128xf32, #tpu.memory_space<vmem>>, %arg2: memref<128x128xf32, #tpu.memory_space<vmem>>, %arg3: memref<2000x128xf32, #tpu.memory_space<vmem>>) attributes {dimension_semantics = [#tpu.dimension_semantics<arbitrary>], iteration_bounds = array<i64: 5>, scalar_prefetch = 0 : i64, scratch_operands = 0 : i64, tpu.core_type = #tpu.core_type<tc>, window_params = [{transform_indices = @transform_0, window_bounds = array<i64: 2000, 128>}, {pipeline_mode = #tpu.pipeline_mode<synchronous>, transform_indices = @transform_1, window_bounds = array<i64: 128, 128>}, {transform_indices = @transform_2, window_bounds = array<i64: 2000, 128>}]} {
    %get3A = arith.constant 0 : index
    %get3A_0 = arith.constant 0 : index
    %get3A_1 = vector.load %arg1[%get3A, %get3A_0] : memref<2000x128xf32, #tpu.memory_space<vmem>>, vector<2000x128xf32>
    %get3A_2 = arith.constant 0 : index
    %get3A_3 = arith.constant 0 : index
    %get3A_4 = vector.load %arg2[%get3A_2, %get3A_3] : memref<128x128xf32, #tpu.memory_space<vmem>>, vector<128x128xf32>
    %dot_general3A = arith.constant dense<0.000000e+00> : vector<2000x128xf32>
    %dot_general3A_5 = tpu.matmul %get3A_1, %get3A_4, %dot_general3A {dimension_numbers = #tpu.dot_dimension_numbers<[1], [0], [0], [1], [0, 0, 1, 1], [], []>, transpose_lhs_hint = false} : vector<2000x128xf32>, vector<128x128xf32>, vector<2000x128xf32> -> vector<2000x128xf32>
    %swap3A = arith.constant 0 : index
    %swap3A_6 = arith.constant 0 : index
    %swap3A_7 = vector.load %arg3[%swap3A, %swap3A_6] : memref<2000x128xf32, #tpu.memory_space<vmem>>, vector<2000x128xf32>
    tpu.vector_store %arg3[%swap3A, %swap3A_6], %dot_general3A_5 {strides = array<i32>} : memref<2000x128xf32, #tpu.memory_space<vmem>>, vector<2000x128xf32>,
    return
  }
  func.func @transform_0(%arg0: i32) -> (i32, i32) {
    %c0_i32 = arith.constant 0 : i32
    %c0_i32_0 = arith.constant 0 : i32
    return %arg0, %c0_i32 : i32, i32
  }
  func.func @transform_1(%arg0: i32) -> (i32, i32) {
    %c0_i32 = arith.constant 0 : i32
    %c0_i32_0 = arith.constant 0 : i32
    %c0_i32_1 = arith.constant 0 : i32
    return %c0_i32, %c0_i32_0 : i32, i32
  }
  func.func @transform_2(%arg0: i32) -> (i32, i32) {
    %c0_i32 = arith.constant 0 : i32
    %c0_i32_0 = arith.constant 0 : i32
    return %arg0, %c0_i32 : i32, i32
  }
}

module attributes {stable_mosaic.version = 14 : i64} {
  func.func @body(%arg0: i32, %arg1: memref<2000x128xf32, #tpu.memory_space<vmem>>, %arg2: memref<2000x32xf32, #tpu.memory_space<vmem>>, %arg3: memref<2000x128xf32, #tpu.memory_space<vmem>>) attributes {dimension_semantics = [#tpu.dimension_semantics<arbitrary>], iteration_bounds = array<i64: 5>, scalar_prefetch = 0 : i64, scratch_operands = 0 : i64, tpu.core_type = #tpu.core_type<tc>, window_params = [{transform_indices = @transform_0, window_bounds = array<i64: 2000, 128>}, {transform_indices = @transform_1, window_bounds = array<i64: 2000, 32>}, {transform_indices = @transform_2, window_bounds = array<i64: 2000, 128>}]} {
    %get3A = arith.constant 0 : index
    %get3A_0 = arith.constant 0 : index
    %get3A_1 = vector.load %arg1[%get3A, %get3A_0] : memref<2000x128xf32, #tpu.memory_space<vmem>>, vector<2000x128xf32>
    %get3A_2 = arith.constant 0 : index
    %get3A_3 = arith.constant 0 : index
    %get3A_4 = vector.load %arg2[%get3A_2, %get3A_3] : memref<2000x32xf32, #tpu.memory_space<vmem>>, vector<2000x32xf32>
    %reduce_sum3A = arith.constant dense<0.000000e+00> : vector<2000xf32>
    %reduce_sum3A_5 = vector.multi_reduction <add>, %get3A_4, %reduce_sum3A [1] : vector<2000x32xf32> to vector<2000xf32>
    %add3A = arith.constant 1.000000e+00 : f32
    %add3A_6 = vector.broadcast %add3A : f32 to vector<2000xf32>
    %add3A_7 = arith.addf %reduce_sum3A_5, %add3A_6 : vector<2000xf32>
    %rsqrt3A = math.rsqrt %add3A_7 : vector<2000xf32>
    %broadcast_in_dim3A = vector.shape_cast %rsqrt3A : vector<2000xf32> to vector<2000x1xf32>
    %mul3A = vector.broadcast %broadcast_in_dim3A : vector<2000x1xf32> to vector<2000x128xf32>
    %mul3A_8 = arith.mulf %get3A_1, %mul3A : vector<2000x128xf32>
    %swap3A = arith.constant 0 : index
    %swap3A_9 = arith.constant 0 : index
    %swap3A_10 = vector.load %arg3[%swap3A, %swap3A_9] : memref<2000x128xf32, #tpu.memory_space<vmem>>, vector<2000x128xf32>
    tpu.vector_store %arg3[%swap3A, %swap3A_9], %mul3A_8 {strides = array<i32>} : memref<2000x128xf32, #tpu.memory_space<vmem>>, vector<2000x128xf32>,
    return
  }
  func.func @transform_0(%arg0: i32) -> (i32, i32) {
    %c0_i32 = arith.constant 0 : i32
    %c0_i32_0 = arith.constant 0 : i32
    return %arg0, %c0_i32 : i32, i32
  }
  func.func @transform_1(%arg0: i32) -> (i32, i32) {
    %c0_i32 = arith.constant 0 : i32
    %c0_i32_0 = arith.constant 0 : i32
    return %arg0, %c0_i32 : i32, i32
  }
  func.func @transform_2(%arg0: i32) -> (i32, i32) {
    %c0_i32 = arith.constant 0 : i32
    %c0_i32_0 = arith.constant 0 : i32
    return %arg0, %c0_i32 : i32, i32
  }
}

module attributes {stable_mosaic.version = 14 : i64} {
  func.func @body(%arg0: i32, %arg1: memref<2x2000x128xf32, #tpu.memory_space<vmem>>, %arg2: memref<2000x128xf32, #tpu.memory_space<vmem>>, %arg3: memref<2000x128xf32, #tpu.memory_space<vmem>>, %arg4: memref<2000x32xf32, #tpu.memory_space<vmem>>, %arg5: memref<128x64xf32, #tpu.memory_space<vmem>>, %arg6: memref<128x64xf32, #tpu.memory_space<vmem>>, %arg7: memref<1x128xf32, #tpu.memory_space<vmem>>, %arg8: memref<1x128xf32, #tpu.memory_space<vmem>>, %arg9: memref<1x128xf32, #tpu.memory_space<vmem>>, %arg10: memref<2000x64xf32, #tpu.memory_space<vmem>>) attributes {dimension_semantics = [#tpu.dimension_semantics<arbitrary>], iteration_bounds = array<i64: 5>, scalar_prefetch = 0 : i64, scratch_operands = 0 : i64, tpu.core_type = #tpu.core_type<tc>, window_params = [{transform_indices = @transform_0, window_bounds = array<i64: 2, 2000, 128>}, {transform_indices = @transform_1, window_bounds = array<i64: 2000, 128>}, {transform_indices = @transform_2, window_bounds = array<i64: 2000, 128>}, {transform_indices = @transform_3, window_bounds = array<i64: 2000, 32>}, {pipeline_mode = #tpu.pipeline_mode<synchronous>, transform_indices = @transform_4, window_bounds = array<i64: 128, 64>}, {pipeline_mode = #tpu.pipeline_mode<synchronous>, transform_indices = @transform_5, window_bounds = array<i64: 128, 64>}, {pipeline_mode = #tpu.pipeline_mode<synchronous>, transform_indices = @transform_6, window_bounds = array<i64: 1, 128>}, {pipeline_mode = #tpu.pipeline_mode<synchronous>, transform_indices = @transform_7, window_bounds = array<i64: 1, 128>}, {pipeline_mode = #tpu.pipeline_mode<synchronous>, transform_indices = @transform_8, window_bounds = array<i64: 1, 128>}, {transform_indices = @transform_9, window_bounds = array<i64: 2000, 64>}]} {
    %get3A = arith.constant 0 : index
    %get3A_0 = arith.constant 0 : index
    %get3A_1 = vector.load %arg4[%get3A, %get3A_0] : memref<2000x32xf32, #tpu.memory_space<vmem>>, vector<2000x32xf32>
    %reduce_sum3A = arith.constant dense<0.000000e+00> : vector<2000xf32>
    %reduce_sum3A_2 = vector.multi_reduction <add>, %get3A_1, %reduce_sum3A [1] : vector<2000x32xf32> to vector<2000xf32>
    %add3A = arith.constant 1.000000e+00 : f32
    %add3A_3 = vector.broadcast %add3A : f32 to vector<2000xf32>
    %add3A_4 = arith.addf %reduce_sum3A_2, %add3A_3 : vector<2000xf32>
    %rsqrt3A = math.rsqrt %add3A_4 : vector<2000xf32>
    %broadcast_in_dim3A = vector.shape_cast %rsqrt3A : vector<2000xf32> to vector<2000x1xf32>
    %get3A_5 = arith.constant 0 : index
    %get3A_6 = arith.constant 0 : index
    %get3A_7 = arith.constant 0 : index
    %get3A_8 = vector.load %arg1[%get3A_5, %get3A_6, %get3A_7] : memref<2x2000x128xf32, #tpu.memory_space<vmem>>, vector<1x2000x128xf32>
    %get3A_9 = vector.shape_cast %get3A_8 : vector<1x2000x128xf32> to vector<2000x128xf32>
    %get3A_10 = arith.constant 1 : index
    %get3A_11 = arith.constant 0 : index
    %get3A_12 = arith.constant 0 : index
    %get3A_13 = vector.load %arg1[%get3A_10, %get3A_11, %get3A_12] : memref<2x2000x128xf32, #tpu.memory_space<vmem>>, vector<1x2000x128xf32>
    %get3A_14 = vector.shape_cast %get3A_13 : vector<1x2000x128xf32> to vector<2000x128xf32>
    %add3A_15 = arith.addf %get3A_9, %get3A_14 : vector<2000x128xf32>
    %get3A_16 = arith.constant 0 : index
    %get3A_17 = arith.constant 0 : index
    %get3A_18 = vector.load %arg2[%get3A_16, %get3A_17] : memref<2000x128xf32, #tpu.memory_space<vmem>>, vector<2000x128xf32>
    %sub3A = arith.subf %add3A_15, %get3A_18 : vector<2000x128xf32>
    %mul3A = vector.broadcast %broadcast_in_dim3A : vector<2000x1xf32> to vector<2000x128xf32>
    %mul3A_19 = arith.mulf %mul3A, %sub3A : vector<2000x128xf32>
    %get3A_20 = arith.constant 0 : index
    %get3A_21 = arith.constant 0 : index
    %get3A_22 = vector.load %arg7[%get3A_20, %get3A_21] : memref<1x128xf32, #tpu.memory_space<vmem>>, vector<1x128xf32>
    %add3A_23 = vector.broadcast %get3A_22 : vector<1x128xf32> to vector<2000x128xf32>
    %add3A_24 = arith.addf %mul3A_19, %add3A_23 : vector<2000x128xf32>
    %max3A = arith.constant 0.000000e+00 : f32
    %max3A_25 = vector.broadcast %max3A : f32 to vector<2000x128xf32>
    %max3A_26 = arith.maximumf %add3A_24, %max3A_25 : vector<2000x128xf32>
    %get3A_27 = arith.constant 0 : index
    %get3A_28 = arith.constant 0 : index
    %get3A_29 = vector.load %arg9[%get3A_27, %get3A_28] : memref<1x128xf32, #tpu.memory_space<vmem>>, vector<1x128xf32>
    %exp3A = math.exp %get3A_29 : vector<1x128xf32>
    %get3A_30 = arith.constant 0 : index
    %get3A_31 = arith.constant 0 : index
    %get3A_32 = vector.load %arg3[%get3A_30, %get3A_31] : memref<2000x128xf32, #tpu.memory_space<vmem>>, vector<2000x128xf32>
    %mul3A_33 = vector.broadcast %exp3A : vector<1x128xf32> to vector<2000x128xf32>
    %mul3A_34 = arith.mulf %mul3A_33, %get3A_32 : vector<2000x128xf32>
    %get3A_35 = arith.constant 0 : index
    %get3A_36 = arith.constant 0 : index
    %get3A_37 = vector.load %arg8[%get3A_35, %get3A_36] : memref<1x128xf32, #tpu.memory_space<vmem>>, vector<1x128xf32>
    %add3A_38 = vector.broadcast %get3A_37 : vector<1x128xf32> to vector<2000x128xf32>
    %add3A_39 = arith.addf %mul3A_34, %add3A_38 : vector<2000x128xf32>
    %sub3A_40 = arith.subf %max3A_26, %add3A_39 : vector<2000x128xf32>
    %get3A_41 = arith.constant 0 : index
    %get3A_42 = arith.constant 0 : index
    %get3A_43 = vector.load %arg5[%get3A_41, %get3A_42] : memref<128x64xf32, #tpu.memory_space<vmem>>, vector<128x64xf32>
    %dot_general3A = arith.constant dense<0.000000e+00> : vector<2000x64xf32>
    %dot_general3A_44 = tpu.matmul %sub3A_40, %get3A_43, %dot_general3A {dimension_numbers = #tpu.dot_dimension_numbers<[1], [0], [0], [1], [0, 0, 1, 1], [], []>, transpose_lhs_hint = false} : vector<2000x128xf32>, vector<128x64xf32>, vector<2000x64xf32> -> vector<2000x64xf32>
    %get3A_45 = arith.constant 0 : index
    %get3A_46 = arith.constant 0 : index
    %get3A_47 = vector.load %arg6[%get3A_45, %get3A_46] : memref<128x64xf32, #tpu.memory_space<vmem>>, vector<128x64xf32>
    %dot_general3A_48 = arith.constant dense<0.000000e+00> : vector<2000x64xf32>
    %dot_general3A_49 = tpu.matmul %add3A_39, %get3A_47, %dot_general3A_48 {dimension_numbers = #tpu.dot_dimension_numbers<[1], [0], [0], [1], [0, 0, 1, 1], [], []>, transpose_lhs_hint = false} : vector<2000x128xf32>, vector<128x64xf32>, vector<2000x64xf32> -> vector<2000x64xf32>
    %add3A_50 = arith.addf %dot_general3A_44, %dot_general3A_49 : vector<2000x64xf32>
    %mul3A_51 = vector.broadcast %broadcast_in_dim3A : vector<2000x1xf32> to vector<2000x64xf32>
    %mul3A_52 = arith.mulf %add3A_50, %mul3A_51 : vector<2000x64xf32>
    %swap3A = arith.constant 0 : index
    %swap3A_53 = arith.constant 0 : index
    %swap3A_54 = vector.load %arg10[%swap3A, %swap3A_53] : memref<2000x64xf32, #tpu.memory_space<vmem>>, vector<2000x64xf32>
    tpu.vector_store %arg10[%swap3A, %swap3A_53], %mul3A_52 {strides = array<i32>} : memref<2000x64xf32, #tpu.memory_space<vmem>>, vector<2000x64xf32>,
    return
  }
  func.func @transform_0(%arg0: i32) -> (i32, i32, i32) {
    %c0_i32 = arith.constant 0 : i32
    %c0_i32_0 = arith.constant 0 : i32
    %c0_i32_1 = arith.constant 0 : i32
    return %c0_i32, %arg0, %c0_i32_0 : i32, i32, i32
  }
  func.func @transform_1(%arg0: i32) -> (i32, i32) {
    %c0_i32 = arith.constant 0 : i32
    %c0_i32_0 = arith.constant 0 : i32
    return %arg0, %c0_i32 : i32, i32
  }
  func.func @transform_2(%arg0: i32) -> (i32, i32) {
    %c0_i32 = arith.constant 0 : i32
    %c0_i32_0 = arith.constant 0 : i32
    return %arg0, %c0_i32 : i32, i32
  }
  func.func @transform_3(%arg0: i32) -> (i32, i32) {
    %c0_i32 = arith.constant 0 : i32
    %c0_i32_0 = arith.constant 0 : i32
    return %arg0, %c0_i32 : i32, i32
  }
  func.func @transform_4(%arg0: i32) -> (i32, i32) {
    %c0_i32 = arith.constant 0 : i32
    %c0_i32_0 = arith.constant 0 : i32
    %c0_i32_1 = arith.constant 0 : i32
    return %c0_i32, %c0_i32_0 : i32, i32
  }
  func.func @transform_5(%arg0: i32) -> (i32, i32) {
    %c0_i32 = arith.constant 0 : i32
    %c0_i32_0 = arith.constant 0 : i32
    %c0_i32_1 = arith.constant 0 : i32
    return %c0_i32, %c0_i32_0 : i32, i32
  }
  func.func @transform_6(%arg0: i32) -> (i32, i32) {
    %c0_i32 = arith.constant 0 : i32
    %c0_i32_0 = arith.constant 0 : i32
    %c0_i32_1 = arith.constant 0 : i32
    return %c0_i32, %c0_i32_0 : i32, i32
  }
  func.func @transform_7(%arg0: i32) -> (i32, i32) {
    %c0_i32 = arith.constant 0 : i32
    %c0_i32_0 = arith.constant 0 : i32
    %c0_i32_1 = arith.constant 0 : i32
    return %c0_i32, %c0_i32_0 : i32, i32
  }
  func.func @transform_8(%arg0: i32) -> (i32, i32) {
    %c0_i32 = arith.constant 0 : i32
    %c0_i32_0 = arith.constant 0 : i32
    %c0_i32_1 = arith.constant 0 : i32
    return %c0_i32, %c0_i32_0 : i32, i32
  }
  func.func @transform_9(%arg0: i32) -> (i32, i32) {
    %c0_i32 = arith.constant 0 : i32
    %c0_i32_0 = arith.constant 0 : i32
    return %arg0, %c0_i32 : i32, i32
  }
}

module attributes {stable_mosaic.version = 14 : i64} {
  func.func @body(%arg0: i32, %arg1: memref<2000x128xf32, #tpu.memory_space<vmem>>, %arg2: memref<2000x64xf32, #tpu.memory_space<vmem>>, %arg3: memref<2000x32xf32, #tpu.memory_space<vmem>>, %arg4: memref<1x64xf32, #tpu.memory_space<vmem>>, %arg5: memref<2000x64xf32, #tpu.memory_space<vmem>>) attributes {dimension_semantics = [#tpu.dimension_semantics<arbitrary>], iteration_bounds = array<i64: 5>, scalar_prefetch = 0 : i64, scratch_operands = 0 : i64, tpu.core_type = #tpu.core_type<tc>, window_params = [{transform_indices = @transform_0, window_bounds = array<i64: 2000, 128>}, {transform_indices = @transform_1, window_bounds = array<i64: 2000, 64>}, {transform_indices = @transform_2, window_bounds = array<i64: 2000, 32>}, {pipeline_mode = #tpu.pipeline_mode<synchronous>, transform_indices = @transform_3, window_bounds = array<i64: 1, 64>}, {transform_indices = @transform_4, window_bounds = array<i64: 2000, 64>}]} {
    %get3A = arith.constant 0 : index
    %get3A_0 = arith.constant 0 : index
    %get3A_1 = vector.load %arg3[%get3A, %get3A_0] : memref<2000x32xf32, #tpu.memory_space<vmem>>, vector<2000x32xf32>
    %reduce_sum3A = arith.constant dense<0.000000e+00> : vector<2000xf32>
    %reduce_sum3A_2 = vector.multi_reduction <add>, %get3A_1, %reduce_sum3A [1] : vector<2000x32xf32> to vector<2000xf32>
    %add3A = arith.constant 1.000000e+00 : f32
    %add3A_3 = vector.broadcast %add3A : f32 to vector<2000xf32>
    %add3A_4 = arith.addf %reduce_sum3A_2, %add3A_3 : vector<2000xf32>
    %rsqrt3A = math.rsqrt %add3A_4 : vector<2000xf32>
    %broadcast_in_dim3A = vector.shape_cast %rsqrt3A : vector<2000xf32> to vector<2000x1xf32>
    %get3A_5 = arith.constant 0 : index
    %get3A_6 = arith.constant 0 : index
    %get3A_7 = vector.load %arg1[%get3A_5, %get3A_6] : memref<2000x128xf32, #tpu.memory_space<vmem>>, vector<2000x64xf32>
    %get3A_8 = arith.constant 0 : index
    %get3A_9 = arith.constant 64 : index
    %get3A_10 = vector.load %arg1[%get3A_8, %get3A_9] : memref<2000x128xf32, #tpu.memory_space<vmem>>, vector<2000x64xf32>
    %add3A_11 = arith.addf %get3A_7, %get3A_10 : vector<2000x64xf32>
    %get3A_12 = arith.constant 0 : index
    %get3A_13 = arith.constant 0 : index
    %get3A_14 = vector.load %arg2[%get3A_12, %get3A_13] : memref<2000x64xf32, #tpu.memory_space<vmem>>, vector<2000x64xf32>
    %sub3A = arith.subf %add3A_11, %get3A_14 : vector<2000x64xf32>
    %mul3A = vector.broadcast %broadcast_in_dim3A : vector<2000x1xf32> to vector<2000x64xf32>
    %mul3A_15 = arith.mulf %mul3A, %sub3A : vector<2000x64xf32>
    %get3A_16 = arith.constant 0 : index
    %get3A_17 = arith.constant 0 : index
    %get3A_18 = vector.load %arg4[%get3A_16, %get3A_17] : memref<1x64xf32, #tpu.memory_space<vmem>>, vector<1x64xf32>
    %add3A_19 = vector.broadcast %get3A_18 : vector<1x64xf32> to vector<2000x64xf32>
    %add3A_20 = arith.addf %mul3A_15, %add3A_19 : vector<2000x64xf32>
    %swap3A = arith.constant 0 : index
    %swap3A_21 = arith.constant 0 : index
    %swap3A_22 = vector.load %arg5[%swap3A, %swap3A_21] : memref<2000x64xf32, #tpu.memory_space<vmem>>, vector<2000x64xf32>
    tpu.vector_store %arg5[%swap3A, %swap3A_21], %add3A_20 {strides = array<i32>} : memref<2000x64xf32, #tpu.memory_space<vmem>>, vector<2000x64xf32>,
    return
  }
  func.func @transform_0(%arg0: i32) -> (i32, i32) {
    %c0_i32 = arith.constant 0 : i32
    %c0_i32_0 = arith.constant 0 : i32
    return %arg0, %c0_i32 : i32, i32
  }
  func.func @transform_1(%arg0: i32) -> (i32, i32) {
    %c0_i32 = arith.constant 0 : i32
    %c0_i32_0 = arith.constant 0 : i32
    return %arg0, %c0_i32 : i32, i32
  }
  func.func @transform_2(%arg0: i32) -> (i32, i32) {
    %c0_i32 = arith.constant 0 : i32
    %c0_i32_0 = arith.constant 0 : i32
    return %arg0, %c0_i32 : i32, i32
  }
  func.func @transform_3(%arg0: i32) -> (i32, i32) {
    %c0_i32 = arith.constant 0 : i32
    %c0_i32_0 = arith.constant 0 : i32
    %c0_i32_1 = arith.constant 0 : i32
    return %c0_i32, %c0_i32_0 : i32, i32
  }
  func.func @transform_4(%arg0: i32) -> (i32, i32) {
    %c0_i32 = arith.constant 0 : i32
    %c0_i32_0 = arith.constant 0 : i32
    return %arg0, %c0_i32 : i32, i32
  }
}

</mosaic_0001>

<sc_bundles>
// kernel: kernel.12.cloned.1.call-start
scs
__scs_entry_jumppad:
0x0: {  	(pc) =	sbr.rel $0x88, $3  }
0x1: {  	(tag) =	ssettag $0x0;
	lr =	simm.s32 $0x1  }
0x2: {  	[smem:$0x3F98] =	sst lr;
	_ =	strace $0xD0000000  }
0x3: {  	_ = 	snop  }
0x4: {  	_ = 	snop  }
0x5: {  	_ = 	snop  }
0x6: {  	_ = 	snop  }
0x7: {  	_ = 	snop  }
__scs_overlays_trampoline_lowered:
0x8: {  	[smem:$0x3FA7] =	sst s0  }
0x9: {  	[smem:$0x3FA8] =	sst s1  }
0xa: {  	[smem:$0x3FA9] =	sst s2  }
0xb: {  	[smem:$0x3FAA] =	sst s3  }
0xc: {  	[smem:$0x3FAB] =	sst s4  }
0xd: {  	[smem:$0x3FAC] =	sst s5  }
0xe: {  	[smem:$0x3FAD] =	sst s6  }
0xf: {  	[smem:$0x3FAE] =	sst s7  }
0x10: {  	[smem:$0x3FAF] =	sst s8  }
0x11: {  	[smem:$0x3FB0] =	sst s9;
	s0 =	simm.s32 @!p0 $0x0  }
0x12: {  	s1 =	sld [smem:$0x3F96];
	s0 =	simm.s32 @p0 $0x1  }
0x13: {  	[smem:$0x3FB1] =	sst s0;
	s0 =	simm.s32 @!p1 $0x0  }
0x14: {  	s2 =	sld [smem:$0x3F95];
	s0 =	simm.s32 @p1 $0x1  }
0x15: {  	[smem:$0x3FB2] =	sst s0;
	s0 =	simm.s32 @!p2 $0x0  }
0x16: {  	s3 =	sld [smem:$0x3FDB];
	s0 =	simm.s32 @p2 $0x1  }
0x17: {  	s4 =	simm.s32 $0x1BF5;
	[smem:$0x3FB4] =	sst s0  }
0x18: {  	s0 =	sld [smem:$0x3F97];
	_ =	swait.ge [sflag:s4], $0x0  }
0x19: {  	s7 =	sld [smem:$0x3F98]  }
0x1a: {  	s8 =	sadd.s32 $0xFFFFE003, lr  }
0x1b: {  	s9 =	sadd.s32 $0xFFFFFEF7, lr;
	s5 =	simm.s32 $0xFFFFFFFF;
	p2 =	slt.u32 s8, $0xFFFFF086  }
0x1c: {  	p1 =	slt.u32 s9, $0xF7A;
	s5 =	simm.s32 @!p2 $0x0  }
0x1d: {  	s5 =	simm.s32 @p1 $0x1;
	p0 =	seq.s32 s7, s2  }
0x1e: {  	s7 =	smul.u32 @!p0 $0xF7A, s2;
	p2 =	seq.s32 @!p0 s5, $0x0  }
0x1f: {  	s9 =	smul.u32 $0xF7A, s1;
	s8 =	simm.s32 @!p0 $0x1BF5;
	p2 =	por !p2, p0  }
0x20: {  	[sflag:s8] =	ssyncset.s32 @!p0 $0xFFFFF086;
	s6 =	sadd.s32 @!p0 s3, s7;
	s7 =	simm.s32 @!p0 $0x108  }
0x21: {  	s3 =	sadd.s32 s3, s9;
	s6 =	sadd.s32 @!p0 $0x88, s6;
	s7 =	simm.s32 @p2 $0x1082  }
0x22: {  	[simem:s7], [sflag:s8] =	dma.local @!p0 [hbm:s6], $0xF7A  }
0x23: {  	s9 =	sor.u32 $0xD0000000, s2;
	s6 =	simm.s32 $0x108;
	_ =	swait.ge @!p0 [sflag:s8], $0x0  }
0x24: {  	s3 =	sadd.s32 $0x88, s3;
	s6 =	simm.s32 @!p1 $0x1082;
	[sflag:s4] =	ssyncset.s32 $0xFFFFF086  }
0x25: {  	[simem:s6], [sflag:s4] =	dma.local [hbm:s3], $0xF7A  }
0x26: {  	[smem:$0x3F98] =	sst s1;
	(tag) =	ssettag s2;
	_ =	strace s9  }
0x27: {  	s1 =	sld [smem:$0x3FA8]  }
0x28: {  	s2 =	sld [smem:$0x3FA9]  }
0x29: {  	s4 =	sld [smem:$0x3FAB]  }
0x2a: {  	p0 =	seq.s32 s5, $0x0;
	s5 =	sld [smem:$0x3FAC]  }
0x2b: {  	s6 =	sld [smem:$0x3FAD]  }
0x2c: {  	s7 =	sld [smem:$0x3FAE]  }
0x2d: {  	s3 =	simm.s32 $0x108;
	s8 =	sld [smem:$0x3FAF]  }
0x2e: {  	s3 =	simm.s32 @!p0 $0x1082;
	s9 =	sld [smem:$0x3FB0]  }
0x2f: {  	lr =	sadd.s32 s0, s3;
	s0 =	sld [smem:$0x3FA7]  }
0x30: {  	s3 =	sld [smem:$0x3FAA]  }
0x31: {  	[smem:$0x3FB3] =	sst s10  }
0x32: {  	s10 =	sld [smem:$0x3FB1];
	_ =	sdelay $0x3  }
0x33: {  	p0 =	seq.s32 s10, $0x1;
	s10 =	sld [smem:$0x3FB3];
	_ =	sdelay $0x3  }
0x34: {  	[smem:$0x3FB3] =	sst s10  }
0x35: {  	s10 =	sld [smem:$0x3FB2];
	_ =	sdelay $0x3  }
0x36: {  	p1 =	seq.s32 s10, $0x1;
	s10 =	sld [smem:$0x3FB3];
	_ =	sdelay $0x3  }
0x37: {  	[smem:$0x3FB3] =	sst s10  }
0x38: {  	s10 =	sld [smem:$0x3FB4]  }
0x39: {  	_ = 	snop;
	(pc) =	sbr.ind lr, $3  }
0x3a: {  	_ = 	snop  }
0x3b: {  	_ = 	snop  }
0x3c: {  	p2 =	seq.s32 s10, $0x1;
	s10 =	sld [smem:$0x3FB3]  }
0x3d: {  	_ =	shalt  }
0x3e: {  	_ =	shalt  }
0x3f: {  	_ =	shalt  }
0x40: {  	_ =	shalt  }
0x41: {  	_ =	shalt  }
0x42: {  	_ =	shalt  }
0x43: {  	_ =	shalt  }
0x44: {  	_ =	shalt  }
0x45: {  	_ =	shalt  }
0x46: {  	_ =	shalt  }
0x47: {  	_ =	shalt  }
0x48: {  	_ =	shalt  }
0x49: {  	_ =	shalt  }
0x4a: {  	_ =	shalt  }
0x4b: {  	_ =	shalt  }
0x4c: {  	_ =	shalt  }
0x4d: {  	_ =	shalt  }
0x4e: {  	_ =	shalt  }
0x4f: {  	_ =	shalt  }
0x50: {  	_ =	shalt  }
0x51: {  	_ =	shalt  }
0x52: {  	_ =	shalt  }
0x53: {  	_ =	shalt  }
0x54: {  	_ =	shalt  }
0x55: {  	_ =	shalt  }
0x56: {  	_ =	shalt  }
0x57: {  	_ =	shalt  }
0x58: {  	_ =	shalt  }
0x59: {  	_ =	shalt  }
0x5a: {  	_ =	shalt  }
0x5b: {  	_ =	shalt  }
0x5c: {  	_ =	shalt  }
0x5d: {  	_ =	shalt  }
0x5e: {  	_ =	shalt  }
0x5f: {  	_ =	shalt  }
0x60: {  	_ =	shalt  }
0x61: {  	_ =	shalt  }
0x62: {  	_ =	shalt  }
0x63: {  	_ =	shalt  }
0x64: {  	_ =	shalt  }
0x65: {  	_ =	shalt  }
0x66: {  	_ =	shalt  }
0x67: {  	_ =	shalt  }
0x68: {  	_ =	shalt  }
0x69: {  	_ =	shalt  }
0x6a: {  	_ =	shalt  }
0x6b: {  	_ =	shalt  }
0x6c: {  	_ =	shalt  }
0x6d: {  	_ =	shalt  }
0x6e: {  	_ =	shalt  }
0x6f: {  	_ =	shalt  }
0x70: {  	_ =	shalt  }
0x71: {  	_ =	shalt  }
0x72: {  	_ =	shalt  }
0x73: {  	_ =	shalt  }
0x74: {  	_ =	shalt  }
0x75: {  	_ =	shalt  }
0x76: {  	_ =	shalt  }
0x77: {  	_ =	shalt  }
0x78: {  	_ =	shalt  }
0x79: {  	_ =	shalt  }
0x7a: {  	_ =	shalt  }
0x7b: {  	_ =	shalt  }
0x7c: {  	_ =	shalt  }
0x7d: {  	_ =	shalt  }
0x7e: {  	_ =	shalt  }
0x7f: {  	_ =	shalt  }
0x80: {  	_ =	shalt  }
0x81: {  	_ =	shalt  }
0x82: {  	_ =	shalt  }
0x83: {  	_ =	shalt  }
0x84: {  	_ =	shalt  }
0x85: {  	_ =	shalt  }
0x86: {  	_ =	shalt  }
0x87: {  	_ =	shalt  }
.Lfunc_end0:
.L_simem_size_0:
called_computation.1_lowered:
.L_overlay_start_0:
0x88: {  	s2 =	sld [smem:$0x3FD9]  }
0x89: {  	s3 =	sld [smem:$0x3FFE];
	_ =	sdelay $0x1  }
0x8a: {  	s1 =	srdreg.scid  }
0x8b: {  	s0 =	sand.u32 $0x1, s1  }
0x8c: {  	s17 =	sshll.u32 s0, $0xA;
	s2 =	sadd.s32 s3, s2  }
0x8d: {  	s2 =	sadd.s32 s2, s17  }
0x8e: {  	[smem:$0x3FBF] =	sst s2  }
0x8f: {  	_ = 	snop  }
0x90: {  	s2 =	sld [smem:$0x3FC8];
	(tm) =	ssettm $0x1  }
0x91: {  	s18 =	sld [smem:$0x3FFB];
	_ =	sdelay $0x3  }
0x92: {  	_ =	strace s18  }
0x93: {  	s3 =	sld [smem:$0x3FFC];
	_ =	sdelay $0x3  }
0x94: {  	_ =	strace s3  }
0x95: {  	s3 =	sld [smem:$0x3FFD];
	_ =	sdelay $0x3  }
0x96: {  	_ =	strace s3  }
0x97: {  	_ =	strace $0x8FFFFFFF  }
0x98: {  	s19 =	sld [smem:$0x3FDB];
	_ =	sdelay $0x1  }
0x99: {  	s4 =	simm.s32 $_scs_section_size  }
0x9a: {  	s5 =	simm.s32 $_size__tile_overlayer_lowered;
	s6 =	simm.s32 $_tile_overlayer_lowered  }
0x9b: {  	s22 =	simm.s32 $0x1BFF;
	s21 =	sshll.u32 s6, $0x1;
	s3 =	sadd.s32 s4, s19  }
0x9c: {  	s7 =	simm.s32 $0x0;
	s20 =	sshll.u32 s5, $0x1;
	s5 =	sadd.s32 s21, s3  }
0x9d: {  	[timem:s7], [sflag:s22] =	dma.local [hbm:s5], s20  }
0x9e: {  	_ =	swait.ge [sflag:s22], s20  }
0x9f: {  	s4 =	ssub.s32 $0x0, s20;
	[sflag:s22] =	ssyncset.done $0x0  }
0xa0: {  	[sflag:s22] =	ssyncadd.s32 s4;
	_ =	sdelay $0x1  }
0xa1: {  	s23 =	simm.s32 $0x1B8B  }
0xa2: {  	_ =	swait.ge [sflag:s23], $0x1  }
0xa3: {  	[sflag:s23] =	ssyncset.done $0x0  }
0xa4: {  	s25 =	simm.s32 $0x1B8E;
	s24 =	sld [smem:$0x3FFE];
	[sflag:s23] =	ssyncadd.s32 $0xFFFFFFFF  }
0xa5: {  	s26 =	simm.s32 $execute0_lowered;
	[smem:$0x3FD2] =	sst s25  }
0xa6: {  	s5 =	sshll.u32 s26, $0x1;
	_ =	strace $0x80000049;
	[dreg:$0x1] =	wrdreg $0xFFFFFFFF  }
0xa7: {  	s28 =	simm.s32 $_size_execute0_lowered;
	s3 =	sadd.s32 s3, s5;
	[dreg:$0x0] =	wrdreg $0x0  }
0xa8: {  	s5 =	sshll.u32 s28, $0x1;
	[dreg:$0x2] =	wrdreg s3  }
0xa9: {  	[dreg:$0x3] =	wrdreg s5  }
0xaa: {  	[dreg:$0x4] =	wrdreg $0xC0  }
0xab: {  	_ =	task [dreg:s7], $0x5FFFF  }
0xac: {  	[dreg:$0x1] =	wrdreg $0xFFFFFFFF  }
0xad: {  	[dreg:$0x0] =	wrdreg $0x60  }
0xae: {  	[dreg:$0x2] =	wrdreg s24  }
0xaf: {  	[dreg:$0x3] =	wrdreg s2  }
0xb0: {  	[dreg:$0x4] =	wrdreg $0xC4000  }
0xb1: {  	[dreg:$0x5] =	wrdreg $0x9  }
0xb2: {  	_ =	task.clear_ibuf [dreg:s7], $0x6FFFF;
	_ =	strace $0x90000049  }
0xb3: {  	s29 =	simm.s32 $0x9;
	_ =	strace $0x8000004B  }
0xb4: {  	_ =	swait.ge [sflag:s29], $0x1  }
0xb5: {  	[sflag:s29] =	ssyncadd.s32 $0xFFFFFFFF  }
0xb6: {  	_ =	strace $0x9000004B  }
0xb7: {  	_ =	sfence  }
0xb8: {  	s30 =	sld [smem:$0x0];
	_ =	sdelay $0x2  }
0xb9: {  	s31 =	sshll.u32 s1, $0xD;
	s1 =	sshrl.u32 s1, $0x2  }
0xba: {  	s3 =	sand.u32 $0x4000, s31;
	s1 =	sadd.s32 s1, s30  }
0xbb: {  	s0 =	sor.u32 s3, s0;
	s1 =	sshll.u32 s1, $0x11  }
0xbc: {  	s0 =	sor.u32 s1, s0  }
0xbd: {  	s0 =	sadd.s32 $0x8F2B, s0  }
0xbe: {  	[sflag:s0] =	ssyncadd.remote.s32 $0x1  }
0xbf: {  	_ =	sfence.sel $0xFFFF  }
0xc0: {  	[dreg:$0x0] =	wrdreg $0xFFFFFFFF;
	(pc) =	sbr.abs _section_cstart, $3  }
0xc1: {  	[dreg:$0x1] =	wrdreg $0xFFFFFFFF  }
0xc2: {  	_ =	task.clear_ibuf [dreg:s7], $0x2FFFF;
	_ =	strace $0x9FFFFFFF  }
0xc3: {  	(tm) =	ssettm $0x7FFFFFFF  }
tec
execute0_lowered:
.L_overlay_start_1:
0x0: {  	(tag) =	ssettag $0x1  }
0x1: {  	s0 =	rddreg [dreg:$0x0]  }
0x2: {  	s13 =	rddreg [dreg:$0x1]  }
0x3: {  	s2 =	rddreg [dreg:$0x2]  }
0x4: {  	s4 =	srdreg.scid;
	s1 =	stileid.u32  }
0x5: {  	s3 =	simm.s32 $0x0;
	s17 =	simm.s32 $0x4;
	s18 =	simm.s32 $0x100  }
0x6: {  	s19 =	simm.s32 $0x1;
	s20 =	simm.s32 $0x80;
	s21 =	simm.s32 $0x400  }
0x7: {  	s28 =	simm.s32 $0x3;
	s29 =	simm.s32 $0x280;
	s5 =	smul.u32 $0x13880, s1  }
0x8: {  	s30 =	simm.s32 $0x0;
	s9 =	sand.u32 $0x1, s4;
	s11 =	smul.u32 $0x4E, s1  }
0x9: {  	[smem:$0x7FF] =	sst s3;
	s4 =	sadd.s32 $0x3000, s0;
	s31 =	smul.u32 $0x9C0, s1  }
0xa: {  	s25 =	sshll.u32 s1, $0x6;
	p0 =	sgt.u32 s1, $0x1;
	s6 =	smul.u32 $0x138800, s9  }
0xb: {  	_ =	strace $0x8000004A;
	s7 =	ssub.s32 $0x2, s9;
	s8 =	smul.u32 $0x4E2, s9  }
0xc: {  	s14 =	smul.u32 $0x9C40, s9;
	s10 =	sshrl.u32 s7, $0x1;
	s22 =	sshrl.u32 s5, $0x3  }
0xd: {  	s16 =	sadd.s32 s5, s2;
	s6 =	sadd.s32 s5, s6;
	s12 =	ssub.s32 s7, s10  }
0xe: {  	s23 =	sadd.s32 s11, s8;
	s24 =	sadd.s32 s4, s22;
	s8 =	sadd.s32 s1, s8  }
0xf: {  	s15 =	sadd.s32 s14, s13;
	s16 =	sshrl.u32 s16, $0x3;
	s22 =	simm.s32 $0x4400  }
0x10: {  	s6 =	sshrl.u32 s6, $0x3;
	[dreg:$0x4] =	wrdreg s24;
	s7 =	sshll.u32 s23, $0x5  }
0x11: {  	s26 =	sshll.u32 s8, $0x5;
	s11 =	smax.u32 s12, $0x1;
	s15 =	sadd.s32 s31, s15  }
.Ltmp0:
0x12: {  	s23 =	simm.s32 $0x2;
	s24 =	simm.s32 $0x200;
	(pc) =	sbr.rel .LBB2_1-.Ltmp0, $4  }
0x13: {  	s0 =	sadd.s32 s6, s0;
	s6 =	sor.u32 $0x1C04, s25;
	s7 =	sadd.s32 s13, s7  }
0x14: {  	s10 =	sadd.s32 s13, s26;
	s25 =	simm.s32 $0x8400;
	s26 =	simm.s32 $0x180  }
0x15: {  	s8 =	sadd.s32 $0x20, s7;
	s9 =	sadd.s32 $0x9C00, s10;
	s10 =	sadd.s32 $0x2A200, s0  }
0x16: {  	s12 =	sadd.s32 $0x40, s7;
	s13 =	sadd.s32 $0x60, s7;
	s14 =	sadd.s32 $0x80, s7  }
.LBB2_4:
0x17: {  	_ =	swait.ge [sflag:s23], $0x4000  }
0x18: {  	[sflag:s23] =	ssyncset.done $0x0  }
0x19: {  	[sflag:s23] =	ssyncadd.s32 $0xFFFFC000  }
0x1a: {  	[spmem:s2] =	stream.indirect.scatter.add.f32 [tilespmem:s25], [sflag:$0x3], $0x80, s29, s20, $0xb8;
	[tilespmem:$0x1FC80] =	vst v63  }
0x1b: {  	_ =	swait.ge [sflag:s28], $0x4000  }
0x1c: {  	[sflag:s28] =	ssyncset.done $0x0  }
0x1d: {  	[sflag:s28] =	ssyncadd.s32 $0xFFFFC000  }
0x1e: {  	_ =	swait.ge [sflag:s28], $0x4000  }
0x1f: {  	[sflag:s28] =	ssyncset.done $0x0  }
0x20: {  	s0 =	simm.s32 @!p0 $0x0;
	s1 =	simm.s32 @!p0 $0x300;
	[sflag:s28] =	ssyncadd.s32 $0xFFFFC000  }
0x21: {  	[tilespmem:s1], [sflag:$0x4] =	stream.linear.gather @!p0 [hbm4b:s9+s0], $0x100, $0x38;
	[tilespmem:$0x1FC80] =	vst v63  }
0x22: {  	s0 =	simm.s32 @!p0 $0x4  }
0x23: {  	_ =	swait.ge @!p0 [sflag:s0], $0x100  }
0x24: {  	[sflag:s0] =	ssyncset.done @!p0 $0x0  }
0x25: {  	s31 =	simm.s32 @!p0 $0x80;
	s5 =	simm.s32 @!p0 $0x400;
	[sflag:s0] =	ssyncadd.s32 @!p0 $0xFFFFFF00  }
0x26: {  	[tilespmem:s5], [sflag:$0x2] =	stream.indirect.gather @!p0 [hbm4b:s4+s31], $0x80, s1, s31, $0xb8;
	[tilespmem:$0x1FC80] =	vst v63  }
0x27: {  	s1 =	simm.s32 @!p0 $0x2  }
0x28: {  	_ =	swait.ge @!p0 [sflag:s1], $0x4000  }
0x29: {  	[sflag:s1] =	ssyncset.done @!p0 $0x0  }
0x2a: {  	[sflag:s1] =	ssyncadd.s32 @!p0 $0xFFFFC000;
	s1 =	simm.s32 @!p0 $0x380  }
0x2b: {  	[spmem:s2] =	stream.indirect.scatter.add.f32 @!p0 [tilespmem:s5], [sflag:$0x4], $0x80, s1, s31, $0xb8;
	[tilespmem:$0x1FC80] =	vst v63  }
0x2c: {  	_ =	swait.ge @!p0 [sflag:s0], $0x4000  }
0x2d: {  	s30 =	sadd.s32 $0x1, s30;
	[sflag:s0] =	ssyncset.done @!p0 $0x0  }
0x2e: {  	p1 =	sne.s32 s30, s11;
	[sflag:s0] =	ssyncadd.s32 @!p0 $0xFFFFC000  }
.Ltmp1:
0x2f: {  	[bflag:$0x0] =	sbarrier.arrive $0xFFFF;
	(pc) =	sbr.rel @!p1 .LBB2_5-.Ltmp1, $4  }
0x30: {  	[hbm:s10], [sflag:s6] =	dma.local [spmem:s16], $0x2710  }
0x31: {  	_ =	swait.ge [sflag:s17], $0x2710  }
0x32: {  	[sflag:s17] =	ssyncset.done $0x0  }
0x33: {  	[sflag:s17] =	ssyncadd.s32 $0xFFFFD8F0  }
.LBB2_1:
0x34: {  	s0 =	rddreg [dreg:$0x4]  }
0x35: {  	[spmem:s16], [sflag:s6] =	dma.local [hbm:s0], $0x2710  }
0x36: {  	_ =	swait.ge [sflag:s17], $0x2710  }
0x37: {  	[sflag:s17] =	ssyncset.done $0x0  }
0x38: {  	[sflag:s17] =	ssyncadd.s32 $0xFFFFD8F0  }
0x39: {  	[bflag:$0x0] =	sbarrier.arrive $0xFFFF  }
0x3a: {  	[tilespmem:s3], [sflag:$0x1] =	stream.linear.gather [hbm4b:s7+s3], $0x100, $0x38;
	[tilespmem:$0x1FC80] =	vst v63  }
0x3b: {  	_ = 	snop  }
0x3c: {  	[tilespmem:s18], [sflag:$0x1] =	stream.linear.gather [hbm4b:s8+s3], $0x100, $0x38;
	[tilespmem:$0x1FC80] =	vst v63  }
0x3d: {  	_ =	swait.ge [sflag:s19], $0x100  }
0x3e: {  	[sflag:s19] =	ssyncset.done $0x0  }
0x3f: {  	[sflag:s19] =	ssyncadd.s32 $0xFFFFFF00  }
0x40: {  	[tilespmem:s21], [sflag:$0x2] =	stream.indirect.gather [hbm4b:s4+s20], $0x80, s3, s20, $0xb8;
	[tilespmem:$0x1FC80] =	vst v63  }
0x41: {  	_ =	swait.ge [sflag:s19], $0x100  }
0x42: {  	[sflag:s19] =	ssyncset.done $0x0  }
0x43: {  	[sflag:s19] =	ssyncadd.s32 $0xFFFFFF00  }
0x44: {  	[tilespmem:s22], [sflag:$0x2] =	stream.indirect.gather [hbm4b:s4+s20], $0x80, s18, s20, $0xb8;
	[tilespmem:$0x1FC80] =	vst v63  }
0x45: {  	_ =	swait.ge [sflag:s23], $0x4000  }
0x46: {  	[sflag:s23] =	ssyncset.done $0x0  }
0x47: {  	[sflag:s23] =	ssyncadd.s32 $0xFFFFC000  }
0x48: {  	[spmem:s2] =	stream.indirect.scatter.add.f32 [tilespmem:s21], [sflag:$0x3], $0x80, s20, s20, $0xb8;
	[tilespmem:$0x1FC80] =	vst v63  }
0x49: {  	_ = 	snop  }
0x4a: {  	[tilespmem:s24], [sflag:$0x1] =	stream.linear.gather [hbm4b:s12+s3], $0x100, $0x38;
	[tilespmem:$0x1FC80] =	vst v63  }
0x4b: {  	_ =	swait.ge [sflag:s19], $0x100  }
0x4c: {  	[sflag:s19] =	ssyncset.done $0x0  }
0x4d: {  	[sflag:s19] =	ssyncadd.s32 $0xFFFFFF00  }
0x4e: {  	[tilespmem:s25], [sflag:$0x2] =	stream.indirect.gather [hbm4b:s4+s20], $0x80, s24, s20, $0xb8;
	[tilespmem:$0x1FC80] =	vst v63  }
0x4f: {  	_ =	swait.ge [sflag:s23], $0x4000  }
0x50: {  	[sflag:s23] =	ssyncset.done $0x0  }
0x51: {  	[sflag:s23] =	ssyncadd.s32 $0xFFFFC000  }
0x52: {  	[spmem:s2] =	stream.indirect.scatter.add.f32 [tilespmem:s22], [sflag:$0x3], $0x80, s26, s20, $0xb8;
	[tilespmem:$0x1FC80] =	vst v63  }
0x53: {  	_ =	swait.ge [sflag:s28], $0x4000  }
0x54: {  	[sflag:s28] =	ssyncset.done $0x0  }
0x55: {  	[sflag:s28] =	ssyncadd.s32 $0xFFFFC000  }
0x56: {  	[tilespmem:s3], [sflag:$0x1] =	stream.linear.gather [hbm4b:s13+s3], $0x100, $0x38;
	[tilespmem:$0x1FC80] =	vst v63  }
0x57: {  	_ =	swait.ge [sflag:s19], $0x100  }
0x58: {  	[sflag:s19] =	ssyncset.done $0x0  }
0x59: {  	[sflag:s19] =	ssyncadd.s32 $0xFFFFFF00  }
0x5a: {  	[tilespmem:s21], [sflag:$0x2] =	stream.indirect.gather [hbm4b:s4+s20], $0x80, s3, s20, $0xb8;
	[tilespmem:$0x1FC80] =	vst v63  }
0x5b: {  	_ =	swait.ge [sflag:s23], $0x4000  }
0x5c: {  	[sflag:s23] =	ssyncset.done $0x0  }
0x5d: {  	[sflag:s23] =	ssyncadd.s32 $0xFFFFC000  }
0x5e: {  	[spmem:s2] =	stream.indirect.scatter.add.f32 [tilespmem:s25], [sflag:$0x3], $0x80, s29, s20, $0xb8;
	[tilespmem:$0x1FC80] =	vst v63  }
0x5f: {  	_ =	swait.ge [sflag:s28], $0x4000  }
0x60: {  	[sflag:s28] =	ssyncset.done $0x0  }
0x61: {  	s31 =	simm.s32 $0xFFFFF700;
	[sflag:s28] =	ssyncadd.s32 $0xFFFFC000  }
0x62: {  	[tilespmem:s18], [sflag:$0x1] =	stream.linear.gather [hbm4b:s14+s3], $0x100, $0x38;
	[tilespmem:$0x1FC80] =	vst v63  }
.LBB2_2:
0x63: {  	_ =	swait.ge [sflag:s19], $0x100  }
0x64: {  	[sflag:s19] =	ssyncset.done $0x0  }
0x65: {  	[sflag:s19] =	ssyncadd.s32 $0xFFFFFF00  }
0x66: {  	[tilespmem:s22], [sflag:$0x2] =	stream.indirect.gather [hbm4b:s4+s20], $0x80, s18, s20, $0xb8;
	[tilespmem:$0x1FC80] =	vst v63  }
0x67: {  	_ =	swait.ge [sflag:s23], $0x4000  }
0x68: {  	[sflag:s23] =	ssyncset.done $0x0  }
0x69: {  	[sflag:s23] =	ssyncadd.s32 $0xFFFFC000  }
0x6a: {  	[spmem:s2] =	stream.indirect.scatter.add.f32 [tilespmem:s21], [sflag:$0x3], $0x80, s20, s20, $0xb8;
	[tilespmem:$0x1FC80] =	vst v63  }
0x6b: {  	_ =	swait.ge [sflag:s28], $0x4000  }
0x6c: {  	s0 =	sadd.s32 s31, s15;
	[sflag:s28] =	ssyncset.done $0x0  }
0x6d: {  	s1 =	sadd.s32 $0x9A0, s0;
	[sflag:s28] =	ssyncadd.s32 $0xFFFFC000  }
0x6e: {  	[tilespmem:s24], [sflag:$0x1] =	stream.linear.gather [hbm4b:s1+s3], $0x100, $0x38;
	[tilespmem:$0x1FC80] =	vst v63  }
0x6f: {  	_ =	swait.ge [sflag:s19], $0x100  }
0x70: {  	[sflag:s19] =	ssyncset.done $0x0  }
0x71: {  	[sflag:s19] =	ssyncadd.s32 $0xFFFFFF00  }
0x72: {  	[tilespmem:s25], [sflag:$0x2] =	stream.indirect.gather [hbm4b:s4+s20], $0x80, s24, s20, $0xb8;
	[tilespmem:$0x1FC80] =	vst v63  }
0x73: {  	_ =	swait.ge [sflag:s23], $0x4000  }
0x74: {  	p1 =	seq.s32 s31, $0x0;
	[sflag:s23] =	ssyncset.done $0x0  }
.Ltmp2:
0x75: {  	[sflag:s23] =	ssyncadd.s32 $0xFFFFC000;
	(pc) =	sbr.rel @p1 .LBB2_4-.Ltmp2, $4  }
0x76: {  	[spmem:s2] =	stream.indirect.scatter.add.f32 [tilespmem:s22], [sflag:$0x3], $0x80, s26, s20, $0xb8;
	[tilespmem:$0x1FC80] =	vst v63  }
0x77: {  	_ =	swait.ge [sflag:s28], $0x4000  }
0x78: {  	[sflag:s28] =	ssyncset.done $0x0  }
0x79: {  	[sflag:s28] =	ssyncadd.s32 $0xFFFFC000  }
0x7a: {  	s1 =	sadd.s32 $0x9C0, s0  }
0x7b: {  	[tilespmem:s3], [sflag:$0x1] =	stream.linear.gather [hbm4b:s1+s3], $0x100, $0x38;
	[tilespmem:$0x1FC80] =	vst v63  }
0x7c: {  	_ =	swait.ge [sflag:s19], $0x100  }
0x7d: {  	[sflag:s19] =	ssyncset.done $0x0  }
0x7e: {  	[sflag:s19] =	ssyncadd.s32 $0xFFFFFF00  }
0x7f: {  	[tilespmem:s21], [sflag:$0x2] =	stream.indirect.gather [hbm4b:s4+s20], $0x80, s3, s20, $0xb8;
	[tilespmem:$0x1FC80] =	vst v63  }
0x80: {  	_ =	swait.ge [sflag:s23], $0x4000  }
0x81: {  	[sflag:s23] =	ssyncset.done $0x0  }
0x82: {  	[sflag:s23] =	ssyncadd.s32 $0xFFFFC000  }
0x83: {  	[spmem:s2] =	stream.indirect.scatter.add.f32 [tilespmem:s25], [sflag:$0x3], $0x80, s29, s20, $0xb8;
	[tilespmem:$0x1FC80] =	vst v63  }
.Ltmp3:
0x84: {  	_ = 	snop;
	(pc) =	sbr.rel .LBB2_2-.Ltmp3, $4  }
0x85: {  	_ =	swait.ge [sflag:s28], $0x4000  }
0x86: {  	[sflag:s28] =	ssyncset.done $0x0  }
0x87: {  	s5 =	sadd.s32 $0x9E0, s0;
	s31 =	sadd.s32 $0x60, s31;
	[sflag:s28] =	ssyncadd.s32 $0xFFFFC000  }
0x88: {  	[tilespmem:s18], [sflag:$0x1] =	stream.linear.gather [hbm4b:s5+s3], $0x100, $0x38;
	[tilespmem:$0x1FC80] =	vst v63  }
.LBB2_5:
0x89: {  	_ =	sfence.sel $0x180000  }
0x8a: {  	[bflag:$0x0] =	sbarrier.arrive $0xFFFF  }
0x8b: {  	_ =	strace $0x9000004A  }
0x8c: {  	s0 =	stileid.u32;
	[bflag:$0x2] =	sbarrier.arrive $0xFFFF  }
0x8d: {  	p0 =	sne.s32 s0, $0x0;
	s0 =	rddreg [dreg:$0x3]  }
0x8e: {  	s0 =	sadd.s32 @!p0 $0x100000, s0  }
0x8f: {  	[sflag:s0] =	ssyncadd.tile.s32 @!p0 $0x1;
	_ =	shalt  }
.Lfunc_end2:
_tile_overlayer_lowered:
.L_overlay_start_2:
0x90: {  	(tag) =	ssettag $0x2  }
0x91: {  	s0 =	rddreg [dreg:$0x0];
	s2 =	stileid.u32  }
0x92: {  	s1 =	rddreg [dreg:$0x1];
	p0 =	sne.s32 s2, $0x0  }
0x93: {  	s3 =	rddreg [dreg:$0x2];
	[bflag:$0x3] =	sbarrier.arrive $0xFFFF;
	s2 =	simm.s32 @!p0 $0x1C04  }
0x94: {  	[timem:s3], [sflag:s2] =	dma.local @!p0 [hbm:s0], s1  }
0x95: {  	s0 =	simm.s32 @!p0 $0x4  }
0x96: {  	_ =	swait.ge @!p0 [sflag:s0], s1  }
0x97: {  	s1 =	ssub.s32 @!p0 $0x0, s1;
	[sflag:s0] =	ssyncset.done @!p0 $0x0  }
0x98: {  	[sflag:s0] =	ssyncadd.s32 @!p0 s1  }
0x99: {  	[bflag:$0x3] =	sbarrier.arrive $0xFFFF  }
0x9a: {  	_ =	shalt  }

// kernel: kernel.15.cloned.1.call-start
scs
__scs_entry_jumppad:
0x0: {  	(pc) =	sbr.rel $0x88, $3  }
0x1: {  	(tag) =	ssettag $0x0;
	lr =	simm.s32 $0x1  }
0x2: {  	[smem:$0x3F98] =	sst lr;
	_ =	strace $0xD0000000  }
0x3: {  	_ = 	snop  }
0x4: {  	_ = 	snop  }
0x5: {  	_ = 	snop  }
0x6: {  	_ = 	snop  }
0x7: {  	_ = 	snop  }
__scs_overlays_trampoline_lowered:
0x8: {  	[smem:$0x3FA7] =	sst s0  }
0x9: {  	[smem:$0x3FA8] =	sst s1  }
0xa: {  	[smem:$0x3FA9] =	sst s2  }
0xb: {  	[smem:$0x3FAA] =	sst s3  }
0xc: {  	[smem:$0x3FAB] =	sst s4  }
0xd: {  	[smem:$0x3FAC] =	sst s5  }
0xe: {  	[smem:$0x3FAD] =	sst s6  }
0xf: {  	[smem:$0x3FAE] =	sst s7  }
0x10: {  	[smem:$0x3FAF] =	sst s8  }
0x11: {  	[smem:$0x3FB0] =	sst s9;
	s0 =	simm.s32 @!p0 $0x0  }
0x12: {  	s1 =	sld [smem:$0x3F96];
	s0 =	simm.s32 @p0 $0x1  }
0x13: {  	[smem:$0x3FB1] =	sst s0;
	s0 =	simm.s32 @!p1 $0x0  }
0x14: {  	s2 =	sld [smem:$0x3F95];
	s0 =	simm.s32 @p1 $0x1  }
0x15: {  	[smem:$0x3FB2] =	sst s0;
	s0 =	simm.s32 @!p2 $0x0  }
0x16: {  	s3 =	sld [smem:$0x3FDB];
	s0 =	simm.s32 @p2 $0x1  }
0x17: {  	s4 =	simm.s32 $0x1BF5;
	[smem:$0x3FB4] =	sst s0  }
0x18: {  	s0 =	sld [smem:$0x3F97];
	_ =	swait.ge [sflag:s4], $0x0  }
0x19: {  	s7 =	sld [smem:$0x3F98]  }
0x1a: {  	s8 =	sadd.s32 $0xFFFFE003, lr  }
0x1b: {  	s9 =	sadd.s32 $0xFFFFFEF7, lr;
	s5 =	simm.s32 $0xFFFFFFFF;
	p2 =	slt.u32 s8, $0xFFFFF086  }
0x1c: {  	p1 =	slt.u32 s9, $0xF7A;
	s5 =	simm.s32 @!p2 $0x0  }
0x1d: {  	s5 =	simm.s32 @p1 $0x1;
	p0 =	seq.s32 s7, s2  }
0x1e: {  	s7 =	smul.u32 @!p0 $0xF7A, s2;
	p2 =	seq.s32 @!p0 s5, $0x0  }
0x1f: {  	s9 =	smul.u32 $0xF7A, s1;
	s8 =	simm.s32 @!p0 $0x1BF5;
	p2 =	por !p2, p0  }
0x20: {  	[sflag:s8] =	ssyncset.s32 @!p0 $0xFFFFF086;
	s6 =	sadd.s32 @!p0 s3, s7;
	s7 =	simm.s32 @!p0 $0x108  }
0x21: {  	s3 =	sadd.s32 s3, s9;
	s6 =	sadd.s32 @!p0 $0x88, s6;
	s7 =	simm.s32 @p2 $0x1082  }
0x22: {  	[simem:s7], [sflag:s8] =	dma.local @!p0 [hbm:s6], $0xF7A  }
0x23: {  	s9 =	sor.u32 $0xD0000000, s2;
	s6 =	simm.s32 $0x108;
	_ =	swait.ge @!p0 [sflag:s8], $0x0  }
0x24: {  	s3 =	sadd.s32 $0x88, s3;
	s6 =	simm.s32 @!p1 $0x1082;
	[sflag:s4] =	ssyncset.s32 $0xFFFFF086  }
0x25: {  	[simem:s6], [sflag:s4] =	dma.local [hbm:s3], $0xF7A  }
0x26: {  	[smem:$0x3F98] =	sst s1;
	(tag) =	ssettag s2;
	_ =	strace s9  }
0x27: {  	s1 =	sld [smem:$0x3FA8]  }
0x28: {  	s2 =	sld [smem:$0x3FA9]  }
0x29: {  	s4 =	sld [smem:$0x3FAB]  }
0x2a: {  	p0 =	seq.s32 s5, $0x0;
	s5 =	sld [smem:$0x3FAC]  }
0x2b: {  	s6 =	sld [smem:$0x3FAD]  }
0x2c: {  	s7 =	sld [smem:$0x3FAE]  }
0x2d: {  	s3 =	simm.s32 $0x108;
	s8 =	sld [smem:$0x3FAF]  }
0x2e: {  	s3 =	simm.s32 @!p0 $0x1082;
	s9 =	sld [smem:$0x3FB0]  }
0x2f: {  	lr =	sadd.s32 s0, s3;
	s0 =	sld [smem:$0x3FA7]  }
0x30: {  	s3 =	sld [smem:$0x3FAA]  }
0x31: {  	[smem:$0x3FB3] =	sst s10  }
0x32: {  	s10 =	sld [smem:$0x3FB1];
	_ =	sdelay $0x3  }
0x33: {  	p0 =	seq.s32 s10, $0x1;
	s10 =	sld [smem:$0x3FB3];
	_ =	sdelay $0x3  }
0x34: {  	[smem:$0x3FB3] =	sst s10  }
0x35: {  	s10 =	sld [smem:$0x3FB2];
	_ =	sdelay $0x3  }
0x36: {  	p1 =	seq.s32 s10, $0x1;
	s10 =	sld [smem:$0x3FB3];
	_ =	sdelay $0x3  }
0x37: {  	[smem:$0x3FB3] =	sst s10  }
0x38: {  	s10 =	sld [smem:$0x3FB4]  }
0x39: {  	_ = 	snop;
	(pc) =	sbr.ind lr, $3  }
0x3a: {  	_ = 	snop  }
0x3b: {  	_ = 	snop  }
0x3c: {  	p2 =	seq.s32 s10, $0x1;
	s10 =	sld [smem:$0x3FB3]  }
0x3d: {  	_ =	shalt  }
0x3e: {  	_ =	shalt  }
0x3f: {  	_ =	shalt  }
0x40: {  	_ =	shalt  }
0x41: {  	_ =	shalt  }
0x42: {  	_ =	shalt  }
0x43: {  	_ =	shalt  }
0x44: {  	_ =	shalt  }
0x45: {  	_ =	shalt  }
0x46: {  	_ =	shalt  }
0x47: {  	_ =	shalt  }
0x48: {  	_ =	shalt  }
0x49: {  	_ =	shalt  }
0x4a: {  	_ =	shalt  }
0x4b: {  	_ =	shalt  }
0x4c: {  	_ =	shalt  }
0x4d: {  	_ =	shalt  }
0x4e: {  	_ =	shalt  }
0x4f: {  	_ =	shalt  }
0x50: {  	_ =	shalt  }
0x51: {  	_ =	shalt  }
0x52: {  	_ =	shalt  }
0x53: {  	_ =	shalt  }
0x54: {  	_ =	shalt  }
0x55: {  	_ =	shalt  }
0x56: {  	_ =	shalt  }
0x57: {  	_ =	shalt  }
0x58: {  	_ =	shalt  }
0x59: {  	_ =	shalt  }
0x5a: {  	_ =	shalt  }
0x5b: {  	_ =	shalt  }
0x5c: {  	_ =	shalt  }
0x5d: {  	_ =	shalt  }
0x5e: {  	_ =	shalt  }
0x5f: {  	_ =	shalt  }
0x60: {  	_ =	shalt  }
0x61: {  	_ =	shalt  }
0x62: {  	_ =	shalt  }
0x63: {  	_ =	shalt  }
0x64: {  	_ =	shalt  }
0x65: {  	_ =	shalt  }
0x66: {  	_ =	shalt  }
0x67: {  	_ =	shalt  }
0x68: {  	_ =	shalt  }
0x69: {  	_ =	shalt  }
0x6a: {  	_ =	shalt  }
0x6b: {  	_ =	shalt  }
0x6c: {  	_ =	shalt  }
0x6d: {  	_ =	shalt  }
0x6e: {  	_ =	shalt  }
0x6f: {  	_ =	shalt  }
0x70: {  	_ =	shalt  }
0x71: {  	_ =	shalt  }
0x72: {  	_ =	shalt  }
0x73: {  	_ =	shalt  }
0x74: {  	_ =	shalt  }
0x75: {  	_ =	shalt  }
0x76: {  	_ =	shalt  }
0x77: {  	_ =	shalt  }
0x78: {  	_ =	shalt  }
0x79: {  	_ =	shalt  }
0x7a: {  	_ =	shalt  }
0x7b: {  	_ =	shalt  }
0x7c: {  	_ =	shalt  }
0x7d: {  	_ =	shalt  }
0x7e: {  	_ =	shalt  }
0x7f: {  	_ =	shalt  }
0x80: {  	_ =	shalt  }
0x81: {  	_ =	shalt  }
0x82: {  	_ =	shalt  }
0x83: {  	_ =	shalt  }
0x84: {  	_ =	shalt  }
0x85: {  	_ =	shalt  }
0x86: {  	_ =	shalt  }
0x87: {  	_ =	shalt  }
.Lfunc_end0:
.L_simem_size_0:
called_computation.2_lowered:
.L_overlay_start_0:
0x88: {  	s2 =	sld [smem:$0x3FD9]  }
0x89: {  	s3 =	sld [smem:$0x3FFE];
	_ =	sdelay $0x1  }
0x8a: {  	s1 =	srdreg.scid  }
0x8b: {  	s0 =	sand.u32 $0x1, s1  }
0x8c: {  	s17 =	sshll.u32 s0, $0xA;
	s2 =	sadd.s32 s3, s2  }
0x8d: {  	s2 =	sadd.s32 s2, s17  }
0x8e: {  	[smem:$0x3FBF] =	sst s2  }
0x8f: {  	_ = 	snop  }
0x90: {  	s2 =	sld [smem:$0x3FC8]  }
0x91: {  	s18 =	sld [smem:$0x3FD0];
	(tm) =	ssettm $0x1  }
0x92: {  	s4 =	sld [smem:$0x3FFB];
	_ =	sdelay $0x3  }
0x93: {  	_ =	strace s4  }
0x94: {  	s4 =	sld [smem:$0x3FFC];
	_ =	sdelay $0x3  }
0x95: {  	_ =	strace s4  }
0x96: {  	s4 =	sld [smem:$0x3FFD];
	_ =	sdelay $0x3  }
0x97: {  	_ =	strace s4  }
0x98: {  	_ =	strace $0x8FFFFFFF  }
0x99: {  	s19 =	sld [smem:$0x3FDB];
	_ =	sdelay $0x1  }
0x9a: {  	s5 =	simm.s32 $_scs_section_size  }
0x9b: {  	s6 =	simm.s32 $_size__tile_overlayer_lowered;
	s7 =	simm.s32 $_tile_overlayer_lowered  }
0x9c: {  	s22 =	simm.s32 $0x1BFF;
	s21 =	sshll.u32 s7, $0x1;
	s4 =	sadd.s32 s5, s19  }
0x9d: {  	s8 =	simm.s32 $0x0;
	s20 =	sshll.u32 s6, $0x1;
	s6 =	sadd.s32 s21, s4  }
0x9e: {  	[timem:s8], [sflag:s22] =	dma.local [hbm:s6], s20  }
0x9f: {  	_ =	swait.ge [sflag:s22], s20  }
0xa0: {  	s5 =	ssub.s32 $0x0, s20;
	[sflag:s22] =	ssyncset.done $0x0  }
0xa1: {  	[sflag:s22] =	ssyncadd.s32 s5;
	_ =	sdelay $0x1  }
0xa2: {  	s23 =	simm.s32 $0x1B8B  }
0xa3: {  	_ =	swait.ge [sflag:s23], $0x1  }
0xa4: {  	[sflag:s23] =	ssyncset.done $0x0  }
0xa5: {  	s25 =	simm.s32 $0x1B8E;
	s24 =	sld [smem:$0x3FFE];
	[sflag:s23] =	ssyncadd.s32 $0xFFFFFFFF  }
0xa6: {  	s26 =	simm.s32 $execute0_lowered;
	[smem:$0x3FD2] =	sst s25  }
0xa7: {  	s6 =	sshll.u32 s26, $0x1;
	_ =	strace $0x8000004C;
	[dreg:$0x1] =	wrdreg $0xFFFFFFFF  }
0xa8: {  	s28 =	simm.s32 $_size_execute0_lowered;
	s4 =	sadd.s32 s4, s6;
	[dreg:$0x0] =	wrdreg $0x0  }
0xa9: {  	s6 =	sshll.u32 s28, $0x1;
	[dreg:$0x2] =	wrdreg s4  }
0xaa: {  	[dreg:$0x3] =	wrdreg s6  }
0xab: {  	[dreg:$0x4] =	wrdreg $0xC0  }
0xac: {  	_ =	task [dreg:s8], $0x5FFFF  }
0xad: {  	[dreg:$0x1] =	wrdreg $0xFFFFFFFF  }
0xae: {  	[dreg:$0x0] =	wrdreg $0x60  }
0xaf: {  	[dreg:$0x2] =	wrdreg s18  }
0xb0: {  	[dreg:$0x3] =	wrdreg s2  }
0xb1: {  	[dreg:$0x4] =	wrdreg s24  }
0xb2: {  	[dreg:$0x5] =	wrdreg $0xC7000  }
0xb3: {  	[dreg:$0x6] =	wrdreg $0x9  }
0xb4: {  	_ =	task.clear_ibuf [dreg:s8], $0x7FFFF;
	_ =	strace $0x9000004C  }
0xb5: {  	s29 =	simm.s32 $0x9;
	_ =	strace $0x8000004E  }
0xb6: {  	_ =	swait.ge [sflag:s29], $0x1  }
0xb7: {  	[sflag:s29] =	ssyncadd.s32 $0xFFFFFFFF  }
0xb8: {  	_ =	strace $0x9000004E  }
0xb9: {  	_ =	sfence  }
0xba: {  	s30 =	sld [smem:$0x0];
	_ =	sdelay $0x2  }
0xbb: {  	s31 =	sshll.u32 s1, $0xD;
	s1 =	sshrl.u32 s1, $0x2  }
0xbc: {  	s3 =	sand.u32 $0x4000, s31;
	s1 =	sadd.s32 s1, s30  }
0xbd: {  	s0 =	sor.u32 s3, s0;
	s1 =	sshll.u32 s1, $0x11  }
0xbe: {  	s0 =	sor.u32 s1, s0  }
0xbf: {  	s0 =	sadd.s32 $0x8F2B, s0  }
0xc0: {  	[sflag:s0] =	ssyncadd.remote.s32 $0x1  }
0xc1: {  	_ =	sfence.sel $0xFFFF  }
0xc2: {  	[dreg:$0x0] =	wrdreg $0xFFFFFFFF;
	(pc) =	sbr.abs _section_cstart, $3  }
0xc3: {  	[dreg:$0x1] =	wrdreg $0xFFFFFFFF  }
0xc4: {  	_ =	task.clear_ibuf [dreg:s8], $0x2FFFF;
	_ =	strace $0x9FFFFFFF  }
0xc5: {  	(tm) =	ssettm $0x7FFFFFFF  }
tec
execute0_lowered:
.L_overlay_start_1:
0x0: {  	(tag) =	ssettag $0x1  }
0x1: {  	s1 =	rddreg [dreg:$0x0]  }
0x2: {  	s0 =	rddreg [dreg:$0x1]  }
0x3: {  	s2 =	rddreg [dreg:$0x2]  }
0x4: {  	s3 =	rddreg [dreg:$0x3]  }
0x5: {  	s5 =	srdreg.scid;
	s12 =	stileid.u32;
	s4 =	simm.s32 $0x0  }
0x6: {  	s17 =	simm.s32 $0x200;
	s28 =	simm.s32 $0x400;
	s6 =	smul.u32 $0x13880, s12  }
0x7: {  	s29 =	simm.s32 $0x8700;
	s30 =	simm.s32 $0x280;
	s9 =	smul.u32 $0x4E, s12  }
0x8: {  	s31 =	simm.s32 $0x500;
	s5 =	sand.u32 $0x1, s5;
	s11 =	smul.u32 $0x9C40, s12  }
0x9: {  	[smem:$0x7FF] =	sst s4;
	s22 =	sshll.u32 s12, $0x6;
	s24 =	smul.u32 $0x9C0, s12  }
0xa: {  	p0 =	sgt.u32 s12, $0x1;
	s7 =	sshll.u32 s5, $0x6;
	s8 =	smul.u32 $0x4E2, s5  }
0xb: {  	s18 =	ssub.s32 $0x2, s5;
	_ =	strace $0x8000004D;
	s5 =	smul.u32 $0x9C40, s5  }
0xc: {  	s6 =	sor.u32 s7, s6;
	s10 =	sshrl.u32 s18, $0x1;
	s20 =	sadd.s32 s11, s3  }
0xd: {  	s21 =	sshrl.u32 s11, $0x3;
	s6 =	sshrl.u32 s6, $0x3;
	s10 =	ssub.s32 s18, s10  }
0xe: {  	s19 =	sadd.s32 s9, s8;
	s7 =	sadd.s32 s1, s21;
	s8 =	sadd.s32 s12, s8  }
0xf: {  	s18 =	simm.s32 $0x1;
	s21 =	simm.s32 $0x2700;
	s9 =	simm.s32 $0x0  }
0x10: {  	s2 =	sadd.s32 s6, s2;
	[dreg:$0x5] =	wrdreg s7;
	s23 =	sshll.u32 s19, $0x5  }
0x11: {  	s7 =	sor.u32 $0x1C04, s22;
	s8 =	sshll.u32 s8, $0x5;
	s26 =	smax.u32 s10, $0x1  }
0x12: {  	s10 =	sshrl.u32 s20, $0x3;
	s19 =	simm.s32 $0x80;
	s20 =	simm.s32 $0x700  }
0x13: {  	s22 =	simm.s32 $0x4700;
	s6 =	sadd.s32 s0, s23;
	s8 =	sadd.s32 s0, s8  }
0x14: {  	s2 =	sadd.s32 $0x3000, s2;
	s0 =	sadd.s32 s5, s0;
	[dreg:$0xc] =	wrdreg s26  }
0x15: {  	s23 =	simm.s32 $0x2;
	s26 =	simm.s32 $0x180;
	[dreg:$0x6] =	wrdreg s7  }
0x16: {  	s5 =	simm.s32 $0x3;
	[dreg:$0xd] =	wrdreg s10;
	s11 =	sadd.s32 $0x20, s6  }
.Ltmp0:
0x17: {  	[dreg:$0x7] =	wrdreg s6;
	s6 =	sadd.s32 $0x40, s6;
	(pc) =	sbr.rel .LBB2_1-.Ltmp0, $4  }
0x18: {  	s25 =	sadd.s32 $0x9C00, s8;
	[dreg:$0xb] =	wrdreg s2;
	s13 =	sadd.s32 s24, s0  }
0x19: {  	s24 =	simm.s32 $0x300;
	s0 =	simm.s32 $0xA700;
	[dreg:$0x8] =	wrdreg s11  }
0x1a: {  	s2 =	simm.s32 $0x380;
	s8 =	simm.s32 $0x580;
	[dreg:$0x9] =	wrdreg s6  }
0x1b: {  	[dreg:$0xa] =	wrdreg s25;
	s11 =	simm.s32 $0x4;
	s25 =	simm.s32 $0x6700  }
.LBB2_4:
0x1c: {  	_ =	swait.ge [sflag:s5], $0x2000  }
0x1d: {  	[sflag:s5] =	ssyncset.done $0x0  }
0x1e: {  	[sflag:s5] =	ssyncadd.s32 $0xFFFFE000  }
0x1f: {  	_ =	swait.ge [sflag:s5], $0x2000  }
0x20: {  	[sflag:s5] =	ssyncset.done $0x0  }
0x21: {  	[sflag:s5] =	ssyncadd.s32 $0xFFFFE000  }
0x22: {  	_ =	swait.ge [sflag:s5], $0x2000  }
0x23: {  	s6 =	simm.s32 @!p0 $0x0;
	[sflag:s5] =	ssyncset.done $0x0  }
0x24: {  	s7 =	simm.s32 @!p0 $0x600;
	s10 =	rddreg [dreg:$0xa];
	[sflag:s5] =	ssyncadd.s32 $0xFFFFE000  }
0x25: {  	[tilespmem:s7], [sflag:$0x4] =	stream.linear.gather @!p0 [hbm4b:s10+s6], $0x100, $0x38;
	[tilespmem:$0x16340] =	vst v63  }
0x26: {  	s6 =	simm.s32 @!p0 $0x4  }
0x27: {  	_ =	swait.ge @!p0 [sflag:s6], $0x100  }
0x28: {  	[sflag:s6] =	ssyncset.done @!p0 $0x0  }
0x29: {  	s11 =	simm.s32 @!p0 $0x700;
	s10 =	simm.s32 @!p0 $0x80;
	[sflag:s6] =	ssyncadd.s32 @!p0 $0xFFFFFF00  }
0x2a: {  	[tilespmem:s11], [sflag:$0x2] =	stream.indirect.gather @!p0 [hbm4b:s1+s10], $0x40, s7, s10, $0xb8;
	[tilespmem:$0x16340] =	vst v63  }
0x2b: {  	s7 =	simm.s32 @!p0 $0x2  }
0x2c: {  	_ =	swait.ge @!p0 [sflag:s7], $0x2000  }
0x2d: {  	[sflag:s7] =	ssyncset.done @!p0 $0x0  }
0x2e: {  	[sflag:s7] =	ssyncadd.s32 @!p0 $0xFFFFE000;
	s7 =	simm.s32 @!p0 $0x680  }
0x2f: {  	[spmem:s3] =	stream.indirect.scatter.add.f32 @!p0 [tilespmem:s11], [sflag:$0x4], $0x40, s7, s10, $0xb8;
	[tilespmem:$0x16340] =	vst v63  }
0x30: {  	_ =	swait.ge @!p0 [sflag:s6], $0x2000  }
0x31: {  	[sflag:s6] =	ssyncset.done @!p0 $0x0  }
0x32: {  	[sflag:s6] =	ssyncadd.s32 @!p0 $0xFFFFE000  }
0x33: {  	[bflag:$0x0] =	sbarrier.arrive $0xFFFF  }
0x34: {  	s7 =	rddreg [dreg:$0x6]  }
0x35: {  	s15 =	simm.s32 $0x10;
	s14 =	rddreg [dreg:$0xb]  }
0x36: {  	s12 =	simm.s32 $0x8;
	s11 =	simm.s32 $0x4;
	s10 =	rddreg [dreg:$0xd]  }
0x37: {  	[hbm:s14@s15], [sflag:s7] =	dma.strided [spmem:s10@s12], $0x1388, s18, $0x8   }
0x38: {  	_ =	swait.ge [sflag:s11], $0x1388  }
0x39: {  	s9 =	sadd.s32 $0x1, s9;
	s16 =	rddreg [dreg:$0xc]  }
0x3a: {  	p1 =	sne.s32 s9, s16  }
.Ltmp1:
0x3b: {  	_ = 	snop;
	(pc) =	sbr.rel @!p1 .LBB2_5-.Ltmp1, $3  }
0x3c: {  	_ =	sdelay $0x1  }
0x3d: {  	[sflag:s11] =	ssyncset.done $0x0  }
0x3e: {  	[sflag:s11] =	ssyncadd.s32 $0xFFFFEC78  }
.LBB2_1:
0x3f: {  	s6 =	rddreg [dreg:$0x5]  }
0x40: {  	[spmem:s10], [sflag:s7] =	dma.local [hbm:s6], $0x1388  }
0x41: {  	_ =	swait.ge [sflag:s11], $0x1388  }
0x42: {  	[sflag:s11] =	ssyncset.done $0x0  }
0x43: {  	[sflag:s11] =	ssyncadd.s32 $0xFFFFEC78  }
0x44: {  	[bflag:$0x0] =	sbarrier.arrive $0xFFFF  }
0x45: {  	s12 =	rddreg [dreg:$0x7]  }
0x46: {  	[tilespmem:s4], [sflag:$0x1] =	stream.linear.gather [hbm4b:s12+s4], $0x100, $0x38;
	[tilespmem:$0x16340] =	vst v63  }
0x47: {  	s15 =	simm.s32 $0x100;
	s14 =	rddreg [dreg:$0x8]  }
0x48: {  	[tilespmem:s15], [sflag:$0x1] =	stream.linear.gather [hbm4b:s14+s4], $0x100, $0x38;
	[tilespmem:$0x16340] =	vst v63  }
0x49: {  	s16 =	rddreg [dreg:$0x9]  }
0x4a: {  	[tilespmem:s17], [sflag:$0x1] =	stream.linear.gather [hbm4b:s16+s4], $0x100, $0x38;
	[tilespmem:$0x16340] =	vst v63  }
0x4b: {  	_ =	swait.ge [sflag:s18], $0x100  }
0x4c: {  	[sflag:s18] =	ssyncset.done $0x0  }
0x4d: {  	[sflag:s18] =	ssyncadd.s32 $0xFFFFFF00  }
0x4e: {  	[tilespmem:s20], [sflag:$0x2] =	stream.indirect.gather [hbm4b:s1+s19], $0x40, s4, s19, $0xb8;
	[tilespmem:$0x16340] =	vst v63  }
0x4f: {  	_ =	swait.ge [sflag:s18], $0x100  }
0x50: {  	[sflag:s18] =	ssyncset.done $0x0  }
0x51: {  	s10 =	simm.s32 $0x0;
	[sflag:s18] =	ssyncadd.s32 $0xFFFFFF00  }
0x52: {  	[tilespmem:s21], [sflag:$0x2] =	stream.indirect.gather [hbm4b:s1+s19], $0x40, s15, s19, $0xb8;
	[tilespmem:$0x16340] =	vst v63  }
.LBB2_2:
0x53: {  	_ =	swait.ge [sflag:s18], $0x100  }
0x54: {  	[sflag:s18] =	ssyncset.done $0x0  }
0x55: {  	[sflag:s18] =	ssyncadd.s32 $0xFFFFFF00  }
0x56: {  	[tilespmem:s22], [sflag:$0x2] =	stream.indirect.gather [hbm4b:s1+s19], $0x40, s17, s19, $0xb8;
	[tilespmem:$0x16340] =	vst v63  }
0x57: {  	_ =	swait.ge [sflag:s23], $0x2000  }
0x58: {  	p1 =	seq.s32 s10, $0x0;
	[sflag:s23] =	ssyncset.done $0x0  }
0x59: {  	s12 =	simm.s32 @!p1 $0x3;
	[sflag:s23] =	ssyncadd.s32 $0xFFFFE000  }
0x5a: {  	[spmem:s3] =	stream.indirect.scatter.add.f32 [tilespmem:s20], [sflag:$0x3], $0x40, s19, s19, $0xb8;
	[tilespmem:$0x16340] =	vst v63  }
0x5b: {  	_ =	swait.ge @!p1 [sflag:s12], $0x2000  }
0x5c: {  	s11 =	sadd.s32 s10, s13;
	[sflag:s12] =	ssyncset.done @!p1 $0x0  }
0x5d: {  	s16 =	sadd.s32 $0x60, s11;
	[sflag:s12] =	ssyncadd.s32 @!p1 $0xFFFFE000  }
0x5e: {  	[tilespmem:s24], [sflag:$0x1] =	stream.linear.gather [hbm4b:s16+s4], $0x100, $0x38;
	[tilespmem:$0x16340] =	vst v63  }
0x5f: {  	_ =	swait.ge [sflag:s18], $0x100  }
0x60: {  	[sflag:s18] =	ssyncset.done $0x0  }
0x61: {  	[sflag:s18] =	ssyncadd.s32 $0xFFFFFF00  }
0x62: {  	[tilespmem:s25], [sflag:$0x2] =	stream.indirect.gather [hbm4b:s1+s19], $0x40, s24, s19, $0xb8;
	[tilespmem:$0x16340] =	vst v63  }
0x63: {  	_ =	swait.ge [sflag:s23], $0x2000  }
0x64: {  	[sflag:s23] =	ssyncset.done $0x0  }
0x65: {  	[sflag:s23] =	ssyncadd.s32 $0xFFFFE000  }
0x66: {  	[spmem:s3] =	stream.indirect.scatter.add.f32 [tilespmem:s21], [sflag:$0x3], $0x40, s26, s19, $0xb8;
	[tilespmem:$0x16340] =	vst v63  }
0x67: {  	_ =	swait.ge @!p1 [sflag:s12], $0x2000  }
0x68: {  	[sflag:s12] =	ssyncset.done @!p1 $0x0  }
0x69: {  	s15 =	sadd.s32 $0x80, s11;
	[sflag:s12] =	ssyncadd.s32 @!p1 $0xFFFFE000  }
0x6a: {  	[tilespmem:s28], [sflag:$0x1] =	stream.linear.gather [hbm4b:s15+s4], $0x100, $0x38;
	[tilespmem:$0x16340] =	vst v63  }
0x6b: {  	_ =	swait.ge [sflag:s18], $0x100  }
0x6c: {  	[sflag:s18] =	ssyncset.done $0x0  }
0x6d: {  	[sflag:s18] =	ssyncadd.s32 $0xFFFFFF00  }
0x6e: {  	[tilespmem:s29], [sflag:$0x2] =	stream.indirect.gather [hbm4b:s1+s19], $0x40, s28, s19, $0xb8;
	[tilespmem:$0x16340] =	vst v63  }
0x6f: {  	_ =	swait.ge [sflag:s23], $0x2000  }
0x70: {  	[sflag:s23] =	ssyncset.done $0x0  }
0x71: {  	[sflag:s23] =	ssyncadd.s32 $0xFFFFE000  }
0x72: {  	[spmem:s3] =	stream.indirect.scatter.add.f32 [tilespmem:s22], [sflag:$0x3], $0x40, s30, s19, $0xb8;
	[tilespmem:$0x16340] =	vst v63  }
0x73: {  	_ =	swait.ge @!p1 [sflag:s12], $0x2000  }
0x74: {  	[sflag:s12] =	ssyncset.done @!p1 $0x0  }
0x75: {  	s16 =	sadd.s32 $0xA0, s11;
	[sflag:s12] =	ssyncadd.s32 @!p1 $0xFFFFE000  }
0x76: {  	[tilespmem:s31], [sflag:$0x1] =	stream.linear.gather [hbm4b:s16+s4], $0x100, $0x38;
	[tilespmem:$0x16340] =	vst v63  }
0x77: {  	_ =	swait.ge [sflag:s18], $0x100  }
0x78: {  	[sflag:s18] =	ssyncset.done $0x0  }
0x79: {  	[sflag:s18] =	ssyncadd.s32 $0xFFFFFF00  }
0x7a: {  	[tilespmem:s0], [sflag:$0x2] =	stream.indirect.gather [hbm4b:s1+s19], $0x40, s31, s19, $0xb8;
	[tilespmem:$0x16340] =	vst v63  }
0x7b: {  	_ =	swait.ge [sflag:s23], $0x2000  }
0x7c: {  	[sflag:s23] =	ssyncset.done $0x0  }
0x7d: {  	[sflag:s23] =	ssyncadd.s32 $0xFFFFE000  }
0x7e: {  	[spmem:s3] =	stream.indirect.scatter.add.f32 [tilespmem:s25], [sflag:$0x3], $0x40, s2, s19, $0xb8;
	[tilespmem:$0x16340] =	vst v63  }
0x7f: {  	_ =	swait.ge [sflag:s5], $0x2000  }
0x80: {  	p1 =	seq.s32 s10, $0x900;
	[sflag:s5] =	ssyncset.done $0x0  }
0x81: {  	s12 =	simm.s32 @p1 $0x2;
	[sflag:s5] =	ssyncadd.s32 $0xFFFFE000  }
0x82: {  	_ =	swait.ge @p1 [sflag:s12], $0x2000  }
0x83: {  	s16 =	simm.s32 @p1 $0x480;
	[sflag:s12] =	ssyncset.done @p1 $0x0  }
0x84: {  	s7 =	simm.s32 @p1 $0x8700;
	[sflag:s12] =	ssyncadd.s32 @p1 $0xFFFFE000;
	s12 =	simm.s32 @p1 $0x80  }
0x85: {  	[spmem:s3] =	stream.indirect.scatter.add.f32 @p1 [tilespmem:s7], [sflag:$0x3], $0x40, s16, s12, $0xb8;
	[tilespmem:$0x16340] =	vst v63  }
0x86: {  	s7 =	simm.s32 @p1 $0x3  }
0x87: {  	_ =	swait.ge @p1 [sflag:s7], $0x2000  }
0x88: {  	s12 =	sadd.s32 @!p1 s10, s13;
	[sflag:s7] =	ssyncset.done @p1 $0x0  }
0x89: {  	s16 =	simm.s32 @!p1 $0x0;
	[sflag:s7] =	ssyncadd.s32 @p1 $0xFFFFE000;
	s7 =	sadd.s32 @!p1 $0xC0, s12  }
0x8a: {  	[tilespmem:s16], [sflag:$0x1] =	stream.linear.gather @!p1 [hbm4b:s7+s16], $0x100, $0x38;
	[tilespmem:$0x16340] =	vst v63  }
0x8b: {  	s7 =	simm.s32 @!p1 $0x1  }
0x8c: {  	_ =	swait.ge @!p1 [sflag:s7], $0x100  }
0x8d: {  	[sflag:s7] =	ssyncset.done @!p1 $0x0  }
0x8e: {  	s6 =	simm.s32 @!p1 $0x80;
	s14 =	simm.s32 @!p1 $0x700;
	[sflag:s7] =	ssyncadd.s32 @!p1 $0xFFFFFF00  }
0x8f: {  	[tilespmem:s14], [sflag:$0x2] =	stream.indirect.gather @!p1 [hbm4b:s1+s6], $0x40, s16, s6, $0xb8;
	[tilespmem:$0x16340] =	vst v63  }
0x90: {  	s14 =	simm.s32 @!p1 $0x2  }
0x91: {  	_ =	swait.ge @!p1 [sflag:s14], $0x2000  }
0x92: {  	[sflag:s14] =	ssyncset.done @!p1 $0x0  }
0x93: {  	s15 =	simm.s32 @!p1 $0x8700;
	[sflag:s14] =	ssyncadd.s32 @!p1 $0xFFFFE000;
	s14 =	simm.s32 @!p1 $0x480  }
0x94: {  	[spmem:s3] =	stream.indirect.scatter.add.f32 @!p1 [tilespmem:s15], [sflag:$0x3], $0x40, s14, s6, $0xb8;
	[tilespmem:$0x16340] =	vst v63  }
0x95: {  	s14 =	simm.s32 @!p1 $0x3  }
0x96: {  	_ =	swait.ge @!p1 [sflag:s14], $0x2000  }
0x97: {  	[sflag:s14] =	ssyncset.done @!p1 $0x0  }
0x98: {  	s12 =	sadd.s32 @!p1 $0xE0, s12;
	[sflag:s14] =	ssyncadd.s32 @!p1 $0xFFFFE000;
	s14 =	simm.s32 @!p1 $0x100  }
0x99: {  	[tilespmem:s14], [sflag:$0x1] =	stream.linear.gather @!p1 [hbm4b:s12+s16], $0x100, $0x38;
	[tilespmem:$0x16340] =	vst v63  }
0x9a: {  	_ =	swait.ge @!p1 [sflag:s7], $0x100  }
0x9b: {  	[sflag:s7] =	ssyncset.done @!p1 $0x0  }
0x9c: {  	[sflag:s7] =	ssyncadd.s32 @!p1 $0xFFFFFF00;
	s7 =	simm.s32 @!p1 $0x2700  }
0x9d: {  	[tilespmem:s7], [sflag:$0x2] =	stream.indirect.gather @!p1 [hbm4b:s1+s6], $0x40, s14, s6, $0xb8;
	[tilespmem:$0x16340] =	vst v63  }
0x9e: {  	_ =	swait.ge [sflag:s23], $0x2000  }
0x9f: {  	[sflag:s23] =	ssyncset.done $0x0  }
.Ltmp2:
0xa0: {  	[sflag:s23] =	ssyncadd.s32 $0xFFFFE000;
	(pc) =	sbr.rel @p1 .LBB2_4-.Ltmp2, $4  }
0xa1: {  	[spmem:s3] =	stream.indirect.scatter.add.f32 [tilespmem:s0], [sflag:$0x3], $0x40, s8, s19, $0xb8;
	[tilespmem:$0x16340] =	vst v63  }
0xa2: {  	_ =	swait.ge [sflag:s5], $0x2000  }
0xa3: {  	[sflag:s5] =	ssyncset.done $0x0  }
0xa4: {  	[sflag:s5] =	ssyncadd.s32 $0xFFFFE000  }
.Ltmp3:
0xa5: {  	(pc) =	sbr.rel .LBB2_2-.Ltmp3, $3  }
0xa6: {  	_ =	sdelay $0x1  }
0xa7: {  	s6 =	sadd.s32 $0x100, s11;
	s10 =	sadd.s32 $0xC0, s10  }
0xa8: {  	[tilespmem:s17], [sflag:$0x1] =	stream.linear.gather [hbm4b:s6+s4], $0x100, $0x38;
	[tilespmem:$0x16340] =	vst v63  }
.LBB2_5:
0xa9: {  	_ =	sfence.sel $0x180000  }
0xaa: {  	[bflag:$0x0] =	sbarrier.arrive $0xFFFF  }
0xab: {  	_ =	strace $0x9000004D  }
0xac: {  	s0 =	stileid.u32;
	[bflag:$0x2] =	sbarrier.arrive $0xFFFF  }
0xad: {  	p0 =	sne.s32 s0, $0x0;
	s0 =	rddreg [dreg:$0x4]  }
0xae: {  	s0 =	sadd.s32 @!p0 $0x100000, s0  }
0xaf: {  	[sflag:s0] =	ssyncadd.tile.s32 @!p0 $0x1;
	_ =	shalt  }
.Lfunc_end2:
_tile_overlayer_lowered:
.L_overlay_start_2:
0xb0: {  	(tag) =	ssettag $0x2  }
0xb1: {  	s0 =	rddreg [dreg:$0x0];
	s2 =	stileid.u32  }
0xb2: {  	s1 =	rddreg [dreg:$0x1];
	p0 =	sne.s32 s2, $0x0  }
0xb3: {  	s3 =	rddreg [dreg:$0x2];
	[bflag:$0x3] =	sbarrier.arrive $0xFFFF;
	s2 =	simm.s32 @!p0 $0x1C04  }
0xb4: {  	[timem:s3], [sflag:s2] =	dma.local @!p0 [hbm:s0], s1  }
0xb5: {  	s0 =	simm.s32 @!p0 $0x4  }
0xb6: {  	_ =	swait.ge @!p0 [sflag:s0], s1  }
0xb7: {  	s1 =	ssub.s32 @!p0 $0x0, s1;
	[sflag:s0] =	ssyncset.done @!p0 $0x0  }
0xb8: {  	[sflag:s0] =	ssyncadd.s32 @!p0 s1  }
0xb9: {  	[bflag:$0x3] =	sbarrier.arrive $0xFFFF  }
0xba: {  	_ =	shalt  }

// kernel: kernel.9.cloned.1.call-start
scs
__scs_entry_jumppad:
0x0: {  	(pc) =	sbr.rel $0x88, $3  }
0x1: {  	(tag) =	ssettag $0x0;
	lr =	simm.s32 $0x1  }
0x2: {  	[smem:$0x3F98] =	sst lr;
	_ =	strace $0xD0000000  }
0x3: {  	_ = 	snop  }
0x4: {  	_ = 	snop  }
0x5: {  	_ = 	snop  }
0x6: {  	_ = 	snop  }
0x7: {  	_ = 	snop  }
__scs_overlays_trampoline_lowered:
0x8: {  	[smem:$0x3FA7] =	sst s0  }
0x9: {  	[smem:$0x3FA8] =	sst s1  }
0xa: {  	[smem:$0x3FA9] =	sst s2  }
0xb: {  	[smem:$0x3FAA] =	sst s3  }
0xc: {  	[smem:$0x3FAB] =	sst s4  }
0xd: {  	[smem:$0x3FAC] =	sst s5  }
0xe: {  	[smem:$0x3FAD] =	sst s6  }
0xf: {  	[smem:$0x3FAE] =	sst s7  }
0x10: {  	[smem:$0x3FAF] =	sst s8  }
0x11: {  	[smem:$0x3FB0] =	sst s9;
	s0 =	simm.s32 @!p0 $0x0  }
0x12: {  	s1 =	sld [smem:$0x3F96];
	s0 =	simm.s32 @p0 $0x1  }
0x13: {  	[smem:$0x3FB1] =	sst s0;
	s0 =	simm.s32 @!p1 $0x0  }
0x14: {  	s2 =	sld [smem:$0x3F95];
	s0 =	simm.s32 @p1 $0x1  }
0x15: {  	[smem:$0x3FB2] =	sst s0;
	s0 =	simm.s32 @!p2 $0x0  }
0x16: {  	s3 =	sld [smem:$0x3FDB];
	s0 =	simm.s32 @p2 $0x1  }
0x17: {  	s4 =	simm.s32 $0x1BF5;
	[smem:$0x3FB4] =	sst s0  }
0x18: {  	s0 =	sld [smem:$0x3F97];
	_ =	swait.ge [sflag:s4], $0x0  }
0x19: {  	s7 =	sld [smem:$0x3F98]  }
0x1a: {  	s8 =	sadd.s32 $0xFFFFE003, lr  }
0x1b: {  	s9 =	sadd.s32 $0xFFFFFEF7, lr;
	s5 =	simm.s32 $0xFFFFFFFF;
	p2 =	slt.u32 s8, $0xFFFFF086  }
0x1c: {  	p1 =	slt.u32 s9, $0xF7A;
	s5 =	simm.s32 @!p2 $0x0  }
0x1d: {  	s5 =	simm.s32 @p1 $0x1;
	p0 =	seq.s32 s7, s2  }
0x1e: {  	s7 =	smul.u32 @!p0 $0xF7A, s2;
	p2 =	seq.s32 @!p0 s5, $0x0  }
0x1f: {  	s9 =	smul.u32 $0xF7A, s1;
	s8 =	simm.s32 @!p0 $0x1BF5;
	p2 =	por !p2, p0  }
0x20: {  	[sflag:s8] =	ssyncset.s32 @!p0 $0xFFFFF086;
	s6 =	sadd.s32 @!p0 s3, s7;
	s7 =	simm.s32 @!p0 $0x108  }
0x21: {  	s3 =	sadd.s32 s3, s9;
	s6 =	sadd.s32 @!p0 $0x88, s6;
	s7 =	simm.s32 @p2 $0x1082  }
0x22: {  	[simem:s7], [sflag:s8] =	dma.local @!p0 [hbm:s6], $0xF7A  }
0x23: {  	s9 =	sor.u32 $0xD0000000, s2;
	s6 =	simm.s32 $0x108;
	_ =	swait.ge @!p0 [sflag:s8], $0x0  }
0x24: {  	s3 =	sadd.s32 $0x88, s3;
	s6 =	simm.s32 @!p1 $0x1082;
	[sflag:s4] =	ssyncset.s32 $0xFFFFF086  }
0x25: {  	[simem:s6], [sflag:s4] =	dma.local [hbm:s3], $0xF7A  }
0x26: {  	[smem:$0x3F98] =	sst s1;
	(tag) =	ssettag s2;
	_ =	strace s9  }
0x27: {  	s1 =	sld [smem:$0x3FA8]  }
0x28: {  	s2 =	sld [smem:$0x3FA9]  }
0x29: {  	s4 =	sld [smem:$0x3FAB]  }
0x2a: {  	p0 =	seq.s32 s5, $0x0;
	s5 =	sld [smem:$0x3FAC]  }
0x2b: {  	s6 =	sld [smem:$0x3FAD]  }
0x2c: {  	s7 =	sld [smem:$0x3FAE]  }
0x2d: {  	s3 =	simm.s32 $0x108;
	s8 =	sld [smem:$0x3FAF]  }
0x2e: {  	s3 =	simm.s32 @!p0 $0x1082;
	s9 =	sld [smem:$0x3FB0]  }
0x2f: {  	lr =	sadd.s32 s0, s3;
	s0 =	sld [smem:$0x3FA7]  }
0x30: {  	s3 =	sld [smem:$0x3FAA]  }
0x31: {  	[smem:$0x3FB3] =	sst s10  }
0x32: {  	s10 =	sld [smem:$0x3FB1];
	_ =	sdelay $0x3  }
0x33: {  	p0 =	seq.s32 s10, $0x1;
	s10 =	sld [smem:$0x3FB3];
	_ =	sdelay $0x3  }
0x34: {  	[smem:$0x3FB3] =	sst s10  }
0x35: {  	s10 =	sld [smem:$0x3FB2];
	_ =	sdelay $0x3  }
0x36: {  	p1 =	seq.s32 s10, $0x1;
	s10 =	sld [smem:$0x3FB3];
	_ =	sdelay $0x3  }
0x37: {  	[smem:$0x3FB3] =	sst s10  }
0x38: {  	s10 =	sld [smem:$0x3FB4]  }
0x39: {  	_ = 	snop;
	(pc) =	sbr.ind lr, $3  }
0x3a: {  	_ = 	snop  }
0x3b: {  	_ = 	snop  }
0x3c: {  	p2 =	seq.s32 s10, $0x1;
	s10 =	sld [smem:$0x3FB3]  }
0x3d: {  	_ =	shalt  }
0x3e: {  	_ =	shalt  }
0x3f: {  	_ =	shalt  }
0x40: {  	_ =	shalt  }
0x41: {  	_ =	shalt  }
0x42: {  	_ =	shalt  }
0x43: {  	_ =	shalt  }
0x44: {  	_ =	shalt  }
0x45: {  	_ =	shalt  }
0x46: {  	_ =	shalt  }
0x47: {  	_ =	shalt  }
0x48: {  	_ =	shalt  }
0x49: {  	_ =	shalt  }
0x4a: {  	_ =	shalt  }
0x4b: {  	_ =	shalt  }
0x4c: {  	_ =	shalt  }
0x4d: {  	_ =	shalt  }
0x4e: {  	_ =	shalt  }
0x4f: {  	_ =	shalt  }
0x50: {  	_ =	shalt  }
0x51: {  	_ =	shalt  }
0x52: {  	_ =	shalt  }
0x53: {  	_ =	shalt  }
0x54: {  	_ =	shalt  }
0x55: {  	_ =	shalt  }
0x56: {  	_ =	shalt  }
0x57: {  	_ =	shalt  }
0x58: {  	_ =	shalt  }
0x59: {  	_ =	shalt  }
0x5a: {  	_ =	shalt  }
0x5b: {  	_ =	shalt  }
0x5c: {  	_ =	shalt  }
0x5d: {  	_ =	shalt  }
0x5e: {  	_ =	shalt  }
0x5f: {  	_ =	shalt  }
0x60: {  	_ =	shalt  }
0x61: {  	_ =	shalt  }
0x62: {  	_ =	shalt  }
0x63: {  	_ =	shalt  }
0x64: {  	_ =	shalt  }
0x65: {  	_ =	shalt  }
0x66: {  	_ =	shalt  }
0x67: {  	_ =	shalt  }
0x68: {  	_ =	shalt  }
0x69: {  	_ =	shalt  }
0x6a: {  	_ =	shalt  }
0x6b: {  	_ =	shalt  }
0x6c: {  	_ =	shalt  }
0x6d: {  	_ =	shalt  }
0x6e: {  	_ =	shalt  }
0x6f: {  	_ =	shalt  }
0x70: {  	_ =	shalt  }
0x71: {  	_ =	shalt  }
0x72: {  	_ =	shalt  }
0x73: {  	_ =	shalt  }
0x74: {  	_ =	shalt  }
0x75: {  	_ =	shalt  }
0x76: {  	_ =	shalt  }
0x77: {  	_ =	shalt  }
0x78: {  	_ =	shalt  }
0x79: {  	_ =	shalt  }
0x7a: {  	_ =	shalt  }
0x7b: {  	_ =	shalt  }
0x7c: {  	_ =	shalt  }
0x7d: {  	_ =	shalt  }
0x7e: {  	_ =	shalt  }
0x7f: {  	_ =	shalt  }
0x80: {  	_ =	shalt  }
0x81: {  	_ =	shalt  }
0x82: {  	_ =	shalt  }
0x83: {  	_ =	shalt  }
0x84: {  	_ =	shalt  }
0x85: {  	_ =	shalt  }
0x86: {  	_ =	shalt  }
0x87: {  	_ =	shalt  }
.Lfunc_end0:
.L_simem_size_0:
called_computation_lowered:
.L_overlay_start_0:
0x88: {  	s2 =	sld [smem:$0x3FD9]  }
0x89: {  	s3 =	sld [smem:$0x3FFE];
	_ =	sdelay $0x1  }
0x8a: {  	s1 =	srdreg.scid  }
0x8b: {  	s0 =	sand.u32 $0x1, s1  }
0x8c: {  	s17 =	sshll.u32 s0, $0xA;
	s2 =	sadd.s32 s3, s2  }
0x8d: {  	s2 =	sadd.s32 s2, s17  }
0x8e: {  	[smem:$0x3FBF] =	sst s2  }
0x8f: {  	_ = 	snop  }
0x90: {  	s2 =	sld [smem:$0x3FC8]  }
0x91: {  	s18 =	sld [smem:$0x3FD0];
	(tm) =	ssettm $0x1  }
0x92: {  	s4 =	sld [smem:$0x3FFB];
	_ =	sdelay $0x3  }
0x93: {  	_ =	strace s4  }
0x94: {  	s4 =	sld [smem:$0x3FFC];
	_ =	sdelay $0x3  }
0x95: {  	_ =	strace s4  }
0x96: {  	s4 =	sld [smem:$0x3FFD];
	_ =	sdelay $0x3  }
0x97: {  	_ =	strace s4  }
0x98: {  	_ =	strace $0x8FFFFFFF  }
0x99: {  	s19 =	sld [smem:$0x3FDB];
	_ =	sdelay $0x1  }
0x9a: {  	s5 =	simm.s32 $_scs_section_size  }
0x9b: {  	s6 =	simm.s32 $_size__tile_overlayer_lowered;
	s7 =	simm.s32 $_tile_overlayer_lowered  }
0x9c: {  	s22 =	simm.s32 $0x1BFF;
	s21 =	sshll.u32 s7, $0x1;
	s4 =	sadd.s32 s5, s19  }
0x9d: {  	s8 =	simm.s32 $0x0;
	s20 =	sshll.u32 s6, $0x1;
	s6 =	sadd.s32 s21, s4  }
0x9e: {  	[timem:s8], [sflag:s22] =	dma.local [hbm:s6], s20  }
0x9f: {  	_ =	swait.ge [sflag:s22], s20  }
0xa0: {  	s5 =	ssub.s32 $0x0, s20;
	[sflag:s22] =	ssyncset.done $0x0  }
0xa1: {  	[sflag:s22] =	ssyncadd.s32 s5;
	_ =	sdelay $0x1  }
0xa2: {  	s23 =	simm.s32 $0x1B8B  }
0xa3: {  	_ =	swait.ge [sflag:s23], $0x1  }
0xa4: {  	[sflag:s23] =	ssyncset.done $0x0  }
0xa5: {  	s25 =	simm.s32 $0x1B8E;
	s24 =	sld [smem:$0x3FFE];
	[sflag:s23] =	ssyncadd.s32 $0xFFFFFFFF  }
0xa6: {  	s26 =	simm.s32 $execute0_lowered;
	[smem:$0x3FD2] =	sst s25  }
0xa7: {  	s6 =	sshll.u32 s26, $0x1;
	_ =	strace $0x80000046;
	[dreg:$0x1] =	wrdreg $0xFFFFFFFF  }
0xa8: {  	s28 =	simm.s32 $_size_execute0_lowered;
	s4 =	sadd.s32 s4, s6;
	[dreg:$0x0] =	wrdreg $0x0  }
0xa9: {  	s6 =	sshll.u32 s28, $0x1;
	[dreg:$0x2] =	wrdreg s4  }
0xaa: {  	[dreg:$0x3] =	wrdreg s6  }
0xab: {  	[dreg:$0x4] =	wrdreg $0xC0  }
0xac: {  	_ =	task [dreg:s8], $0x5FFFF  }
0xad: {  	[dreg:$0x1] =	wrdreg $0xFFFFFFFF  }
0xae: {  	[dreg:$0x0] =	wrdreg $0x60  }
0xaf: {  	[dreg:$0x2] =	wrdreg s2  }
0xb0: {  	[dreg:$0x3] =	wrdreg s24  }
0xb1: {  	[dreg:$0x4] =	wrdreg s18  }
0xb2: {  	[dreg:$0x5] =	wrdreg $0x2F800  }
0xb3: {  	[dreg:$0x6] =	wrdreg $0x9  }
0xb4: {  	_ =	task.clear_ibuf [dreg:s8], $0x7FFFF;
	_ =	strace $0x90000046  }
0xb5: {  	s29 =	simm.s32 $0x9;
	_ =	strace $0x80000048  }
0xb6: {  	_ =	swait.ge [sflag:s29], $0x1  }
0xb7: {  	[sflag:s29] =	ssyncadd.s32 $0xFFFFFFFF  }
0xb8: {  	_ =	strace $0x90000048  }
0xb9: {  	_ =	sfence  }
0xba: {  	s30 =	sld [smem:$0x0];
	_ =	sdelay $0x2  }
0xbb: {  	s31 =	sshll.u32 s1, $0xD;
	s1 =	sshrl.u32 s1, $0x2  }
0xbc: {  	s3 =	sand.u32 $0x4000, s31;
	s1 =	sadd.s32 s1, s30  }
0xbd: {  	s0 =	sor.u32 s3, s0;
	s1 =	sshll.u32 s1, $0x11  }
0xbe: {  	s0 =	sor.u32 s1, s0  }
0xbf: {  	s0 =	sadd.s32 $0x8F2B, s0  }
0xc0: {  	[sflag:s0] =	ssyncadd.remote.s32 $0x1  }
0xc1: {  	_ =	sfence.sel $0xFFFF  }
0xc2: {  	[dreg:$0x0] =	wrdreg $0xFFFFFFFF;
	(pc) =	sbr.abs _section_cstart, $3  }
0xc3: {  	[dreg:$0x1] =	wrdreg $0xFFFFFFFF  }
0xc4: {  	_ =	task.clear_ibuf [dreg:s8], $0x2FFFF;
	_ =	strace $0x9FFFFFFF  }
0xc5: {  	(tm) =	ssettm $0x7FFFFFFF  }
tec
execute0_lowered:
.L_overlay_start_1:
0x0: {  	(tag) =	ssettag $0x1  }
0x1: {  	s5 =	rddreg [dreg:$0x0]  }
0x2: {  	s6 =	rddreg [dreg:$0x1]  }
0x3: {  	s8 =	rddreg [dreg:$0x2]  }
0x4: {  	s2 =	rddreg [dreg:$0x3]  }
0x5: {  	s0 =	rddreg [dreg:$0x4];
	s1 =	stileid.u32  }
0x6: {  	s4 =	srdreg.scid;
	s3 =	simm.s32 $0x0;
	s16 =	simm.s32 $0x180  }
0x7: {  	s17 =	simm.s32 $0x1;
	s18 =	simm.s32 $0x4;
	s19 =	simm.s32 $0x0  }
0x8: {  	s7 =	smul.u32 $0x2710, s1;
	s9 =	sand.u32 $0x1, s4;
	[smem:$0x7FF] =	sst s3  }
0x9: {  	s12 =	smul.u32 $0x4E, s1;
	s4 =	sadd.s32 $0x3000, s6;
	s28 =	sadd.s32 $0x10, s5  }
0xa: {  	s29 =	smul.u32 $0x4E20, s1;
	s31 =	sshll.u32 s1, $0x6;
	p0 =	sgt.u32 s1, $0x1  }
0xb: {  	s10 =	smul.u32 $0x4E2, s9;
	_ =	strace $0x80000047;
	s11 =	ssub.s32 $0x2, s9  }
0xc: {  	s9 =	sshll.u32 s9, $0x4;
	s13 =	sshrl.u32 s7, $0x3;
	s14 =	sshrl.u32 s11, $0x1  }
0xd: {  	s15 =	sadd.s32 s7, s2;
	s9 =	sor.u32 s9, s29;
	s6 =	sadd.s32 s13, s6  }
0xe: {  	s11 =	ssub.s32 s11, s14;
	s12 =	sadd.s32 s12, s10;
	s10 =	sadd.s32 s1, s10  }
0xf: {  	s9 =	sshrl.u32 s9, $0x3;
	s13 =	simm.s32 $0x100;
	s14 =	sor.u32 $0x1C02, s31  }
0x10: {  	s15 =	sshrl.u32 s15, $0x3;
	s12 =	sshll.u32 s12, $0x5;
	s30 =	sshll.u32 s10, $0x5  }
0x11: {  	s6 =	sadd.s32 $0x3200, s6;
	s8 =	sadd.s32 s8, s9;
	s9 =	smax.u32 s11, $0x1  }
0x12: {  	s10 =	simm.s32 $0x2780;
	s11 =	simm.s32 $0x2;
	s7 =	sadd.s32 s28, s30  }
0x13: {  	s5 =	sadd.s32 s12, s28;
	s12 =	simm.s32 $0x80;
	s7 =	sadd.s32 $0x9C00, s7  }
.LBB2_1:
0x14: {  	[tilespmem:s10], [sflag:$0x2] =	stream.linear.gather [hbm4b:s4+s3], $0x800, $0x38;
	[tilespmem:$0x5690] =	vst v63  }
0x15: {  	_ =	swait.ge [sflag:s11], $0x800  }
0x16: {  	[sflag:s11] =	ssyncset.done $0x0  }
0x17: {  	[sflag:s11] =	ssyncadd.s32 $0xFFFFF800  }
0x18: {  	[tilespmem:s3], [sflag:$0x2] =	stream.strided.gather [hbm4b:s5+s12], $0x2700, s13, s12, $0x38;
	[tilespmem:$0x5690] =	vst v63  }
0x19: {  	_ =	swait.ge [sflag:s11], $0x2700  }
0x1a: {  	[sflag:s11] =	ssyncset.done $0x0  }
0x1b: {  	[sflag:s11] =	ssyncadd.s32 $0xFFFFD900  }
0x1c: {  	[spmem:s15], [sflag:s14] =	dma.local [hbm:s6], $0x4E2  }
0x1d: {  	_ =	swait.ge [sflag:s11], $0x4E2  }
0x1e: {  	[sflag:s11] =	ssyncset.done $0x0  }
0x1f: {  	[sflag:s11] =	ssyncadd.s32 $0xFFFFFB1E  }
0x20: {  	[bflag:$0x0] =	sbarrier.arrive $0xFFFF  }
0x21: {  	[spmem:s2] =	stream.indirect.scatter.add.f32 [tilespmem:s10], [sflag:$0x1], $0x10, s3, s12, $0xb8;
	[tilespmem:$0x5690] =	vst v63  }
0x22: {  	_ = 	snop  }
0x23: {  	[spmem:s2] =	stream.indirect.scatter.add.f32 [tilespmem:s10], [sflag:$0x1], $0x10, s12, s12, $0xb8;
	[tilespmem:$0x5690] =	vst v63  }
0x24: {  	_ = 	snop  }
0x25: {  	[spmem:s2] =	stream.indirect.scatter.add.f32 [tilespmem:s10], [sflag:$0x1], $0x10, s13, s12, $0xb8;
	[tilespmem:$0x5690] =	vst v63  }
0x26: {  	_ = 	snop  }
0x27: {  	[spmem:s2] =	stream.indirect.scatter.add.f32 [tilespmem:s10], [sflag:$0x1], $0x10, s16, s12, $0xb8;
	[tilespmem:$0x5690] =	vst v63  }
0x28: {  	s20 =	simm.s32 $0x200  }
0x29: {  	[spmem:s2] =	stream.indirect.scatter.add.f32 [tilespmem:s10], [sflag:$0x1], $0x10, s20, s12, $0xb8;
	[tilespmem:$0x5690] =	vst v63  }
0x2a: {  	_ =	swait.ge [sflag:s17], $0x800  }
0x2b: {  	s20 =	simm.s32 $0xA00;
	[sflag:s17] =	ssyncset.done $0x0  }
.LBB2_2:
0x2c: {  	s21 =	sshra.s32 s20, $0x2;
	[sflag:s17] =	ssyncadd.s32 $0xFFFFF800;
	p1 =	sne.s32 s20, $0x9A00  }
0x2d: {  	[spmem:s2] =	stream.indirect.scatter.add.f32 [tilespmem:s10], [sflag:$0x1], $0x10, s21, s12, $0xb8;
	[tilespmem:$0x5690] =	vst v63  }
.Ltmp0:
0x2e: {  	_ = 	snop;
	(pc) =	sbr.rel @p1 .LBB2_2-.Ltmp0, $4  }
0x2f: {  	_ = 	snop  }
0x30: {  	s20 =	sadd.s32 $0x200, s20  }
0x31: {  	_ =	swait.ge [sflag:s17], $0x800  }
0x32: {  	[sflag:s17] =	ssyncset.done $0x0  }
0x33: {  	[sflag:s17] =	ssyncadd.s32 $0xFFFFF800  }
0x34: {  	_ =	swait.ge [sflag:s17], $0x800  }
0x35: {  	[sflag:s17] =	ssyncset.done $0x0  }
0x36: {  	[sflag:s17] =	ssyncadd.s32 $0xFFFFF800  }
0x37: {  	_ =	swait.ge [sflag:s17], $0x800  }
0x38: {  	[sflag:s17] =	ssyncset.done $0x0  }
0x39: {  	[sflag:s17] =	ssyncadd.s32 $0xFFFFF800  }
0x3a: {  	_ =	swait.ge [sflag:s17], $0x800  }
0x3b: {  	[sflag:s17] =	ssyncset.done $0x0  }
0x3c: {  	[sflag:s17] =	ssyncadd.s32 $0xFFFFF800  }
0x3d: {  	_ =	swait.ge [sflag:s17], $0x800  }
0x3e: {  	[sflag:s17] =	ssyncset.done $0x0  }
0x3f: {  	s20 =	simm.s32 @!p0 $0x0;
	s21 =	simm.s32 @!p0 $0x2700;
	[sflag:s17] =	ssyncadd.s32 $0xFFFFF800  }
0x40: {  	[tilespmem:s21], [sflag:$0x2] =	stream.linear.gather @!p0 [hbm4b:s7+s20], $0x80, $0x38;
	[tilespmem:$0x5690] =	vst v63  }
0x41: {  	s20 =	simm.s32 @!p0 $0x2  }
0x42: {  	_ =	swait.ge @!p0 [sflag:s20], $0x80  }
0x43: {  	[sflag:s20] =	ssyncset.done @!p0 $0x0  }
0x44: {  	s22 =	simm.s32 @!p0 $0x80;
	s23 =	simm.s32 @!p0 $0x2780;
	[sflag:s20] =	ssyncadd.s32 @!p0 $0xFFFFFF80  }
0x45: {  	[spmem:s2] =	stream.indirect.scatter.add.f32 @!p0 [tilespmem:s23], [sflag:$0x2], $0x10, s21, s22, $0xb8;
	[tilespmem:$0x5690] =	vst v63  }
0x46: {  	_ =	swait.ge @!p0 [sflag:s20], $0x800  }
0x47: {  	s19 =	sadd.s32 $0x1, s19;
	[sflag:s20] =	ssyncset.done @!p0 $0x0  }
0x48: {  	p1 =	sne.s32 s19, s9;
	[sflag:s20] =	ssyncadd.s32 @!p0 $0xFFFFF800  }
.Ltmp1:
0x49: {  	[bflag:$0x0] =	sbarrier.arrive $0xFFFF;
	(pc) =	sbr.rel @p1 .LBB2_1-.Ltmp1, $4  }
0x4a: {  	[hbm:s8@s18], [sflag:s14] =	dma.strided [spmem:s15@s11], $0x4E2, s17, $0x2   }
0x4b: {  	_ =	swait.ge [sflag:s11], $0x4E2  }
0x4c: {  	[sflag:s11] =	ssyncset.done $0x0  }
0x4d: {  	[sflag:s11] =	ssyncadd.s32 $0xFFFFFB1E  }
0x4e: {  	_ =	sfence.sel $0x180000  }
0x4f: {  	[bflag:$0x0] =	sbarrier.arrive $0xFFFF  }
0x50: {  	p0 =	sne.s32 s1, $0x0;
	_ =	strace $0x90000047  }
0x51: {  	s0 =	sadd.s32 @!p0 $0x100000, s0;
	[bflag:$0x2] =	sbarrier.arrive $0xFFFF  }
0x52: {  	[sflag:s0] =	ssyncadd.tile.s32 @!p0 $0x1;
	_ =	shalt  }
.Lfunc_end2:
_tile_overlayer_lowered:
.L_overlay_start_2:
0x53: {  	(tag) =	ssettag $0x2  }
0x54: {  	s0 =	rddreg [dreg:$0x0];
	s2 =	stileid.u32  }
0x55: {  	s1 =	rddreg [dreg:$0x1];
	p0 =	sne.s32 s2, $0x0  }
0x56: {  	s3 =	rddreg [dreg:$0x2];
	[bflag:$0x3] =	sbarrier.arrive $0xFFFF;
	s2 =	simm.s32 @!p0 $0x1C02  }
0x57: {  	[timem:s3], [sflag:s2] =	dma.local @!p0 [hbm:s0], s1  }
0x58: {  	s0 =	simm.s32 @!p0 $0x2  }
0x59: {  	_ =	swait.ge @!p0 [sflag:s0], s1  }
0x5a: {  	s1 =	ssub.s32 @!p0 $0x0, s1;
	[sflag:s0] =	ssyncset.done @!p0 $0x0  }
0x5b: {  	[sflag:s0] =	ssyncadd.s32 @!p0 s1  }
0x5c: {  	[bflag:$0x3] =	sbarrier.arrive $0xFFFF  }
0x5d: {  	_ =	shalt  }

</sc_bundles>
